<compile_context>
chip_gen: v7x
topology: tpu7x:2x2x1
jax: 0.10.2.dev20260603
libtpu: 0.0.44.dev20260713+nightly
codegen_flags: <defaults>
</compile_context>

<pallas_src>
import functools

import jax
import jax.numpy as jnp
from jax import lax
from jax.experimental import pallas as pl
from jax.experimental.pallas import tpu as pltpu
from jax.experimental.pallas import tpu_sc as plsc

N_NODES = 10000
D = 128
NC = 2
NS = 16
NW = NC * NS
C = 128
J = 80
N_PAD = 10240
ROWS_PER_TILE = N_PAD // NS
DW = 16


G = 16
NG = J // G


def _sc_agg_body(with_deg, table, edge3, *refs):
    if with_deg:
        agg_out, deg_out, agg_sh, idxb, rows, deg_v, gsem0, gsem1 = refs
    else:
        agg_out, agg_sh, idxb, rows, gsem0, gsem1 = refs
    cid = lax.axis_index("c")
    sid = lax.axis_index("s")
    wid = sid * NC + cid

    zeros16 = jnp.zeros((16,), jnp.float32)
    ones16 = jnp.ones((16,), jnp.float32)

    @pl.loop(0, C)
    def _(i):
        for k in range(8):
            rows[0, i, pl.ds(k * 16, 16)] = zeros16

    if with_deg:
        @pl.loop(0, N_PAD // 16)
        def _(i):
            deg_v[pl.ds(i * 16, 16)] = zeros16

    base = sid * ROWS_PER_TILE
    for r in range(ROWS_PER_TILE // C):
        pltpu.sync_copy(rows.at[0], agg_sh.at[pl.ds(base + r * C, C)])

    plsc.subcore_barrier()

    sems = (gsem0, gsem1)

    @pl.loop(0, NG)
    def _(g):
        pltpu.sync_copy(edge3.at[wid, g], idxb)
        pltpu.make_async_copy(table.at[idxb.at[0, 0]], rows.at[0], gsem0).start()
        for u in range(G):
            b = u % 2
            pltpu.make_async_copy(table.at[idxb.at[u, 0]], rows.at[b],
                                  sems[b]).wait()
            if u + 1 < G:
                nb = 1 - b
                pltpu.make_async_copy(table.at[idxb.at[u + 1, 0]], rows.at[nb],
                                      sems[nb]).start()
            pltpu.sync_copy(rows.at[b], agg_sh.at[idxb.at[u, 1]], add=True)
            if with_deg:
                for k in range(C // 16):
                    idx = idxb[u, 1, pl.ds(k * 16, 16)]
                    plsc.addupdate_scatter(deg_v, [idx], ones16)

    plsc.subcore_barrier()

    pltpu.sync_copy(agg_sh.at[pl.ds(base, ROWS_PER_TILE)],
                    agg_out.at[cid, pl.ds(base, ROWS_PER_TILE)])
    if with_deg:
        pltpu.sync_copy(deg_v, deg_out.at[wid])


@functools.partial(jax.jit, static_argnames=("with_deg",))
def _sc_agg(table, edge3, with_deg):
    mesh = plsc.VectorSubcoreMesh(core_axis_name="c", subcore_axis_name="s")
    out_type = [jax.ShapeDtypeStruct((NC, N_PAD, D), jnp.float32)]
    scratch = [
        pltpu.VMEM_SHARED((N_PAD, D), jnp.float32),
        pltpu.VMEM((G, 2, C), jnp.int32),
        pltpu.VMEM((2, C, D), jnp.float32),
    ]
    if with_deg:
        out_type.append(jax.ShapeDtypeStruct((NW, N_PAD), jnp.float32))
        scratch.append(pltpu.VMEM((N_PAD,), jnp.float32))
    scratch += [pltpu.SemaphoreType.DMA, pltpu.SemaphoreType.DMA]
    return pl.kernel(
        functools.partial(_sc_agg_body, with_deg),
        out_type=tuple(out_type),
        mesh=mesh,
        scratch_types=scratch,
        compiler_params=pltpu.CompilerParams(needs_layout_passes=False),
    )(table, edge3)


def _tc_layer_body(relu, p_ref, deg_ref, x_ref, wl_ref, wr_ref, b_ref, o_ref):
    agg = p_ref[0] + p_ref[1]
    deg = jnp.sum(deg_ref[...], axis=0)
    deg = jnp.maximum(deg, 1.0)
    agg = agg / deg[:, None]
    out = (jnp.dot(agg, wl_ref[...], preferred_element_type=jnp.float32)
           + jnp.dot(x_ref[...], wr_ref[...], preferred_element_type=jnp.float32)
           + b_ref[...])
    if relu:
        out = jnp.maximum(out, 0.0)
    o_ref[...] = out


BLK = 512


@functools.partial(jax.jit, static_argnames=("relu",))
def _tc_layer(P, degP, x, W_l, W_r, b, relu):
    grid = N_PAD // BLK
    return pl.pallas_call(
        functools.partial(_tc_layer_body, relu),
        grid=(grid,),
        in_specs=[
            pl.BlockSpec((NC, BLK, D), lambda i: (0, i, 0)),
            pl.BlockSpec((NW, BLK), lambda i: (0, i)),
            pl.BlockSpec((BLK, D), lambda i: (i, 0)),
            pl.BlockSpec((D, D), lambda i: (0, 0)),
            pl.BlockSpec((D, D), lambda i: (0, 0)),
            pl.BlockSpec((1, D), lambda i: (0, 0)),
        ],
        out_specs=pl.BlockSpec((BLK, D), lambda i: (i, 0)),
        out_shape=jax.ShapeDtypeStruct((N_PAD, D), jnp.float32),
    )(P, degP, x, W_l, W_r, b.reshape(1, D))


def kernel(x, edge_index, W_l1, W_r1, b1, W_l2, W_r2, b2):
    src = edge_index[0]
    dst = edge_index[1]
    e = src.shape[0]
    pad = NW * J * C - e
    src_p = jnp.concatenate([src, jnp.zeros((pad,), jnp.int32)])
    dst_p = jnp.concatenate([dst, jnp.full((pad,), N_NODES, jnp.int32)])
    src3 = src_p.reshape(NW, J, C)
    dst3 = dst_p.reshape(NW, J, C)
    edge3 = jnp.stack([src3, dst3], axis=2).reshape(NW, NG, G, 2, C)
    x_pad = jnp.pad(x, ((0, N_PAD - N_NODES), (0, 0)))

    P1, degP = _sc_agg(x_pad, edge3, with_deg=True)
    h = _tc_layer(P1, degP, x_pad, W_l1, W_r1, b1, relu=True)
    (P2,) = _sc_agg(h, edge3, with_deg=False)
    out = _tc_layer(P2, degP, h, W_l2, W_r2, b2, relu=False)
    return out[:N_NODES]

# --- scband reference (transcript-rebuilt; emitter-appended) ---
"""Pipeline reference for scband-sageencoder-6854767805210 (READ-ONLY COPY).

The authoritative reference and input builder live on the scoring server;
editing this copy changes nothing except your own understanding.
"""

import jax, jax.numpy as jnp
import numpy as np

N_NODES = 10000
N_EDGES = 320000
D = 128


def _sage_conv(x, src, dst, W_l, W_r, b, n_nodes):
    # PyG SAGEConv (mean aggregation): out = lin_l(mean_j x_j) + lin_r(x_i) + bias
    msgs = jnp.take(x, src, axis=0)
    agg = jax.ops.segment_sum(msgs, dst, num_segments=n_nodes)
    deg = jax.ops.segment_sum(jnp.ones((src.shape[0],), dtype=x.dtype), dst, num_segments=n_nodes)
    deg = jnp.clip(deg, 1.0, None)
    agg = agg / deg[:, None]
    return agg @ W_l + x @ W_r + b


def setup_inputs(seed: int = 0) -> dict:
    key = jax.random.key(seed)
    ks = jax.random.split(key, 10)
    x = jax.random.normal(ks[0], (N_NODES, D), dtype=jnp.float32)
    edge_index = jax.random.randint(ks[1], (2, N_EDGES), 0, N_NODES, dtype=jnp.int32)
    s = 1.0 / np.sqrt(D)
    W_l1 = jax.random.uniform(ks[2], (D, D), dtype=jnp.float32, minval=-s, maxval=s)
    W_r1 = jax.random.uniform(ks[3], (D, D), dtype=jnp.float32, minval=-s, maxval=s)
    b1 = jnp.zeros((D,), dtype=jnp.float32)
    W_l2 = jax.random.uniform(ks[4], (D, D), dtype=jnp.float32, minval=-s, maxval=s)
    W_r2 = jax.random.uniform(ks[5], (D, D), dtype=jnp.float32, minval=-s, maxval=s)
    b2 = jnp.zeros((D,), dtype=jnp.float32)
    return {"x": x, "edge_index": edge_index, "W_l1": W_l1, "W_r1": W_r1, "b1": b1, "W_l2": W_l2, "W_r2": W_r2, "b2": b2}


def reference(x, edge_index, W_l1, W_r1, b1, W_l2, W_r2, b2):
    src = edge_index[0]
    dst = edge_index[1]
    h = _sage_conv(x, src, dst, W_l1, W_r1, b1, N_NODES)
    h = jax.nn.relu(h)
    # dropout p=0.0 (training) -> identity
    out = _sage_conv(h, src, dst, W_l2, W_r2, b2, N_NODES)
    return out

if __name__ == "__main__":
    import jax
    _d = setup_inputs()
    print(jax.jit(kernel)(*tuple(_d.values())))

</pallas_src>

<mosaic_0001>
#map = affine_map<(d0, d1) -> (0, 0)>
#map1 = affine_map<(d0, d1) -> (0, 0, 0, 0, 0)>
#map2 = affine_map<(d0, d1) -> (0, 0, 0)>
module attributes {stable_mosaic.version = 14 : i64} {
  func.func @_sc_agg_body(%arg0: i32, %arg1: i32, %arg2: memref<10240x128xf32, #tpu.memory_space<hbm>>, %arg3: memref<32x5x16x2x128xi32, #tpu.memory_space<hbm>>, %arg4: memref<2x10240x128xf32, #tpu.memory_space<hbm>>, %arg5: memref<32x10240xf32, #tpu.memory_space<hbm>>, %arg6: memref<10240x128xf32, #tpu.memory_space<vmem_shared>>, %arg7: memref<16x2x128xi32, #tpu.memory_space<vmem>>, %arg8: memref<2x128x128xf32, #tpu.memory_space<vmem>>, %arg9: memref<10240xf32, #tpu.memory_space<vmem>>, %arg10: memref<!tpu.dma_semaphore, #tpu.memory_space<semaphore_mem>>, %arg11: memref<!tpu.dma_semaphore, #tpu.memory_space<semaphore_mem>>) attributes {dimension_semantics = [#tpu.dimension_semantics<core_parallel>, #tpu.dimension_semantics<subcore_parallel>], iteration_bounds = array<i64: 2, 16>, scalar_prefetch = 0 : i64, scratch_operands = 6 : i64, tpu.core_type = #tpu.core_type<sc_vector_subcore>, window_params = [{transform_indices = #map}, {transform_indices = #map1}, {transform_indices = #map2}, {transform_indices = #map}]} {
    %mul3A = arith.constant 2 : i32
    %mul3A_0 = arith.muli %arg1, %mul3A : i32
    %add3A = arith.addi %mul3A_0, %arg0 : i32
    %broadcast_in_dim3A = arith.constant 0.000000e+00 : f32
    %broadcast_in_dim3A_1 = vector.broadcast %broadcast_in_dim3A : f32 to vector<16xf32>
    %broadcast_in_dim3A_2 = arith.constant 1.000000e+00 : f32
    %broadcast_in_dim3A_3 = vector.broadcast %broadcast_in_dim3A_2 : f32 to vector<16xf32>
    %scan3A = arith.constant 0 : i32
    %scan3A_4 = arith.constant 128 : i32
    %scan3A_5 = arith.addi %scan3A, %scan3A_4 : i32
    %scan3A_6 = arith.constant 1 : i32
    scf.for %scan3A_35 = %scan3A to %scan3A_5 step %scan3A_6  : i32 {
      %mul3A_36 = arith.constant 1 : i32
      %mul3A_37 = arith.muli %scan3A_35, %mul3A_36 : i32
      %add3A_38 = arith.constant 0 : i32
      %add3A_39 = arith.addi %add3A_38, %mul3A_37 : i32
      %swap3A = arith.constant 0 : i32
      %swap3A_40 = arith.index_cast %swap3A : i32 to index
      %swap3A_41 = arith.index_cast %add3A_39 : i32 to index
      %swap3A_42 = arith.constant 0 : index
      %swap3A_43 = tpu.vector_load %arg8[%swap3A_40, %swap3A_41, %swap3A_42] {strides = array<i32>} : memref<2x128x128xf32, #tpu.memory_space<vmem>>, vector<16xf32>,
      tpu.vector_store %arg8[%swap3A_40, %swap3A_41, %swap3A_42], %broadcast_in_dim3A_1 {strides = array<i32>} : memref<2x128x128xf32, #tpu.memory_space<vmem>>, vector<16xf32>,
      %swap3A_44 = arith.constant 0 : i32
      %swap3A_45 = arith.index_cast %swap3A_44 : i32 to index
      %swap3A_46 = arith.index_cast %add3A_39 : i32 to index
      %swap3A_47 = arith.constant 16 : index
      %swap3A_48 = tpu.vector_load %arg8[%swap3A_45, %swap3A_46, %swap3A_47] {strides = array<i32>} : memref<2x128x128xf32, #tpu.memory_space<vmem>>, vector<16xf32>,
      tpu.vector_store %arg8[%swap3A_45, %swap3A_46, %swap3A_47], %broadcast_in_dim3A_1 {strides = array<i32>} : memref<2x128x128xf32, #tpu.memory_space<vmem>>, vector<16xf32>,
      %swap3A_49 = arith.constant 0 : i32
      %swap3A_50 = arith.index_cast %swap3A_49 : i32 to index
      %swap3A_51 = arith.index_cast %add3A_39 : i32 to index
      %swap3A_52 = arith.constant 32 : index
      %swap3A_53 = tpu.vector_load %arg8[%swap3A_50, %swap3A_51, %swap3A_52] {strides = array<i32>} : memref<2x128x128xf32, #tpu.memory_space<vmem>>, vector<16xf32>,
      tpu.vector_store %arg8[%swap3A_50, %swap3A_51, %swap3A_52], %broadcast_in_dim3A_1 {strides = array<i32>} : memref<2x128x128xf32, #tpu.memory_space<vmem>>, vector<16xf32>,
      %swap3A_54 = arith.constant 0 : i32
      %swap3A_55 = arith.index_cast %swap3A_54 : i32 to index
      %swap3A_56 = arith.index_cast %add3A_39 : i32 to index
      %swap3A_57 = arith.constant 48 : index
      %swap3A_58 = tpu.vector_load %arg8[%swap3A_55, %swap3A_56, %swap3A_57] {strides = array<i32>} : memref<2x128x128xf32, #tpu.memory_space<vmem>>, vector<16xf32>,
      tpu.vector_store %arg8[%swap3A_55, %swap3A_56, %swap3A_57], %broadcast_in_dim3A_1 {strides = array<i32>} : memref<2x128x128xf32, #tpu.memory_space<vmem>>, vector<16xf32>,
      %swap3A_59 = arith.constant 0 : i32
      %swap3A_60 = arith.index_cast %swap3A_59 : i32 to index
      %swap3A_61 = arith.index_cast %add3A_39 : i32 to index
      %swap3A_62 = arith.constant 64 : index
      %swap3A_63 = tpu.vector_load %arg8[%swap3A_60, %swap3A_61, %swap3A_62] {strides = array<i32>} : memref<2x128x128xf32, #tpu.memory_space<vmem>>, vector<16xf32>,
      tpu.vector_store %arg8[%swap3A_60, %swap3A_61, %swap3A_62], %broadcast_in_dim3A_1 {strides = array<i32>} : memref<2x128x128xf32, #tpu.memory_space<vmem>>, vector<16xf32>,
      %swap3A_64 = arith.constant 0 : i32
      %swap3A_65 = arith.index_cast %swap3A_64 : i32 to index
      %swap3A_66 = arith.index_cast %add3A_39 : i32 to index
      %swap3A_67 = arith.constant 80 : index
      %swap3A_68 = tpu.vector_load %arg8[%swap3A_65, %swap3A_66, %swap3A_67] {strides = array<i32>} : memref<2x128x128xf32, #tpu.memory_space<vmem>>, vector<16xf32>,
      tpu.vector_store %arg8[%swap3A_65, %swap3A_66, %swap3A_67], %broadcast_in_dim3A_1 {strides = array<i32>} : memref<2x128x128xf32, #tpu.memory_space<vmem>>, vector<16xf32>,
      %swap3A_69 = arith.constant 0 : i32
      %swap3A_70 = arith.index_cast %swap3A_69 : i32 to index
      %swap3A_71 = arith.index_cast %add3A_39 : i32 to index
      %swap3A_72 = arith.constant 96 : index
      %swap3A_73 = tpu.vector_load %arg8[%swap3A_70, %swap3A_71, %swap3A_72] {strides = array<i32>} : memref<2x128x128xf32, #tpu.memory_space<vmem>>, vector<16xf32>,
      tpu.vector_store %arg8[%swap3A_70, %swap3A_71, %swap3A_72], %broadcast_in_dim3A_1 {strides = array<i32>} : memref<2x128x128xf32, #tpu.memory_space<vmem>>, vector<16xf32>,
      %swap3A_74 = arith.constant 0 : i32
      %swap3A_75 = arith.index_cast %swap3A_74 : i32 to index
      %swap3A_76 = arith.index_cast %add3A_39 : i32 to index
      %swap3A_77 = arith.constant 112 : index
      %swap3A_78 = tpu.vector_load %arg8[%swap3A_75, %swap3A_76, %swap3A_77] {strides = array<i32>} : memref<2x128x128xf32, #tpu.memory_space<vmem>>, vector<16xf32>,
      tpu.vector_store %arg8[%swap3A_75, %swap3A_76, %swap3A_77], %broadcast_in_dim3A_1 {strides = array<i32>} : memref<2x128x128xf32, #tpu.memory_space<vmem>>, vector<16xf32>,
    }
    %scan3A_7 = arith.constant 128 : i32
    %scan3A_8 = arith.constant 0 : i32
    %scan3A_9 = arith.constant 640 : i32
    %scan3A_10 = arith.addi %scan3A_8, %scan3A_9 : i32
    %scan3A_11 = arith.constant 1 : i32
    scf.for %scan3A_35 = %scan3A_8 to %scan3A_10 step %scan3A_11  : i32 {
      %mul3A_36 = arith.constant 1 : i32
      %mul3A_37 = arith.muli %scan3A_35, %mul3A_36 : i32
      %add3A_38 = arith.constant 0 : i32
      %add3A_39 = arith.addi %add3A_38, %mul3A_37 : i32
      %mul3A_40 = arith.constant 16 : i32
      %mul3A_41 = arith.muli %add3A_39, %mul3A_40 : i32
      %swap3A = arith.index_cast %mul3A_41 : i32 to index
      %swap3A_42 = tpu.vector_load %arg9[%swap3A] {strides = array<i32>} : memref<10240xf32, #tpu.memory_space<vmem>>, vector<16xf32>,
      tpu.vector_store %arg9[%swap3A], %broadcast_in_dim3A_1 {strides = array<i32>} : memref<10240xf32, #tpu.memory_space<vmem>>, vector<16xf32>,
    }
    %scan3A_12 = arith.constant 640 : i32
    %mul3A_13 = arith.constant 640 : i32
    %mul3A_14 = arith.muli %arg1, %mul3A_13 : i32
    %add3A_15 = arith.constant 0 : i32
    %add3A_16 = arith.addi %mul3A_14, %add3A_15 : i32
    %run_scoped3A = arith.constant 0 : i32
    "tpu.region"() ({
      %run_scoped3A_35 = tpu.sem_alloc : memref<!tpu.dma_semaphore, #tpu.memory_space<semaphore_mem>>
      %dma_start3A = arith.constant 0 : i32
      %dma_start3A_36 = arith.constant 0 : i32
      %dma_start3A_37 = tpu.memref_slice %arg8[%run_scoped3A, %dma_start3A, %dma_start3A_36] : memref<2x128x128xf32, #tpu.memory_space<vmem>> -> memref<1x128x128xf32, #tpu.memory_space<vmem>>
      %dma_start3A_38 = tpu.memref_squeeze %dma_start3A_37 : memref<1x128x128xf32, #tpu.memory_space<vmem>> -> memref<128x128xf32, #tpu.memory_space<vmem>>
      %dma_start3A_39 = arith.constant 0 : i32
      %dma_start3A_40 = tpu.memref_slice %arg6[%add3A_16, %dma_start3A_39] : memref<10240x128xf32, #tpu.memory_space<vmem_shared>> -> memref<128x128xf32, #tpu.memory_space<vmem_shared>>
      %dma_start3A_41 = arith.constant 0 : i32
      %dma_start3A_42 = tpu.memref_slice %arg6[%add3A_16, %dma_start3A_41] : memref<10240x128xf32, #tpu.memory_space<vmem_shared>> -> memref<128x128xf32, #tpu.memory_space<vmem_shared>>
      %dma_start3A_43 = arith.constant 0 : i32
      %dma_start3A_44 = arith.constant 0 : i32
      %dma_start3A_45 = tpu.memref_slice %arg8[%run_scoped3A, %dma_start3A_43, %dma_start3A_44] : memref<2x128x128xf32, #tpu.memory_space<vmem>> -> memref<1x128x128xf32, #tpu.memory_space<vmem>>
      %dma_start3A_46 = tpu.memref_squeeze %dma_start3A_45 : memref<1x128x128xf32, #tpu.memory_space<vmem>> -> memref<128x128xf32, #tpu.memory_space<vmem>>
      tpu.enqueue_dma source(%dma_start3A_46 : memref<128x128xf32, #tpu.memory_space<vmem>>) target(%dma_start3A_42 : memref<128x128xf32, #tpu.memory_space<vmem_shared>>) target_semaphore(%run_scoped3A_35 : memref<!tpu.dma_semaphore, #tpu.memory_space<semaphore_mem>>)
      %dma_wait3A = arith.constant 0 : i32
      %dma_wait3A_47 = arith.constant 0 : i32
      %dma_wait3A_48 = tpu.memref_slice %arg8[%run_scoped3A, %dma_wait3A, %dma_wait3A_47] : memref<2x128x128xf32, #tpu.memory_space<vmem>> -> memref<1x128x128xf32, #tpu.memory_space<vmem>>
      %dma_wait3A_49 = tpu.memref_squeeze %dma_wait3A_48 : memref<1x128x128xf32, #tpu.memory_space<vmem>> -> memref<128x128xf32, #tpu.memory_space<vmem>>
      %dma_wait3A_50 = arith.constant 0 : i32
      %dma_wait3A_51 = tpu.memref_slice %arg6[%add3A_16, %dma_wait3A_50] : memref<10240x128xf32, #tpu.memory_space<vmem_shared>> -> memref<128x128xf32, #tpu.memory_space<vmem_shared>>
      %dma_wait3A_52 = arith.constant 0 : i32
      %dma_wait3A_53 = tpu.memref_slice %arg6[%add3A_16, %dma_wait3A_52] : memref<10240x128xf32, #tpu.memory_space<vmem_shared>> -> memref<128x128xf32, #tpu.memory_space<vmem_shared>>
      %dma_wait3A_54 = arith.constant 0 : i32
      %dma_wait3A_55 = arith.constant 0 : i32
      %dma_wait3A_56 = tpu.memref_slice %arg8[%run_scoped3A, %dma_wait3A_54, %dma_wait3A_55] : memref<2x128x128xf32, #tpu.memory_space<vmem>> -> memref<1x128x128xf32, #tpu.memory_space<vmem>>
      %dma_wait3A_57 = tpu.memref_squeeze %dma_wait3A_56 : memref<1x128x128xf32, #tpu.memory_space<vmem>> -> memref<128x128xf32, #tpu.memory_space<vmem>>
      tpu.wait_dma2 semaphore(%run_scoped3A_35 : memref<!tpu.dma_semaphore, #tpu.memory_space<semaphore_mem>>) src(%dma_wait3A_57 : memref<128x128xf32, #tpu.memory_space<vmem>>) dst(%dma_wait3A_53 : memref<128x128xf32, #tpu.memory_space<vmem_shared>>)
      tpu.yield
    }) : () -> ()
    %add3A_17 = arith.constant 128 : i32
    %add3A_18 = arith.addi %mul3A_14, %add3A_17 : i32
    %run_scoped3A_19 = arith.constant 0 : i32
    "tpu.region"() ({
      %run_scoped3A_35 = tpu.sem_alloc : memref<!tpu.dma_semaphore, #tpu.memory_space<semaphore_mem>>
      %dma_start3A = arith.constant 0 : i32
      %dma_start3A_36 = arith.constant 0 : i32
      %dma_start3A_37 = tpu.memref_slice %arg8[%run_scoped3A_19, %dma_start3A, %dma_start3A_36] : memref<2x128x128xf32, #tpu.memory_space<vmem>> -> memref<1x128x128xf32, #tpu.memory_space<vmem>>
      %dma_start3A_38 = tpu.memref_squeeze %dma_start3A_37 : memref<1x128x128xf32, #tpu.memory_space<vmem>> -> memref<128x128xf32, #tpu.memory_space<vmem>>
      %dma_start3A_39 = arith.constant 0 : i32
      %dma_start3A_40 = tpu.memref_slice %arg6[%add3A_18, %dma_start3A_39] : memref<10240x128xf32, #tpu.memory_space<vmem_shared>> -> memref<128x128xf32, #tpu.memory_space<vmem_shared>>
      %dma_start3A_41 = arith.constant 0 : i32
      %dma_start3A_42 = tpu.memref_slice %arg6[%add3A_18, %dma_start3A_41] : memref<10240x128xf32, #tpu.memory_space<vmem_shared>> -> memref<128x128xf32, #tpu.memory_space<vmem_shared>>
      %dma_start3A_43 = arith.constant 0 : i32
      %dma_start3A_44 = arith.constant 0 : i32
      %dma_start3A_45 = tpu.memref_slice %arg8[%run_scoped3A_19, %dma_start3A_43, %dma_start3A_44] : memref<2x128x128xf32, #tpu.memory_space<vmem>> -> memref<1x128x128xf32, #tpu.memory_space<vmem>>
      %dma_start3A_46 = tpu.memref_squeeze %dma_start3A_45 : memref<1x128x128xf32, #tpu.memory_space<vmem>> -> memref<128x128xf32, #tpu.memory_space<vmem>>
      tpu.enqueue_dma source(%dma_start3A_46 : memref<128x128xf32, #tpu.memory_space<vmem>>) target(%dma_start3A_42 : memref<128x128xf32, #tpu.memory_space<vmem_shared>>) target_semaphore(%run_scoped3A_35 : memref<!tpu.dma_semaphore, #tpu.memory_space<semaphore_mem>>)
      %dma_wait3A = arith.constant 0 : i32
      %dma_wait3A_47 = arith.constant 0 : i32
      %dma_wait3A_48 = tpu.memref_slice %arg8[%run_scoped3A_19, %dma_wait3A, %dma_wait3A_47] : memref<2x128x128xf32, #tpu.memory_space<vmem>> -> memref<1x128x128xf32, #tpu.memory_space<vmem>>
      %dma_wait3A_49 = tpu.memref_squeeze %dma_wait3A_48 : memref<1x128x128xf32, #tpu.memory_space<vmem>> -> memref<128x128xf32, #tpu.memory_space<vmem>>
      %dma_wait3A_50 = arith.constant 0 : i32
      %dma_wait3A_51 = tpu.memref_slice %arg6[%add3A_18, %dma_wait3A_50] : memref<10240x128xf32, #tpu.memory_space<vmem_shared>> -> memref<128x128xf32, #tpu.memory_space<vmem_shared>>
      %dma_wait3A_52 = arith.constant 0 : i32
      %dma_wait3A_53 = tpu.memref_slice %arg6[%add3A_18, %dma_wait3A_52] : memref<10240x128xf32, #tpu.memory_space<vmem_shared>> -> memref<128x128xf32, #tpu.memory_space<vmem_shared>>
      %dma_wait3A_54 = arith.constant 0 : i32
      %dma_wait3A_55 = arith.constant 0 : i32
      %dma_wait3A_56 = tpu.memref_slice %arg8[%run_scoped3A_19, %dma_wait3A_54, %dma_wait3A_55] : memref<2x128x128xf32, #tpu.memory_space<vmem>> -> memref<1x128x128xf32, #tpu.memory_space<vmem>>
      %dma_wait3A_57 = tpu.memref_squeeze %dma_wait3A_56 : memref<1x128x128xf32, #tpu.memory_space<vmem>> -> memref<128x128xf32, #tpu.memory_space<vmem>>
      tpu.wait_dma2 semaphore(%run_scoped3A_35 : memref<!tpu.dma_semaphore, #tpu.memory_space<semaphore_mem>>) src(%dma_wait3A_57 : memref<128x128xf32, #tpu.memory_space<vmem>>) dst(%dma_wait3A_53 : memref<128x128xf32, #tpu.memory_space<vmem_shared>>)
      tpu.yield
    }) : () -> ()
    %add3A_20 = arith.constant 256 : i32
    %add3A_21 = arith.addi %mul3A_14, %add3A_20 : i32
    %run_scoped3A_22 = arith.constant 0 : i32
    "tpu.region"() ({
      %run_scoped3A_35 = tpu.sem_alloc : memref<!tpu.dma_semaphore, #tpu.memory_space<semaphore_mem>>
      %dma_start3A = arith.constant 0 : i32
      %dma_start3A_36 = arith.constant 0 : i32
      %dma_start3A_37 = tpu.memref_slice %arg8[%run_scoped3A_22, %dma_start3A, %dma_start3A_36] : memref<2x128x128xf32, #tpu.memory_space<vmem>> -> memref<1x128x128xf32, #tpu.memory_space<vmem>>
      %dma_start3A_38 = tpu.memref_squeeze %dma_start3A_37 : memref<1x128x128xf32, #tpu.memory_space<vmem>> -> memref<128x128xf32, #tpu.memory_space<vmem>>
      %dma_start3A_39 = arith.constant 0 : i32
      %dma_start3A_40 = tpu.memref_slice %arg6[%add3A_21, %dma_start3A_39] : memref<10240x128xf32, #tpu.memory_space<vmem_shared>> -> memref<128x128xf32, #tpu.memory_space<vmem_shared>>
      %dma_start3A_41 = arith.constant 0 : i32
      %dma_start3A_42 = tpu.memref_slice %arg6[%add3A_21, %dma_start3A_41] : memref<10240x128xf32, #tpu.memory_space<vmem_shared>> -> memref<128x128xf32, #tpu.memory_space<vmem_shared>>
      %dma_start3A_43 = arith.constant 0 : i32
      %dma_start3A_44 = arith.constant 0 : i32
      %dma_start3A_45 = tpu.memref_slice %arg8[%run_scoped3A_22, %dma_start3A_43, %dma_start3A_44] : memref<2x128x128xf32, #tpu.memory_space<vmem>> -> memref<1x128x128xf32, #tpu.memory_space<vmem>>
      %dma_start3A_46 = tpu.memref_squeeze %dma_start3A_45 : memref<1x128x128xf32, #tpu.memory_space<vmem>> -> memref<128x128xf32, #tpu.memory_space<vmem>>
      tpu.enqueue_dma source(%dma_start3A_46 : memref<128x128xf32, #tpu.memory_space<vmem>>) target(%dma_start3A_42 : memref<128x128xf32, #tpu.memory_space<vmem_shared>>) target_semaphore(%run_scoped3A_35 : memref<!tpu.dma_semaphore, #tpu.memory_space<semaphore_mem>>)
      %dma_wait3A = arith.constant 0 : i32
      %dma_wait3A_47 = arith.constant 0 : i32
      %dma_wait3A_48 = tpu.memref_slice %arg8[%run_scoped3A_22, %dma_wait3A, %dma_wait3A_47] : memref<2x128x128xf32, #tpu.memory_space<vmem>> -> memref<1x128x128xf32, #tpu.memory_space<vmem>>
      %dma_wait3A_49 = tpu.memref_squeeze %dma_wait3A_48 : memref<1x128x128xf32, #tpu.memory_space<vmem>> -> memref<128x128xf32, #tpu.memory_space<vmem>>
      %dma_wait3A_50 = arith.constant 0 : i32
      %dma_wait3A_51 = tpu.memref_slice %arg6[%add3A_21, %dma_wait3A_50] : memref<10240x128xf32, #tpu.memory_space<vmem_shared>> -> memref<128x128xf32, #tpu.memory_space<vmem_shared>>
      %dma_wait3A_52 = arith.constant 0 : i32
      %dma_wait3A_53 = tpu.memref_slice %arg6[%add3A_21, %dma_wait3A_52] : memref<10240x128xf32, #tpu.memory_space<vmem_shared>> -> memref<128x128xf32, #tpu.memory_space<vmem_shared>>
      %dma_wait3A_54 = arith.constant 0 : i32
      %dma_wait3A_55 = arith.constant 0 : i32
      %dma_wait3A_56 = tpu.memref_slice %arg8[%run_scoped3A_22, %dma_wait3A_54, %dma_wait3A_55] : memref<2x128x128xf32, #tpu.memory_space<vmem>> -> memref<1x128x128xf32, #tpu.memory_space<vmem>>
      %dma_wait3A_57 = tpu.memref_squeeze %dma_wait3A_56 : memref<1x128x128xf32, #tpu.memory_space<vmem>> -> memref<128x128xf32, #tpu.memory_space<vmem>>
      tpu.wait_dma2 semaphore(%run_scoped3A_35 : memref<!tpu.dma_semaphore, #tpu.memory_space<semaphore_mem>>) src(%dma_wait3A_57 : memref<128x128xf32, #tpu.memory_space<vmem>>) dst(%dma_wait3A_53 : memref<128x128xf32, #tpu.memory_space<vmem_shared>>)
      tpu.yield
    }) : () -> ()
    %add3A_23 = arith.constant 384 : i32
    %add3A_24 = arith.addi %mul3A_14, %add3A_23 : i32
    %run_scoped3A_25 = arith.constant 0 : i32
    "tpu.region"() ({
      %run_scoped3A_35 = tpu.sem_alloc : memref<!tpu.dma_semaphore, #tpu.memory_space<semaphore_mem>>
      %dma_start3A = arith.constant 0 : i32
      %dma_start3A_36 = arith.constant 0 : i32
      %dma_start3A_37 = tpu.memref_slice %arg8[%run_scoped3A_25, %dma_start3A, %dma_start3A_36] : memref<2x128x128xf32, #tpu.memory_space<vmem>> -> memref<1x128x128xf32, #tpu.memory_space<vmem>>
      %dma_start3A_38 = tpu.memref_squeeze %dma_start3A_37 : memref<1x128x128xf32, #tpu.memory_space<vmem>> -> memref<128x128xf32, #tpu.memory_space<vmem>>
      %dma_start3A_39 = arith.constant 0 : i32
      %dma_start3A_40 = tpu.memref_slice %arg6[%add3A_24, %dma_start3A_39] : memref<10240x128xf32, #tpu.memory_space<vmem_shared>> -> memref<128x128xf32, #tpu.memory_space<vmem_shared>>
      %dma_start3A_41 = arith.constant 0 : i32
      %dma_start3A_42 = tpu.memref_slice %arg6[%add3A_24, %dma_start3A_41] : memref<10240x128xf32, #tpu.memory_space<vmem_shared>> -> memref<128x128xf32, #tpu.memory_space<vmem_shared>>
      %dma_start3A_43 = arith.constant 0 : i32
      %dma_start3A_44 = arith.constant 0 : i32
      %dma_start3A_45 = tpu.memref_slice %arg8[%run_scoped3A_25, %dma_start3A_43, %dma_start3A_44] : memref<2x128x128xf32, #tpu.memory_space<vmem>> -> memref<1x128x128xf32, #tpu.memory_space<vmem>>
      %dma_start3A_46 = tpu.memref_squeeze %dma_start3A_45 : memref<1x128x128xf32, #tpu.memory_space<vmem>> -> memref<128x128xf32, #tpu.memory_space<vmem>>
      tpu.enqueue_dma source(%dma_start3A_46 : memref<128x128xf32, #tpu.memory_space<vmem>>) target(%dma_start3A_42 : memref<128x128xf32, #tpu.memory_space<vmem_shared>>) target_semaphore(%run_scoped3A_35 : memref<!tpu.dma_semaphore, #tpu.memory_space<semaphore_mem>>)
      %dma_wait3A = arith.constant 0 : i32
      %dma_wait3A_47 = arith.constant 0 : i32
      %dma_wait3A_48 = tpu.memref_slice %arg8[%run_scoped3A_25, %dma_wait3A, %dma_wait3A_47] : memref<2x128x128xf32, #tpu.memory_space<vmem>> -> memref<1x128x128xf32, #tpu.memory_space<vmem>>
      %dma_wait3A_49 = tpu.memref_squeeze %dma_wait3A_48 : memref<1x128x128xf32, #tpu.memory_space<vmem>> -> memref<128x128xf32, #tpu.memory_space<vmem>>
      %dma_wait3A_50 = arith.constant 0 : i32
      %dma_wait3A_51 = tpu.memref_slice %arg6[%add3A_24, %dma_wait3A_50] : memref<10240x128xf32, #tpu.memory_space<vmem_shared>> -> memref<128x128xf32, #tpu.memory_space<vmem_shared>>
      %dma_wait3A_52 = arith.constant 0 : i32
      %dma_wait3A_53 = tpu.memref_slice %arg6[%add3A_24, %dma_wait3A_52] : memref<10240x128xf32, #tpu.memory_space<vmem_shared>> -> memref<128x128xf32, #tpu.memory_space<vmem_shared>>
      %dma_wait3A_54 = arith.constant 0 : i32
      %dma_wait3A_55 = arith.constant 0 : i32
      %dma_wait3A_56 = tpu.memref_slice %arg8[%run_scoped3A_25, %dma_wait3A_54, %dma_wait3A_55] : memref<2x128x128xf32, #tpu.memory_space<vmem>> -> memref<1x128x128xf32, #tpu.memory_space<vmem>>
      %dma_wait3A_57 = tpu.memref_squeeze %dma_wait3A_56 : memref<1x128x128xf32, #tpu.memory_space<vmem>> -> memref<128x128xf32, #tpu.memory_space<vmem>>
      tpu.wait_dma2 semaphore(%run_scoped3A_35 : memref<!tpu.dma_semaphore, #tpu.memory_space<semaphore_mem>>) src(%dma_wait3A_57 : memref<128x128xf32, #tpu.memory_space<vmem>>) dst(%dma_wait3A_53 : memref<128x128xf32, #tpu.memory_space<vmem_shared>>)
      tpu.yield
    }) : () -> ()
    %add3A_26 = arith.constant 512 : i32
    %add3A_27 = arith.addi %mul3A_14, %add3A_26 : i32
    %run_scoped3A_28 = arith.constant 0 : i32
    "tpu.region"() ({
      %run_scoped3A_35 = tpu.sem_alloc : memref<!tpu.dma_semaphore, #tpu.memory_space<semaphore_mem>>
      %dma_start3A = arith.constant 0 : i32
      %dma_start3A_36 = arith.constant 0 : i32
      %dma_start3A_37 = tpu.memref_slice %arg8[%run_scoped3A_28, %dma_start3A, %dma_start3A_36] : memref<2x128x128xf32, #tpu.memory_space<vmem>> -> memref<1x128x128xf32, #tpu.memory_space<vmem>>
      %dma_start3A_38 = tpu.memref_squeeze %dma_start3A_37 : memref<1x128x128xf32, #tpu.memory_space<vmem>> -> memref<128x128xf32, #tpu.memory_space<vmem>>
      %dma_start3A_39 = arith.constant 0 : i32
      %dma_start3A_40 = tpu.memref_slice %arg6[%add3A_27, %dma_start3A_39] : memref<10240x128xf32, #tpu.memory_space<vmem_shared>> -> memref<128x128xf32, #tpu.memory_space<vmem_shared>>
      %dma_start3A_41 = arith.constant 0 : i32
      %dma_start3A_42 = tpu.memref_slice %arg6[%add3A_27, %dma_start3A_41] : memref<10240x128xf32, #tpu.memory_space<vmem_shared>> -> memref<128x128xf32, #tpu.memory_space<vmem_shared>>
      %dma_start3A_43 = arith.constant 0 : i32
      %dma_start3A_44 = arith.constant 0 : i32
      %dma_start3A_45 = tpu.memref_slice %arg8[%run_scoped3A_28, %dma_start3A_43, %dma_start3A_44] : memref<2x128x128xf32, #tpu.memory_space<vmem>> -> memref<1x128x128xf32, #tpu.memory_space<vmem>>
      %dma_start3A_46 = tpu.memref_squeeze %dma_start3A_45 : memref<1x128x128xf32, #tpu.memory_space<vmem>> -> memref<128x128xf32, #tpu.memory_space<vmem>>
      tpu.enqueue_dma source(%dma_start3A_46 : memref<128x128xf32, #tpu.memory_space<vmem>>) target(%dma_start3A_42 : memref<128x128xf32, #tpu.memory_space<vmem_shared>>) target_semaphore(%run_scoped3A_35 : memref<!tpu.dma_semaphore, #tpu.memory_space<semaphore_mem>>)
      %dma_wait3A = arith.constant 0 : i32
      %dma_wait3A_47 = arith.constant 0 : i32
      %dma_wait3A_48 = tpu.memref_slice %arg8[%run_scoped3A_28, %dma_wait3A, %dma_wait3A_47] : memref<2x128x128xf32, #tpu.memory_space<vmem>> -> memref<1x128x128xf32, #tpu.memory_space<vmem>>
      %dma_wait3A_49 = tpu.memref_squeeze %dma_wait3A_48 : memref<1x128x128xf32, #tpu.memory_space<vmem>> -> memref<128x128xf32, #tpu.memory_space<vmem>>
      %dma_wait3A_50 = arith.constant 0 : i32
      %dma_wait3A_51 = tpu.memref_slice %arg6[%add3A_27, %dma_wait3A_50] : memref<10240x128xf32, #tpu.memory_space<vmem_shared>> -> memref<128x128xf32, #tpu.memory_space<vmem_shared>>
      %dma_wait3A_52 = arith.constant 0 : i32
      %dma_wait3A_53 = tpu.memref_slice %arg6[%add3A_27, %dma_wait3A_52] : memref<10240x128xf32, #tpu.memory_space<vmem_shared>> -> memref<128x128xf32, #tpu.memory_space<vmem_shared>>
      %dma_wait3A_54 = arith.constant 0 : i32
      %dma_wait3A_55 = arith.constant 0 : i32
      %dma_wait3A_56 = tpu.memref_slice %arg8[%run_scoped3A_28, %dma_wait3A_54, %dma_wait3A_55] : memref<2x128x128xf32, #tpu.memory_space<vmem>> -> memref<1x128x128xf32, #tpu.memory_space<vmem>>
      %dma_wait3A_57 = tpu.memref_squeeze %dma_wait3A_56 : memref<1x128x128xf32, #tpu.memory_space<vmem>> -> memref<128x128xf32, #tpu.memory_space<vmem>>
      tpu.wait_dma2 semaphore(%run_scoped3A_35 : memref<!tpu.dma_semaphore, #tpu.memory_space<semaphore_mem>>) src(%dma_wait3A_57 : memref<128x128xf32, #tpu.memory_space<vmem>>) dst(%dma_wait3A_53 : memref<128x128xf32, #tpu.memory_space<vmem_shared>>)
      tpu.yield
    }) : () -> ()
    %barrier3A = arith.constant 0 : index
    tpu.barrier barrier_id(%barrier3A)
    %scan3A_29 = arith.constant 0 : i32
    %scan3A_30 = arith.constant 5 : i32
    %scan3A_31 = arith.addi %scan3A_29, %scan3A_30 : i32
    %scan3A_32 = arith.constant 1 : i32
    scf.for %scan3A_35 = %scan3A_29 to %scan3A_31 step %scan3A_32  : i32 {
      %mul3A_36 = arith.constant 1 : i32
      %mul3A_37 = arith.muli %scan3A_35, %mul3A_36 : i32
      %add3A_38 = arith.constant 0 : i32
      %add3A_39 = arith.addi %add3A_38, %mul3A_37 : i32
      "tpu.region"() ({
        %run_scoped3A_1269 = tpu.sem_alloc : memref<!tpu.dma_semaphore, #tpu.memory_space<semaphore_mem>>
        %dma_start3A_1270 = arith.constant 0 : i32
        %dma_start3A_1271 = arith.constant 0 : i32
        %dma_start3A_1272 = arith.constant 0 : i32
        %dma_start3A_1273 = tpu.memref_slice %arg3[%add3A, %add3A_39, %dma_start3A_1270, %dma_start3A_1271, %dma_start3A_1272] : memref<32x5x16x2x128xi32, #tpu.memory_space<hbm>> -> memref<1x1x16x2x128xi32, #tpu.memory_space<hbm>>
        %dma_start3A_1274 = tpu.memref_squeeze %dma_start3A_1273 : memref<1x1x16x2x128xi32, #tpu.memory_space<hbm>> -> memref<16x2x128xi32, #tpu.memory_space<hbm>>
        %dma_start3A_1275 = arith.constant 0 : i32
        %dma_start3A_1276 = arith.constant 0 : i32
        %dma_start3A_1277 = arith.constant 0 : i32
        %dma_start3A_1278 = tpu.memref_slice %arg3[%add3A, %add3A_39, %dma_start3A_1275, %dma_start3A_1276, %dma_start3A_1277] : memref<32x5x16x2x128xi32, #tpu.memory_space<hbm>> -> memref<1x1x16x2x128xi32, #tpu.memory_space<hbm>>
        %dma_start3A_1279 = tpu.memref_squeeze %dma_start3A_1278 : memref<1x1x16x2x128xi32, #tpu.memory_space<hbm>> -> memref<16x2x128xi32, #tpu.memory_space<hbm>>
        tpu.enqueue_dma source(%dma_start3A_1279 : memref<16x2x128xi32, #tpu.memory_space<hbm>>) target(%arg7 : memref<16x2x128xi32, #tpu.memory_space<vmem>>) target_semaphore(%run_scoped3A_1269 : memref<!tpu.dma_semaphore, #tpu.memory_space<semaphore_mem>>)
        %dma_wait3A_1280 = arith.constant 0 : i32
        %dma_wait3A_1281 = arith.constant 0 : i32
        %dma_wait3A_1282 = arith.constant 0 : i32
        %dma_wait3A_1283 = tpu.memref_slice %arg3[%add3A, %add3A_39, %dma_wait3A_1280, %dma_wait3A_1281, %dma_wait3A_1282] : memref<32x5x16x2x128xi32, #tpu.memory_space<hbm>> -> memref<1x1x16x2x128xi32, #tpu.memory_space<hbm>>
        %dma_wait3A_1284 = tpu.memref_squeeze %dma_wait3A_1283 : memref<1x1x16x2x128xi32, #tpu.memory_space<hbm>> -> memref<16x2x128xi32, #tpu.memory_space<hbm>>
        %dma_wait3A_1285 = arith.constant 0 : i32
        %dma_wait3A_1286 = arith.constant 0 : i32
        %dma_wait3A_1287 = arith.constant 0 : i32
        %dma_wait3A_1288 = tpu.memref_slice %arg3[%add3A, %add3A_39, %dma_wait3A_1285, %dma_wait3A_1286, %dma_wait3A_1287] : memref<32x5x16x2x128xi32, #tpu.memory_space<hbm>> -> memref<1x1x16x2x128xi32, #tpu.memory_space<hbm>>
        %dma_wait3A_1289 = tpu.memref_squeeze %dma_wait3A_1288 : memref<1x1x16x2x128xi32, #tpu.memory_space<hbm>> -> memref<16x2x128xi32, #tpu.memory_space<hbm>>
        tpu.wait_dma2 semaphore(%run_scoped3A_1269 : memref<!tpu.dma_semaphore, #tpu.memory_space<semaphore_mem>>) src(%dma_wait3A_1289 : memref<16x2x128xi32, #tpu.memory_space<hbm>>) dst(%arg7 : memref<16x2x128xi32, #tpu.memory_space<vmem>>)
        tpu.yield
      }) : () -> ()
      %dma_start3A = arith.constant 0 : i32
      %dma_start3A_40 = arith.constant 0 : i32
      %dma_start3A_41 = arith.constant 0 : i32
      %dma_start3A_42 = arith.constant 0 : i32
      %dma_start3A_43 = arith.constant 0 : i32
      %dma_start3A_44 = tpu.memref_slice %arg8[%dma_start3A_41, %dma_start3A_42, %dma_start3A_43] : memref<2x128x128xf32, #tpu.memory_space<vmem>> -> memref<1x128x128xf32, #tpu.memory_space<vmem>>
      %dma_start3A_45 = tpu.memref_squeeze %dma_start3A_44 : memref<1x128x128xf32, #tpu.memory_space<vmem>> -> memref<128x128xf32, #tpu.memory_space<vmem>>
      %dma_start3A_46 = arith.constant 0 : i32
      %dma_start3A_47 = tpu.memref_slice %arg7[%dma_start3A, %dma_start3A_40, %dma_start3A_46] : memref<16x2x128xi32, #tpu.memory_space<vmem>> -> memref<1x1x128xi32, #tpu.memory_space<vmem>>
      %dma_start3A_48 = tpu.memref_squeeze %dma_start3A_47 : memref<1x1x128xi32, #tpu.memory_space<vmem>> -> memref<128xi32, #tpu.memory_space<vmem>>
      %dma_start3A_49 = arith.constant 0 : i32
      %dma_start3A_50 = arith.constant 0 : i32
      %dma_start3A_51 = tpu.memref_slice %arg2[%dma_start3A_49, %dma_start3A_50] : memref<10240x128xf32, #tpu.memory_space<hbm>> -> memref<10240x128xf32, #tpu.memory_space<hbm>>
      tpu.enqueue_indirect_dma source(%dma_start3A_51 : memref<10240x128xf32, #tpu.memory_space<hbm>>) target(%dma_start3A_45 : memref<128x128xf32, #tpu.memory_space<vmem>>) offsets(%dma_start3A_48 : memref<128xi32, #tpu.memory_space<vmem>>) semaphore(%arg10 : memref<!tpu.dma_semaphore, #tpu.memory_space<semaphore_mem>>)
      %dma_wait3A = arith.constant 0 : i32
      %dma_wait3A_52 = arith.constant 0 : i32
      %dma_wait3A_53 = arith.constant 0 : i32
      %dma_wait3A_54 = arith.constant 0 : i32
      %dma_wait3A_55 = arith.constant 0 : i32
      %dma_wait3A_56 = tpu.memref_slice %arg8[%dma_wait3A_53, %dma_wait3A_54, %dma_wait3A_55] : memref<2x128x128xf32, #tpu.memory_space<vmem>> -> memref<1x128x128xf32, #tpu.memory_space<vmem>>
      %dma_wait3A_57 = tpu.memref_squeeze %dma_wait3A_56 : memref<1x128x128xf32, #tpu.memory_space<vmem>> -> memref<128x128xf32, #tpu.memory_space<vmem>>
      %dma_wait3A_58 = arith.constant 0 : i32
      %dma_wait3A_59 = tpu.memref_slice %arg7[%dma_wait3A, %dma_wait3A_52, %dma_wait3A_58] : memref<16x2x128xi32, #tpu.memory_space<vmem>> -> memref<1x1x128xi32, #tpu.memory_space<vmem>>
      %dma_wait3A_60 = tpu.memref_squeeze %dma_wait3A_59 : memref<1x1x128xi32, #tpu.memory_space<vmem>> -> memref<128xi32, #tpu.memory_space<vmem>>
      %dma_wait3A_61 = arith.constant 0 : i32
      %dma_wait3A_62 = arith.constant 0 : i32
      %dma_wait3A_63 = tpu.memref_slice %arg2[%dma_wait3A_61, %dma_wait3A_62] : memref<10240x128xf32, #tpu.memory_space<hbm>> -> memref<10240x128xf32, #tpu.memory_space<hbm>>
      tpu.wait_indirect_dma semaphore(%arg10 : memref<!tpu.dma_semaphore, #tpu.memory_space<semaphore_mem>>) src(%dma_wait3A_63 : memref<10240x128xf32, #tpu.memory_space<hbm>>) dst(%dma_wait3A_57 : memref<128x128xf32, #tpu.memory_space<vmem>>)
      %dma_start3A_64 = arith.constant 1 : i32
      %dma_start3A_65 = arith.constant 0 : i32
      %dma_start3A_66 = arith.constant 1 : i32
      %dma_start3A_67 = arith.constant 0 : i32
      %dma_start3A_68 = arith.constant 0 : i32
      %dma_start3A_69 = tpu.memref_slice %arg8[%dma_start3A_66, %dma_start3A_67, %dma_start3A_68] : memref<2x128x128xf32, #tpu.memory_space<vmem>> -> memref<1x128x128xf32, #tpu.memory_space<vmem>>
      %dma_start3A_70 = tpu.memref_squeeze %dma_start3A_69 : memref<1x128x128xf32, #tpu.memory_space<vmem>> -> memref<128x128xf32, #tpu.memory_space<vmem>>
      %dma_start3A_71 = arith.constant 0 : i32
      %dma_start3A_72 = tpu.memref_slice %arg7[%dma_start3A_64, %dma_start3A_65, %dma_start3A_71] : memref<16x2x128xi32, #tpu.memory_space<vmem>> -> memref<1x1x128xi32, #tpu.memory_space<vmem>>
      %dma_start3A_73 = tpu.memref_squeeze %dma_start3A_72 : memref<1x1x128xi32, #tpu.memory_space<vmem>> -> memref<128xi32, #tpu.memory_space<vmem>>
      %dma_start3A_74 = arith.constant 0 : i32
      %dma_start3A_75 = arith.constant 0 : i32
      %dma_start3A_76 = tpu.memref_slice %arg2[%dma_start3A_74, %dma_start3A_75] : memref<10240x128xf32, #tpu.memory_space<hbm>> -> memref<10240x128xf32, #tpu.memory_space<hbm>>
      tpu.enqueue_indirect_dma source(%dma_start3A_76 : memref<10240x128xf32, #tpu.memory_space<hbm>>) target(%dma_start3A_70 : memref<128x128xf32, #tpu.memory_space<vmem>>) offsets(%dma_start3A_73 : memref<128xi32, #tpu.memory_space<vmem>>) semaphore(%arg11 : memref<!tpu.dma_semaphore, #tpu.memory_space<semaphore_mem>>)
      %run_scoped3A_77 = arith.constant 0 : i32
      %run_scoped3A_78 = arith.constant 0 : i32
      %run_scoped3A_79 = arith.constant 1 : i32
      "tpu.region"() ({
        %run_scoped3A_1269 = tpu.sem_alloc : memref<!tpu.dma_semaphore, #tpu.memory_space<semaphore_mem>>
        %dma_start3A_1270 = arith.constant 0 : i32
        %dma_start3A_1271 = arith.constant 0 : i32
        %dma_start3A_1272 = tpu.memref_slice %arg8[%run_scoped3A_77, %dma_start3A_1270, %dma_start3A_1271] : memref<2x128x128xf32, #tpu.memory_space<vmem>> -> memref<1x128x128xf32, #tpu.memory_space<vmem>>
        %dma_start3A_1273 = tpu.memref_squeeze %dma_start3A_1272 : memref<1x128x128xf32, #tpu.memory_space<vmem>> -> memref<128x128xf32, #tpu.memory_space<vmem>>
        %dma_start3A_1274 = arith.constant 0 : i32
        %dma_start3A_1275 = tpu.memref_slice %arg7[%run_scoped3A_78, %run_scoped3A_79, %dma_start3A_1274] : memref<16x2x128xi32, #tpu.memory_space<vmem>> -> memref<1x1x128xi32, #tpu.memory_space<vmem>>
        %dma_start3A_1276 = tpu.memref_squeeze %dma_start3A_1275 : memref<1x1x128xi32, #tpu.memory_space<vmem>> -> memref<128xi32, #tpu.memory_space<vmem>>
        %dma_start3A_1277 = arith.constant 0 : i32
        %dma_start3A_1278 = arith.constant 0 : i32
        %dma_start3A_1279 = tpu.memref_slice %arg6[%dma_start3A_1277, %dma_start3A_1278] : memref<10240x128xf32, #tpu.memory_space<vmem_shared>> -> memref<10240x128xf32, #tpu.memory_space<vmem_shared>>
        tpu.enqueue_indirect_dma source(%dma_start3A_1273 : memref<128x128xf32, #tpu.memory_space<vmem>>) target(%dma_start3A_1279 : memref<10240x128xf32, #tpu.memory_space<vmem_shared>>) offsets(%dma_start3A_1276 : memref<128xi32, #tpu.memory_space<vmem>>) semaphore(%run_scoped3A_1269 : memref<!tpu.dma_semaphore, #tpu.memory_space<semaphore_mem>>) {add = true}
        %dma_wait3A_1280 = arith.constant 0 : i32
        %dma_wait3A_1281 = arith.constant 0 : i32
        %dma_wait3A_1282 = tpu.memref_slice %arg8[%run_scoped3A_77, %dma_wait3A_1280, %dma_wait3A_1281] : memref<2x128x128xf32, #tpu.memory_space<vmem>> -> memref<1x128x128xf32, #tpu.memory_space<vmem>>
        %dma_wait3A_1283 = tpu.memref_squeeze %dma_wait3A_1282 : memref<1x128x128xf32, #tpu.memory_space<vmem>> -> memref<128x128xf32, #tpu.memory_space<vmem>>
        %dma_wait3A_1284 = arith.constant 0 : i32
        %dma_wait3A_1285 = tpu.memref_slice %arg7[%run_scoped3A_78, %run_scoped3A_79, %dma_wait3A_1284] : memref<16x2x128xi32, #tpu.memory_space<vmem>> -> memref<1x1x128xi32, #tpu.memory_space<vmem>>
        %dma_wait3A_1286 = tpu.memref_squeeze %dma_wait3A_1285 : memref<1x1x128xi32, #tpu.memory_space<vmem>> -> memref<128xi32, #tpu.memory_space<vmem>>
        %dma_wait3A_1287 = arith.constant 0 : i32
        %dma_wait3A_1288 = arith.constant 0 : i32
        %dma_wait3A_1289 = tpu.memref_slice %arg6[%dma_wait3A_1287, %dma_wait3A_1288] : memref<10240x128xf32, #tpu.memory_space<vmem_shared>> -> memref<10240x128xf32, #tpu.memory_space<vmem_shared>>
        tpu.wait_indirect_dma semaphore(%run_scoped3A_1269 : memref<!tpu.dma_semaphore, #tpu.memory_space<semaphore_mem>>) src(%dma_wait3A_1283 : memref<128x128xf32, #tpu.memory_space<vmem>>) dst(%dma_wait3A_1289 : memref<10240x128xf32, #tpu.memory_space<vmem_shared>>)
        tpu.yield
      }) : () -> ()
      %get3A = arith.constant 0 : i32
      %get3A_80 = arith.constant 1 : i32
      %get3A_81 = arith.index_cast %get3A : i32 to index
      %get3A_82 = arith.index_cast %get3A_80 : i32 to index
      %get3A_83 = arith.constant 0 : index
      %get3A_84 = tpu.vector_load %arg7[%get3A_81, %get3A_82, %get3A_83] {strides = array<i32>} : memref<16x2x128xi32, #tpu.memory_space<vmem>>, vector<16xi32>,
      tpu.vector_store_idx %arg9[%get3A_84], %broadcast_in_dim3A_3 {add = true} : memref<10240xf32, #tpu.memory_space<vmem>>[vector<16xi32>], vector<16xf32>,
      %get3A_85 = arith.constant 0 : i32
      %get3A_86 = arith.constant 1 : i32
      %get3A_87 = arith.index_cast %get3A_85 : i32 to index
      %get3A_88 = arith.index_cast %get3A_86 : i32 to index
      %get3A_89 = arith.constant 16 : index
      %get3A_90 = tpu.vector_load %arg7[%get3A_87, %get3A_88, %get3A_89] {strides = array<i32>} : memref<16x2x128xi32, #tpu.memory_space<vmem>>, vector<16xi32>,
      tpu.vector_store_idx %arg9[%get3A_90], %broadcast_in_dim3A_3 {add = true} : memref<10240xf32, #tpu.memory_space<vmem>>[vector<16xi32>], vector<16xf32>,
      %get3A_91 = arith.constant 0 : i32
      %get3A_92 = arith.constant 1 : i32
      %get3A_93 = arith.index_cast %get3A_91 : i32 to index
      %get3A_94 = arith.index_cast %get3A_92 : i32 to index
      %get3A_95 = arith.constant 32 : index
      %get3A_96 = tpu.vector_load %arg7[%get3A_93, %get3A_94, %get3A_95] {strides = array<i32>} : memref<16x2x128xi32, #tpu.memory_space<vmem>>, vector<16xi32>,
      tpu.vector_store_idx %arg9[%get3A_96], %broadcast_in_dim3A_3 {add = true} : memref<10240xf32, #tpu.memory_space<vmem>>[vector<16xi32>], vector<16xf32>,
      %get3A_97 = arith.constant 0 : i32
      %get3A_98 = arith.constant 1 : i32
      %get3A_99 = arith.index_cast %get3A_97 : i32 to index
      %get3A_100 = arith.index_cast %get3A_98 : i32 to index
      %get3A_101 = arith.constant 48 : index
      %get3A_102 = tpu.vector_load %arg7[%get3A_99, %get3A_100, %get3A_101] {strides = array<i32>} : memref<16x2x128xi32, #tpu.memory_space<vmem>>, vector<16xi32>,
      tpu.vector_store_idx %arg9[%get3A_102], %broadcast_in_dim3A_3 {add = true} : memref<10240xf32, #tpu.memory_space<vmem>>[vector<16xi32>], vector<16xf32>,
      %get3A_103 = arith.constant 0 : i32
      %get3A_104 = arith.constant 1 : i32
      %get3A_105 = arith.index_cast %get3A_103 : i32 to index
      %get3A_106 = arith.index_cast %get3A_104 : i32 to index
      %get3A_107 = arith.constant 64 : index
      %get3A_108 = tpu.vector_load %arg7[%get3A_105, %get3A_106, %get3A_107] {strides = array<i32>} : memref<16x2x128xi32, #tpu.memory_space<vmem>>, vector<16xi32>,
      tpu.vector_store_idx %arg9[%get3A_108], %broadcast_in_dim3A_3 {add = true} : memref<10240xf32, #tpu.memory_space<vmem>>[vector<16xi32>], vector<16xf32>,
      %get3A_109 = arith.constant 0 : i32
      %get3A_110 = arith.constant 1 : i32
      %get3A_111 = arith.index_cast %get3A_109 : i32 to index
      %get3A_112 = arith.index_cast %get3A_110 : i32 to index
      %get3A_113 = arith.constant 80 : index
      %get3A_114 = tpu.vector_load %arg7[%get3A_111, %get3A_112, %get3A_113] {strides = array<i32>} : memref<16x2x128xi32, #tpu.memory_space<vmem>>, vector<16xi32>,
      tpu.vector_store_idx %arg9[%get3A_114], %broadcast_in_dim3A_3 {add = true} : memref<10240xf32, #tpu.memory_space<vmem>>[vector<16xi32>], vector<16xf32>,
      %get3A_115 = arith.constant 0 : i32
      %get3A_116 = arith.constant 1 : i32
      %get3A_117 = arith.index_cast %get3A_115 : i32 to index
      %get3A_118 = arith.index_cast %get3A_116 : i32 to index
      %get3A_119 = arith.constant 96 : index
      %get3A_120 = tpu.vector_load %arg7[%get3A_117, %get3A_118, %get3A_119] {strides = array<i32>} : memref<16x2x128xi32, #tpu.memory_space<vmem>>, vector<16xi32>,
      tpu.vector_store_idx %arg9[%get3A_120], %broadcast_in_dim3A_3 {add = true} : memref<10240xf32, #tpu.memory_space<vmem>>[vector<16xi32>], vector<16xf32>,
      %get3A_121 = arith.constant 0 : i32
      %get3A_122 = arith.constant 1 : i32
      %get3A_123 = arith.index_cast %get3A_121 : i32 to index
      %get3A_124 = arith.index_cast %get3A_122 : i32 to index
      %get3A_125 = arith.constant 112 : index
      %get3A_126 = tpu.vector_load %arg7[%get3A_123, %get3A_124, %get3A_125] {strides = array<i32>} : memref<16x2x128xi32, #tpu.memory_space<vmem>>, vector<16xi32>,
      tpu.vector_store_idx %arg9[%get3A_126], %broadcast_in_dim3A_3 {add = true} : memref<10240xf32, #tpu.memory_space<vmem>>[vector<16xi32>], vector<16xf32>,
      %dma_wait3A_127 = arith.constant 1 : i32
      %dma_wait3A_128 = arith.constant 0 : i32
      %dma_wait3A_129 = arith.constant 1 : i32
      %dma_wait3A_130 = arith.constant 0 : i32
      %dma_wait3A_131 = arith.constant 0 : i32
      %dma_wait3A_132 = tpu.memref_slice %arg8[%dma_wait3A_129, %dma_wait3A_130, %dma_wait3A_131] : memref<2x128x128xf32, #tpu.memory_space<vmem>> -> memref<1x128x128xf32, #tpu.memory_space<vmem>>
      %dma_wait3A_133 = tpu.memref_squeeze %dma_wait3A_132 : memref<1x128x128xf32, #tpu.memory_space<vmem>> -> memref<128x128xf32, #tpu.memory_space<vmem>>
      %dma_wait3A_134 = arith.constant 0 : i32
      %dma_wait3A_135 = tpu.memref_slice %arg7[%dma_wait3A_127, %dma_wait3A_128, %dma_wait3A_134] : memref<16x2x128xi32, #tpu.memory_space<vmem>> -> memref<1x1x128xi32, #tpu.memory_space<vmem>>
      %dma_wait3A_136 = tpu.memref_squeeze %dma_wait3A_135 : memref<1x1x128xi32, #tpu.memory_space<vmem>> -> memref<128xi32, #tpu.memory_space<vmem>>
      %dma_wait3A_137 = arith.constant 0 : i32
      %dma_wait3A_138 = arith.constant 0 : i32
      %dma_wait3A_139 = tpu.memref_slice %arg2[%dma_wait3A_137, %dma_wait3A_138] : memref<10240x128xf32, #tpu.memory_space<hbm>> -> memref<10240x128xf32, #tpu.memory_space<hbm>>
      tpu.wait_indirect_dma semaphore(%arg11 : memref<!tpu.dma_semaphore, #tpu.memory_space<semaphore_mem>>) src(%dma_wait3A_139 : memref<10240x128xf32, #tpu.memory_space<hbm>>) dst(%dma_wait3A_133 : memref<128x128xf32, #tpu.memory_space<vmem>>)
      %dma_start3A_140 = arith.constant 2 : i32
      %dma_start3A_141 = arith.constant 0 : i32
      %dma_start3A_142 = arith.constant 0 : i32
      %dma_start3A_143 = arith.constant 0 : i32
      %dma_start3A_144 = arith.constant 0 : i32
      %dma_start3A_145 = tpu.memref_slice %arg8[%dma_start3A_142, %dma_start3A_143, %dma_start3A_144] : memref<2x128x128xf32, #tpu.memory_space<vmem>> -> memref<1x128x128xf32, #tpu.memory_space<vmem>>
      %dma_start3A_146 = tpu.memref_squeeze %dma_start3A_145 : memref<1x128x128xf32, #tpu.memory_space<vmem>> -> memref<128x128xf32, #tpu.memory_space<vmem>>
      %dma_start3A_147 = arith.constant 0 : i32
      %dma_start3A_148 = tpu.memref_slice %arg7[%dma_start3A_140, %dma_start3A_141, %dma_start3A_147] : memref<16x2x128xi32, #tpu.memory_space<vmem>> -> memref<1x1x128xi32, #tpu.memory_space<vmem>>
      %dma_start3A_149 = tpu.memref_squeeze %dma_start3A_148 : memref<1x1x128xi32, #tpu.memory_space<vmem>> -> memref<128xi32, #tpu.memory_space<vmem>>
      %dma_start3A_150 = arith.constant 0 : i32
      %dma_start3A_151 = arith.constant 0 : i32
      %dma_start3A_152 = tpu.memref_slice %arg2[%dma_start3A_150, %dma_start3A_151] : memref<10240x128xf32, #tpu.memory_space<hbm>> -> memref<10240x128xf32, #tpu.memory_space<hbm>>
      tpu.enqueue_indirect_dma source(%dma_start3A_152 : memref<10240x128xf32, #tpu.memory_space<hbm>>) target(%dma_start3A_146 : memref<128x128xf32, #tpu.memory_space<vmem>>) offsets(%dma_start3A_149 : memref<128xi32, #tpu.memory_space<vmem>>) semaphore(%arg10 : memref<!tpu.dma_semaphore, #tpu.memory_space<semaphore_mem>>)
      %run_scoped3A_153 = arith.constant 1 : i32
      %run_scoped3A_154 = arith.constant 1 : i32
      %run_scoped3A_155 = arith.constant 1 : i32
      "tpu.region"() ({
        %run_scoped3A_1269 = tpu.sem_alloc : memref<!tpu.dma_semaphore, #tpu.memory_space<semaphore_mem>>
        %dma_start3A_1270 = arith.constant 0 : i32
        %dma_start3A_1271 = arith.constant 0 : i32
        %dma_start3A_1272 = tpu.memref_slice %arg8[%run_scoped3A_153, %dma_start3A_1270, %dma_start3A_1271] : memref<2x128x128xf32, #tpu.memory_space<vmem>> -> memref<1x128x128xf32, #tpu.memory_space<vmem>>
        %dma_start3A_1273 = tpu.memref_squeeze %dma_start3A_1272 : memref<1x128x128xf32, #tpu.memory_space<vmem>> -> memref<128x128xf32, #tpu.memory_space<vmem>>
        %dma_start3A_1274 = arith.constant 0 : i32
        %dma_start3A_1275 = tpu.memref_slice %arg7[%run_scoped3A_154, %run_scoped3A_155, %dma_start3A_1274] : memref<16x2x128xi32, #tpu.memory_space<vmem>> -> memref<1x1x128xi32, #tpu.memory_space<vmem>>
        %dma_start3A_1276 = tpu.memref_squeeze %dma_start3A_1275 : memref<1x1x128xi32, #tpu.memory_space<vmem>> -> memref<128xi32, #tpu.memory_space<vmem>>
        %dma_start3A_1277 = arith.constant 0 : i32
        %dma_start3A_1278 = arith.constant 0 : i32
        %dma_start3A_1279 = tpu.memref_slice %arg6[%dma_start3A_1277, %dma_start3A_1278] : memref<10240x128xf32, #tpu.memory_space<vmem_shared>> -> memref<10240x128xf32, #tpu.memory_space<vmem_shared>>
        tpu.enqueue_indirect_dma source(%dma_start3A_1273 : memref<128x128xf32, #tpu.memory_space<vmem>>) target(%dma_start3A_1279 : memref<10240x128xf32, #tpu.memory_space<vmem_shared>>) offsets(%dma_start3A_1276 : memref<128xi32, #tpu.memory_space<vmem>>) semaphore(%run_scoped3A_1269 : memref<!tpu.dma_semaphore, #tpu.memory_space<semaphore_mem>>) {add = true}
        %dma_wait3A_1280 = arith.constant 0 : i32
        %dma_wait3A_1281 = arith.constant 0 : i32
        %dma_wait3A_1282 = tpu.memref_slice %arg8[%run_scoped3A_153, %dma_wait3A_1280, %dma_wait3A_1281] : memref<2x128x128xf32, #tpu.memory_space<vmem>> -> memref<1x128x128xf32, #tpu.memory_space<vmem>>
        %dma_wait3A_1283 = tpu.memref_squeeze %dma_wait3A_1282 : memref<1x128x128xf32, #tpu.memory_space<vmem>> -> memref<128x128xf32, #tpu.memory_space<vmem>>
        %dma_wait3A_1284 = arith.constant 0 : i32
        %dma_wait3A_1285 = tpu.memref_slice %arg7[%run_scoped3A_154, %run_scoped3A_155, %dma_wait3A_1284] : memref<16x2x128xi32, #tpu.memory_space<vmem>> -> memref<1x1x128xi32, #tpu.memory_space<vmem>>
        %dma_wait3A_1286 = tpu.memref_squeeze %dma_wait3A_1285 : memref<1x1x128xi32, #tpu.memory_space<vmem>> -> memref<128xi32, #tpu.memory_space<vmem>>
        %dma_wait3A_1287 = arith.constant 0 : i32
        %dma_wait3A_1288 = arith.constant 0 : i32
        %dma_wait3A_1289 = tpu.memref_slice %arg6[%dma_wait3A_1287, %dma_wait3A_1288] : memref<10240x128xf32, #tpu.memory_space<vmem_shared>> -> memref<10240x128xf32, #tpu.memory_space<vmem_shared>>
        tpu.wait_indirect_dma semaphore(%run_scoped3A_1269 : memref<!tpu.dma_semaphore, #tpu.memory_space<semaphore_mem>>) src(%dma_wait3A_1283 : memref<128x128xf32, #tpu.memory_space<vmem>>) dst(%dma_wait3A_1289 : memref<10240x128xf32, #tpu.memory_space<vmem_shared>>)
        tpu.yield
      }) : () -> ()
      %get3A_156 = arith.constant 1 : i32
      %get3A_157 = arith.constant 1 : i32
      %get3A_158 = arith.index_cast %get3A_156 : i32 to index
      %get3A_159 = arith.index_cast %get3A_157 : i32 to index
      %get3A_160 = arith.constant 0 : index
      %get3A_161 = tpu.vector_load %arg7[%get3A_158, %get3A_159, %get3A_160] {strides = array<i32>} : memref<16x2x128xi32, #tpu.memory_space<vmem>>, vector<16xi32>,
      tpu.vector_store_idx %arg9[%get3A_161], %broadcast_in_dim3A_3 {add = true} : memref<10240xf32, #tpu.memory_space<vmem>>[vector<16xi32>], vector<16xf32>,
      %get3A_162 = arith.constant 1 : i32
      %get3A_163 = arith.constant 1 : i32
      %get3A_164 = arith.index_cast %get3A_162 : i32 to index
      %get3A_165 = arith.index_cast %get3A_163 : i32 to index
      %get3A_166 = arith.constant 16 : index
      %get3A_167 = tpu.vector_load %arg7[%get3A_164, %get3A_165, %get3A_166] {strides = array<i32>} : memref<16x2x128xi32, #tpu.memory_space<vmem>>, vector<16xi32>,
      tpu.vector_store_idx %arg9[%get3A_167], %broadcast_in_dim3A_3 {add = true} : memref<10240xf32, #tpu.memory_space<vmem>>[vector<16xi32>], vector<16xf32>,
      %get3A_168 = arith.constant 1 : i32
      %get3A_169 = arith.constant 1 : i32
      %get3A_170 = arith.index_cast %get3A_168 : i32 to index
      %get3A_171 = arith.index_cast %get3A_169 : i32 to index
      %get3A_172 = arith.constant 32 : index
      %get3A_173 = tpu.vector_load %arg7[%get3A_170, %get3A_171, %get3A_172] {strides = array<i32>} : memref<16x2x128xi32, #tpu.memory_space<vmem>>, vector<16xi32>,
      tpu.vector_store_idx %arg9[%get3A_173], %broadcast_in_dim3A_3 {add = true} : memref<10240xf32, #tpu.memory_space<vmem>>[vector<16xi32>], vector<16xf32>,
      %get3A_174 = arith.constant 1 : i32
      %get3A_175 = arith.constant 1 : i32
      %get3A_176 = arith.index_cast %get3A_174 : i32 to index
      %get3A_177 = arith.index_cast %get3A_175 : i32 to index
      %get3A_178 = arith.constant 48 : index
      %get3A_179 = tpu.vector_load %arg7[%get3A_176, %get3A_177, %get3A_178] {strides = array<i32>} : memref<16x2x128xi32, #tpu.memory_space<vmem>>, vector<16xi32>,
      tpu.vector_store_idx %arg9[%get3A_179], %broadcast_in_dim3A_3 {add = true} : memref<10240xf32, #tpu.memory_space<vmem>>[vector<16xi32>], vector<16xf32>,
      %get3A_180 = arith.constant 1 : i32
      %get3A_181 = arith.constant 1 : i32
      %get3A_182 = arith.index_cast %get3A_180 : i32 to index
      %get3A_183 = arith.index_cast %get3A_181 : i32 to index
      %get3A_184 = arith.constant 64 : index
      %get3A_185 = tpu.vector_load %arg7[%get3A_182, %get3A_183, %get3A_184] {strides = array<i32>} : memref<16x2x128xi32, #tpu.memory_space<vmem>>, vector<16xi32>,
      tpu.vector_store_idx %arg9[%get3A_185], %broadcast_in_dim3A_3 {add = true} : memref<10240xf32, #tpu.memory_space<vmem>>[vector<16xi32>], vector<16xf32>,
      %get3A_186 = arith.constant 1 : i32
      %get3A_187 = arith.constant 1 : i32
      %get3A_188 = arith.index_cast %get3A_186 : i32 to index
      %get3A_189 = arith.index_cast %get3A_187 : i32 to index
      %get3A_190 = arith.constant 80 : index
      %get3A_191 = tpu.vector_load %arg7[%get3A_188, %get3A_189, %get3A_190] {strides = array<i32>} : memref<16x2x128xi32, #tpu.memory_space<vmem>>, vector<16xi32>,
      tpu.vector_store_idx %arg9[%get3A_191], %broadcast_in_dim3A_3 {add = true} : memref<10240xf32, #tpu.memory_space<vmem>>[vector<16xi32>], vector<16xf32>,
      %get3A_192 = arith.constant 1 : i32
      %get3A_193 = arith.constant 1 : i32
      %get3A_194 = arith.index_cast %get3A_192 : i32 to index
      %get3A_195 = arith.index_cast %get3A_193 : i32 to index
      %get3A_196 = arith.constant 96 : index
      %get3A_197 = tpu.vector_load %arg7[%get3A_194, %get3A_195, %get3A_196] {strides = array<i32>} : memref<16x2x128xi32, #tpu.memory_space<vmem>>, vector<16xi32>,
      tpu.vector_store_idx %arg9[%get3A_197], %broadcast_in_dim3A_3 {add = true} : memref<10240xf32, #tpu.memory_space<vmem>>[vector<16xi32>], vector<16xf32>,
      %get3A_198 = arith.constant 1 : i32
      %get3A_199 = arith.constant 1 : i32
      %get3A_200 = arith.index_cast %get3A_198 : i32 to index
      %get3A_201 = arith.index_cast %get3A_199 : i32 to index
      %get3A_202 = arith.constant 112 : index
      %get3A_203 = tpu.vector_load %arg7[%get3A_200, %get3A_201, %get3A_202] {strides = array<i32>} : memref<16x2x128xi32, #tpu.memory_space<vmem>>, vector<16xi32>,
      tpu.vector_store_idx %arg9[%get3A_203], %broadcast_in_dim3A_3 {add = true} : memref<10240xf32, #tpu.memory_space<vmem>>[vector<16xi32>], vector<16xf32>,
      %dma_wait3A_204 = arith.constant 2 : i32
      %dma_wait3A_205 = arith.constant 0 : i32
      %dma_wait3A_206 = arith.constant 0 : i32
      %dma_wait3A_207 = arith.constant 0 : i32
      %dma_wait3A_208 = arith.constant 0 : i32
      %dma_wait3A_209 = tpu.memref_slice %arg8[%dma_wait3A_206, %dma_wait3A_207, %dma_wait3A_208] : memref<2x128x128xf32, #tpu.memory_space<vmem>> -> memref<1x128x128xf32, #tpu.memory_space<vmem>>
      %dma_wait3A_210 = tpu.memref_squeeze %dma_wait3A_209 : memref<1x128x128xf32, #tpu.memory_space<vmem>> -> memref<128x128xf32, #tpu.memory_space<vmem>>
      %dma_wait3A_211 = arith.constant 0 : i32
      %dma_wait3A_212 = tpu.memref_slice %arg7[%dma_wait3A_204, %dma_wait3A_205, %dma_wait3A_211] : memref<16x2x128xi32, #tpu.memory_space<vmem>> -> memref<1x1x128xi32, #tpu.memory_space<vmem>>
      %dma_wait3A_213 = tpu.memref_squeeze %dma_wait3A_212 : memref<1x1x128xi32, #tpu.memory_space<vmem>> -> memref<128xi32, #tpu.memory_space<vmem>>
      %dma_wait3A_214 = arith.constant 0 : i32
      %dma_wait3A_215 = arith.constant 0 : i32
      %dma_wait3A_216 = tpu.memref_slice %arg2[%dma_wait3A_214, %dma_wait3A_215] : memref<10240x128xf32, #tpu.memory_space<hbm>> -> memref<10240x128xf32, #tpu.memory_space<hbm>>
      tpu.wait_indirect_dma semaphore(%arg10 : memref<!tpu.dma_semaphore, #tpu.memory_space<semaphore_mem>>) src(%dma_wait3A_216 : memref<10240x128xf32, #tpu.memory_space<hbm>>) dst(%dma_wait3A_210 : memref<128x128xf32, #tpu.memory_space<vmem>>)
      %dma_start3A_217 = arith.constant 3 : i32
      %dma_start3A_218 = arith.constant 0 : i32
      %dma_start3A_219 = arith.constant 1 : i32
      %dma_start3A_220 = arith.constant 0 : i32
      %dma_start3A_221 = arith.constant 0 : i32
      %dma_start3A_222 = tpu.memref_slice %arg8[%dma_start3A_219, %dma_start3A_220, %dma_start3A_221] : memref<2x128x128xf32, #tpu.memory_space<vmem>> -> memref<1x128x128xf32, #tpu.memory_space<vmem>>
      %dma_start3A_223 = tpu.memref_squeeze %dma_start3A_222 : memref<1x128x128xf32, #tpu.memory_space<vmem>> -> memref<128x128xf32, #tpu.memory_space<vmem>>
      %dma_start3A_224 = arith.constant 0 : i32
      %dma_start3A_225 = tpu.memref_slice %arg7[%dma_start3A_217, %dma_start3A_218, %dma_start3A_224] : memref<16x2x128xi32, #tpu.memory_space<vmem>> -> memref<1x1x128xi32, #tpu.memory_space<vmem>>
      %dma_start3A_226 = tpu.memref_squeeze %dma_start3A_225 : memref<1x1x128xi32, #tpu.memory_space<vmem>> -> memref<128xi32, #tpu.memory_space<vmem>>
      %dma_start3A_227 = arith.constant 0 : i32
      %dma_start3A_228 = arith.constant 0 : i32
      %dma_start3A_229 = tpu.memref_slice %arg2[%dma_start3A_227, %dma_start3A_228] : memref<10240x128xf32, #tpu.memory_space<hbm>> -> memref<10240x128xf32, #tpu.memory_space<hbm>>
      tpu.enqueue_indirect_dma source(%dma_start3A_229 : memref<10240x128xf32, #tpu.memory_space<hbm>>) target(%dma_start3A_223 : memref<128x128xf32, #tpu.memory_space<vmem>>) offsets(%dma_start3A_226 : memref<128xi32, #tpu.memory_space<vmem>>) semaphore(%arg11 : memref<!tpu.dma_semaphore, #tpu.memory_space<semaphore_mem>>)
      %run_scoped3A_230 = arith.constant 0 : i32
      %run_scoped3A_231 = arith.constant 2 : i32
      %run_scoped3A_232 = arith.constant 1 : i32
      "tpu.region"() ({
        %run_scoped3A_1269 = tpu.sem_alloc : memref<!tpu.dma_semaphore, #tpu.memory_space<semaphore_mem>>
        %dma_start3A_1270 = arith.constant 0 : i32
        %dma_start3A_1271 = arith.constant 0 : i32
        %dma_start3A_1272 = tpu.memref_slice %arg8[%run_scoped3A_230, %dma_start3A_1270, %dma_start3A_1271] : memref<2x128x128xf32, #tpu.memory_space<vmem>> -> memref<1x128x128xf32, #tpu.memory_space<vmem>>
        %dma_start3A_1273 = tpu.memref_squeeze %dma_start3A_1272 : memref<1x128x128xf32, #tpu.memory_space<vmem>> -> memref<128x128xf32, #tpu.memory_space<vmem>>
        %dma_start3A_1274 = arith.constant 0 : i32
        %dma_start3A_1275 = tpu.memref_slice %arg7[%run_scoped3A_231, %run_scoped3A_232, %dma_start3A_1274] : memref<16x2x128xi32, #tpu.memory_space<vmem>> -> memref<1x1x128xi32, #tpu.memory_space<vmem>>
        %dma_start3A_1276 = tpu.memref_squeeze %dma_start3A_1275 : memref<1x1x128xi32, #tpu.memory_space<vmem>> -> memref<128xi32, #tpu.memory_space<vmem>>
        %dma_start3A_1277 = arith.constant 0 : i32
        %dma_start3A_1278 = arith.constant 0 : i32
        %dma_start3A_1279 = tpu.memref_slice %arg6[%dma_start3A_1277, %dma_start3A_1278] : memref<10240x128xf32, #tpu.memory_space<vmem_shared>> -> memref<10240x128xf32, #tpu.memory_space<vmem_shared>>
        tpu.enqueue_indirect_dma source(%dma_start3A_1273 : memref<128x128xf32, #tpu.memory_space<vmem>>) target(%dma_start3A_1279 : memref<10240x128xf32, #tpu.memory_space<vmem_shared>>) offsets(%dma_start3A_1276 : memref<128xi32, #tpu.memory_space<vmem>>) semaphore(%run_scoped3A_1269 : memref<!tpu.dma_semaphore, #tpu.memory_space<semaphore_mem>>) {add = true}
        %dma_wait3A_1280 = arith.constant 0 : i32
        %dma_wait3A_1281 = arith.constant 0 : i32
        %dma_wait3A_1282 = tpu.memref_slice %arg8[%run_scoped3A_230, %dma_wait3A_1280, %dma_wait3A_1281] : memref<2x128x128xf32, #tpu.memory_space<vmem>> -> memref<1x128x128xf32, #tpu.memory_space<vmem>>
        %dma_wait3A_1283 = tpu.memref_squeeze %dma_wait3A_1282 : memref<1x128x128xf32, #tpu.memory_space<vmem>> -> memref<128x128xf32, #tpu.memory_space<vmem>>
        %dma_wait3A_1284 = arith.constant 0 : i32
        %dma_wait3A_1285 = tpu.memref_slice %arg7[%run_scoped3A_231, %run_scoped3A_232, %dma_wait3A_1284] : memref<16x2x128xi32, #tpu.memory_space<vmem>> -> memref<1x1x128xi32, #tpu.memory_space<vmem>>
        %dma_wait3A_1286 = tpu.memref_squeeze %dma_wait3A_1285 : memref<1x1x128xi32, #tpu.memory_space<vmem>> -> memref<128xi32, #tpu.memory_space<vmem>>
        %dma_wait3A_1287 = arith.constant 0 : i32
        %dma_wait3A_1288 = arith.constant 0 : i32
        %dma_wait3A_1289 = tpu.memref_slice %arg6[%dma_wait3A_1287, %dma_wait3A_1288] : memref<10240x128xf32, #tpu.memory_space<vmem_shared>> -> memref<10240x128xf32, #tpu.memory_space<vmem_shared>>
        tpu.wait_indirect_dma semaphore(%run_scoped3A_1269 : memref<!tpu.dma_semaphore, #tpu.memory_space<semaphore_mem>>) src(%dma_wait3A_1283 : memref<128x128xf32, #tpu.memory_space<vmem>>) dst(%dma_wait3A_1289 : memref<10240x128xf32, #tpu.memory_space<vmem_shared>>)
        tpu.yield
      }) : () -> ()
      %get3A_233 = arith.constant 2 : i32
      %get3A_234 = arith.constant 1 : i32
      %get3A_235 = arith.index_cast %get3A_233 : i32 to index
      %get3A_236 = arith.index_cast %get3A_234 : i32 to index
      %get3A_237 = arith.constant 0 : index
      %get3A_238 = tpu.vector_load %arg7[%get3A_235, %get3A_236, %get3A_237] {strides = array<i32>} : memref<16x2x128xi32, #tpu.memory_space<vmem>>, vector<16xi32>,
      tpu.vector_store_idx %arg9[%get3A_238], %broadcast_in_dim3A_3 {add = true} : memref<10240xf32, #tpu.memory_space<vmem>>[vector<16xi32>], vector<16xf32>,
      %get3A_239 = arith.constant 2 : i32
      %get3A_240 = arith.constant 1 : i32
      %get3A_241 = arith.index_cast %get3A_239 : i32 to index
      %get3A_242 = arith.index_cast %get3A_240 : i32 to index
      %get3A_243 = arith.constant 16 : index
      %get3A_244 = tpu.vector_load %arg7[%get3A_241, %get3A_242, %get3A_243] {strides = array<i32>} : memref<16x2x128xi32, #tpu.memory_space<vmem>>, vector<16xi32>,
      tpu.vector_store_idx %arg9[%get3A_244], %broadcast_in_dim3A_3 {add = true} : memref<10240xf32, #tpu.memory_space<vmem>>[vector<16xi32>], vector<16xf32>,
      %get3A_245 = arith.constant 2 : i32
      %get3A_246 = arith.constant 1 : i32
      %get3A_247 = arith.index_cast %get3A_245 : i32 to index
      %get3A_248 = arith.index_cast %get3A_246 : i32 to index
      %get3A_249 = arith.constant 32 : index
      %get3A_250 = tpu.vector_load %arg7[%get3A_247, %get3A_248, %get3A_249] {strides = array<i32>} : memref<16x2x128xi32, #tpu.memory_space<vmem>>, vector<16xi32>,
      tpu.vector_store_idx %arg9[%get3A_250], %broadcast_in_dim3A_3 {add = true} : memref<10240xf32, #tpu.memory_space<vmem>>[vector<16xi32>], vector<16xf32>,
      %get3A_251 = arith.constant 2 : i32
      %get3A_252 = arith.constant 1 : i32
      %get3A_253 = arith.index_cast %get3A_251 : i32 to index
      %get3A_254 = arith.index_cast %get3A_252 : i32 to index
      %get3A_255 = arith.constant 48 : index
      %get3A_256 = tpu.vector_load %arg7[%get3A_253, %get3A_254, %get3A_255] {strides = array<i32>} : memref<16x2x128xi32, #tpu.memory_space<vmem>>, vector<16xi32>,
      tpu.vector_store_idx %arg9[%get3A_256], %broadcast_in_dim3A_3 {add = true} : memref<10240xf32, #tpu.memory_space<vmem>>[vector<16xi32>], vector<16xf32>,
      %get3A_257 = arith.constant 2 : i32
      %get3A_258 = arith.constant 1 : i32
      %get3A_259 = arith.index_cast %get3A_257 : i32 to index
      %get3A_260 = arith.index_cast %get3A_258 : i32 to index
      %get3A_261 = arith.constant 64 : index
      %get3A_262 = tpu.vector_load %arg7[%get3A_259, %get3A_260, %get3A_261] {strides = array<i32>} : memref<16x2x128xi32, #tpu.memory_space<vmem>>, vector<16xi32>,
      tpu.vector_store_idx %arg9[%get3A_262], %broadcast_in_dim3A_3 {add = true} : memref<10240xf32, #tpu.memory_space<vmem>>[vector<16xi32>], vector<16xf32>,
      %get3A_263 = arith.constant 2 : i32
      %get3A_264 = arith.constant 1 : i32
      %get3A_265 = arith.index_cast %get3A_263 : i32 to index
      %get3A_266 = arith.index_cast %get3A_264 : i32 to index
      %get3A_267 = arith.constant 80 : index
      %get3A_268 = tpu.vector_load %arg7[%get3A_265, %get3A_266, %get3A_267] {strides = array<i32>} : memref<16x2x128xi32, #tpu.memory_space<vmem>>, vector<16xi32>,
      tpu.vector_store_idx %arg9[%get3A_268], %broadcast_in_dim3A_3 {add = true} : memref<10240xf32, #tpu.memory_space<vmem>>[vector<16xi32>], vector<16xf32>,
      %get3A_269 = arith.constant 2 : i32
      %get3A_270 = arith.constant 1 : i32
      %get3A_271 = arith.index_cast %get3A_269 : i32 to index
      %get3A_272 = arith.index_cast %get3A_270 : i32 to index
      %get3A_273 = arith.constant 96 : index
      %get3A_274 = tpu.vector_load %arg7[%get3A_271, %get3A_272, %get3A_273] {strides = array<i32>} : memref<16x2x128xi32, #tpu.memory_space<vmem>>, vector<16xi32>,
      tpu.vector_store_idx %arg9[%get3A_274], %broadcast_in_dim3A_3 {add = true} : memref<10240xf32, #tpu.memory_space<vmem>>[vector<16xi32>], vector<16xf32>,
      %get3A_275 = arith.constant 2 : i32
      %get3A_276 = arith.constant 1 : i32
      %get3A_277 = arith.index_cast %get3A_275 : i32 to index
      %get3A_278 = arith.index_cast %get3A_276 : i32 to index
      %get3A_279 = arith.constant 112 : index
      %get3A_280 = tpu.vector_load %arg7[%get3A_277, %get3A_278, %get3A_279] {strides = array<i32>} : memref<16x2x128xi32, #tpu.memory_space<vmem>>, vector<16xi32>,
      tpu.vector_store_idx %arg9[%get3A_280], %broadcast_in_dim3A_3 {add = true} : memref<10240xf32, #tpu.memory_space<vmem>>[vector<16xi32>], vector<16xf32>,
      %dma_wait3A_281 = arith.constant 3 : i32
      %dma_wait3A_282 = arith.constant 0 : i32
      %dma_wait3A_283 = arith.constant 1 : i32
      %dma_wait3A_284 = arith.constant 0 : i32
      %dma_wait3A_285 = arith.constant 0 : i32
      %dma_wait3A_286 = tpu.memref_slice %arg8[%dma_wait3A_283, %dma_wait3A_284, %dma_wait3A_285] : memref<2x128x128xf32, #tpu.memory_space<vmem>> -> memref<1x128x128xf32, #tpu.memory_space<vmem>>
      %dma_wait3A_287 = tpu.memref_squeeze %dma_wait3A_286 : memref<1x128x128xf32, #tpu.memory_space<vmem>> -> memref<128x128xf32, #tpu.memory_space<vmem>>
      %dma_wait3A_288 = arith.constant 0 : i32
      %dma_wait3A_289 = tpu.memref_slice %arg7[%dma_wait3A_281, %dma_wait3A_282, %dma_wait3A_288] : memref<16x2x128xi32, #tpu.memory_space<vmem>> -> memref<1x1x128xi32, #tpu.memory_space<vmem>>
      %dma_wait3A_290 = tpu.memref_squeeze %dma_wait3A_289 : memref<1x1x128xi32, #tpu.memory_space<vmem>> -> memref<128xi32, #tpu.memory_space<vmem>>
      %dma_wait3A_291 = arith.constant 0 : i32
      %dma_wait3A_292 = arith.constant 0 : i32
      %dma_wait3A_293 = tpu.memref_slice %arg2[%dma_wait3A_291, %dma_wait3A_292] : memref<10240x128xf32, #tpu.memory_space<hbm>> -> memref<10240x128xf32, #tpu.memory_space<hbm>>
      tpu.wait_indirect_dma semaphore(%arg11 : memref<!tpu.dma_semaphore, #tpu.memory_space<semaphore_mem>>) src(%dma_wait3A_293 : memref<10240x128xf32, #tpu.memory_space<hbm>>) dst(%dma_wait3A_287 : memref<128x128xf32, #tpu.memory_space<vmem>>)
      %dma_start3A_294 = arith.constant 4 : i32
      %dma_start3A_295 = arith.constant 0 : i32
      %dma_start3A_296 = arith.constant 0 : i32
      %dma_start3A_297 = arith.constant 0 : i32
      %dma_start3A_298 = arith.constant 0 : i32
      %dma_start3A_299 = tpu.memref_slice %arg8[%dma_start3A_296, %dma_start3A_297, %dma_start3A_298] : memref<2x128x128xf32, #tpu.memory_space<vmem>> -> memref<1x128x128xf32, #tpu.memory_space<vmem>>
      %dma_start3A_300 = tpu.memref_squeeze %dma_start3A_299 : memref<1x128x128xf32, #tpu.memory_space<vmem>> -> memref<128x128xf32, #tpu.memory_space<vmem>>
      %dma_start3A_301 = arith.constant 0 : i32
      %dma_start3A_302 = tpu.memref_slice %arg7[%dma_start3A_294, %dma_start3A_295, %dma_start3A_301] : memref<16x2x128xi32, #tpu.memory_space<vmem>> -> memref<1x1x128xi32, #tpu.memory_space<vmem>>
      %dma_start3A_303 = tpu.memref_squeeze %dma_start3A_302 : memref<1x1x128xi32, #tpu.memory_space<vmem>> -> memref<128xi32, #tpu.memory_space<vmem>>
      %dma_start3A_304 = arith.constant 0 : i32
      %dma_start3A_305 = arith.constant 0 : i32
      %dma_start3A_306 = tpu.memref_slice %arg2[%dma_start3A_304, %dma_start3A_305] : memref<10240x128xf32, #tpu.memory_space<hbm>> -> memref<10240x128xf32, #tpu.memory_space<hbm>>
      tpu.enqueue_indirect_dma source(%dma_start3A_306 : memref<10240x128xf32, #tpu.memory_space<hbm>>) target(%dma_start3A_300 : memref<128x128xf32, #tpu.memory_space<vmem>>) offsets(%dma_start3A_303 : memref<128xi32, #tpu.memory_space<vmem>>) semaphore(%arg10 : memref<!tpu.dma_semaphore, #tpu.memory_space<semaphore_mem>>)
      %run_scoped3A_307 = arith.constant 1 : i32
      %run_scoped3A_308 = arith.constant 3 : i32
      %run_scoped3A_309 = arith.constant 1 : i32
      "tpu.region"() ({
        %run_scoped3A_1269 = tpu.sem_alloc : memref<!tpu.dma_semaphore, #tpu.memory_space<semaphore_mem>>
        %dma_start3A_1270 = arith.constant 0 : i32
        %dma_start3A_1271 = arith.constant 0 : i32
        %dma_start3A_1272 = tpu.memref_slice %arg8[%run_scoped3A_307, %dma_start3A_1270, %dma_start3A_1271] : memref<2x128x128xf32, #tpu.memory_space<vmem>> -> memref<1x128x128xf32, #tpu.memory_space<vmem>>
        %dma_start3A_1273 = tpu.memref_squeeze %dma_start3A_1272 : memref<1x128x128xf32, #tpu.memory_space<vmem>> -> memref<128x128xf32, #tpu.memory_space<vmem>>
        %dma_start3A_1274 = arith.constant 0 : i32
        %dma_start3A_1275 = tpu.memref_slice %arg7[%run_scoped3A_308, %run_scoped3A_309, %dma_start3A_1274] : memref<16x2x128xi32, #tpu.memory_space<vmem>> -> memref<1x1x128xi32, #tpu.memory_space<vmem>>
        %dma_start3A_1276 = tpu.memref_squeeze %dma_start3A_1275 : memref<1x1x128xi32, #tpu.memory_space<vmem>> -> memref<128xi32, #tpu.memory_space<vmem>>
        %dma_start3A_1277 = arith.constant 0 : i32
        %dma_start3A_1278 = arith.constant 0 : i32
        %dma_start3A_1279 = tpu.memref_slice %arg6[%dma_start3A_1277, %dma_start3A_1278] : memref<10240x128xf32, #tpu.memory_space<vmem_shared>> -> memref<10240x128xf32, #tpu.memory_space<vmem_shared>>
        tpu.enqueue_indirect_dma source(%dma_start3A_1273 : memref<128x128xf32, #tpu.memory_space<vmem>>) target(%dma_start3A_1279 : memref<10240x128xf32, #tpu.memory_space<vmem_shared>>) offsets(%dma_start3A_1276 : memref<128xi32, #tpu.memory_space<vmem>>) semaphore(%run_scoped3A_1269 : memref<!tpu.dma_semaphore, #tpu.memory_space<semaphore_mem>>) {add = true}
        %dma_wait3A_1280 = arith.constant 0 : i32
        %dma_wait3A_1281 = arith.constant 0 : i32
        %dma_wait3A_1282 = tpu.memref_slice %arg8[%run_scoped3A_307, %dma_wait3A_1280, %dma_wait3A_1281] : memref<2x128x128xf32, #tpu.memory_space<vmem>> -> memref<1x128x128xf32, #tpu.memory_space<vmem>>
        %dma_wait3A_1283 = tpu.memref_squeeze %dma_wait3A_1282 : memref<1x128x128xf32, #tpu.memory_space<vmem>> -> memref<128x128xf32, #tpu.memory_space<vmem>>
        %dma_wait3A_1284 = arith.constant 0 : i32
        %dma_wait3A_1285 = tpu.memref_slice %arg7[%run_scoped3A_308, %run_scoped3A_309, %dma_wait3A_1284] : memref<16x2x128xi32, #tpu.memory_space<vmem>> -> memref<1x1x128xi32, #tpu.memory_space<vmem>>
        %dma_wait3A_1286 = tpu.memref_squeeze %dma_wait3A_1285 : memref<1x1x128xi32, #tpu.memory_space<vmem>> -> memref<128xi32, #tpu.memory_space<vmem>>
        %dma_wait3A_1287 = arith.constant 0 : i32
        %dma_wait3A_1288 = arith.constant 0 : i32
        %dma_wait3A_1289 = tpu.memref_slice %arg6[%dma_wait3A_1287, %dma_wait3A_1288] : memref<10240x128xf32, #tpu.memory_space<vmem_shared>> -> memref<10240x128xf32, #tpu.memory_space<vmem_shared>>
        tpu.wait_indirect_dma semaphore(%run_scoped3A_1269 : memref<!tpu.dma_semaphore, #tpu.memory_space<semaphore_mem>>) src(%dma_wait3A_1283 : memref<128x128xf32, #tpu.memory_space<vmem>>) dst(%dma_wait3A_1289 : memref<10240x128xf32, #tpu.memory_space<vmem_shared>>)
        tpu.yield
      }) : () -> ()
      %get3A_310 = arith.constant 3 : i32
      %get3A_311 = arith.constant 1 : i32
      %get3A_312 = arith.index_cast %get3A_310 : i32 to index
      %get3A_313 = arith.index_cast %get3A_311 : i32 to index
      %get3A_314 = arith.constant 0 : index
      %get3A_315 = tpu.vector_load %arg7[%get3A_312, %get3A_313, %get3A_314] {strides = array<i32>} : memref<16x2x128xi32, #tpu.memory_space<vmem>>, vector<16xi32>,
      tpu.vector_store_idx %arg9[%get3A_315], %broadcast_in_dim3A_3 {add = true} : memref<10240xf32, #tpu.memory_space<vmem>>[vector<16xi32>], vector<16xf32>,
      %get3A_316 = arith.constant 3 : i32
      %get3A_317 = arith.constant 1 : i32
      %get3A_318 = arith.index_cast %get3A_316 : i32 to index
      %get3A_319 = arith.index_cast %get3A_317 : i32 to index
      %get3A_320 = arith.constant 16 : index
      %get3A_321 = tpu.vector_load %arg7[%get3A_318, %get3A_319, %get3A_320] {strides = array<i32>} : memref<16x2x128xi32, #tpu.memory_space<vmem>>, vector<16xi32>,
      tpu.vector_store_idx %arg9[%get3A_321], %broadcast_in_dim3A_3 {add = true} : memref<10240xf32, #tpu.memory_space<vmem>>[vector<16xi32>], vector<16xf32>,
      %get3A_322 = arith.constant 3 : i32
      %get3A_323 = arith.constant 1 : i32
      %get3A_324 = arith.index_cast %get3A_322 : i32 to index
      %get3A_325 = arith.index_cast %get3A_323 : i32 to index
      %get3A_326 = arith.constant 32 : index
      %get3A_327 = tpu.vector_load %arg7[%get3A_324, %get3A_325, %get3A_326] {strides = array<i32>} : memref<16x2x128xi32, #tpu.memory_space<vmem>>, vector<16xi32>,
      tpu.vector_store_idx %arg9[%get3A_327], %broadcast_in_dim3A_3 {add = true} : memref<10240xf32, #tpu.memory_space<vmem>>[vector<16xi32>], vector<16xf32>,
      %get3A_328 = arith.constant 3 : i32
      %get3A_329 = arith.constant 1 : i32
      %get3A_330 = arith.index_cast %get3A_328 : i32 to index
      %get3A_331 = arith.index_cast %get3A_329 : i32 to index
      %get3A_332 = arith.constant 48 : index
      %get3A_333 = tpu.vector_load %arg7[%get3A_330, %get3A_331, %get3A_332] {strides = array<i32>} : memref<16x2x128xi32, #tpu.memory_space<vmem>>, vector<16xi32>,
      tpu.vector_store_idx %arg9[%get3A_333], %broadcast_in_dim3A_3 {add = true} : memref<10240xf32, #tpu.memory_space<vmem>>[vector<16xi32>], vector<16xf32>,
      %get3A_334 = arith.constant 3 : i32
      %get3A_335 = arith.constant 1 : i32
      %get3A_336 = arith.index_cast %get3A_334 : i32 to index
      %get3A_337 = arith.index_cast %get3A_335 : i32 to index
      %get3A_338 = arith.constant 64 : index
      %get3A_339 = tpu.vector_load %arg7[%get3A_336, %get3A_337, %get3A_338] {strides = array<i32>} : memref<16x2x128xi32, #tpu.memory_space<vmem>>, vector<16xi32>,
      tpu.vector_store_idx %arg9[%get3A_339], %broadcast_in_dim3A_3 {add = true} : memref<10240xf32, #tpu.memory_space<vmem>>[vector<16xi32>], vector<16xf32>,
      %get3A_340 = arith.constant 3 : i32
      %get3A_341 = arith.constant 1 : i32
      %get3A_342 = arith.index_cast %get3A_340 : i32 to index
      %get3A_343 = arith.index_cast %get3A_341 : i32 to index
      %get3A_344 = arith.constant 80 : index
      %get3A_345 = tpu.vector_load %arg7[%get3A_342, %get3A_343, %get3A_344] {strides = array<i32>} : memref<16x2x128xi32, #tpu.memory_space<vmem>>, vector<16xi32>,
      tpu.vector_store_idx %arg9[%get3A_345], %broadcast_in_dim3A_3 {add = true} : memref<10240xf32, #tpu.memory_space<vmem>>[vector<16xi32>], vector<16xf32>,
      %get3A_346 = arith.constant 3 : i32
      %get3A_347 = arith.constant 1 : i32
      %get3A_348 = arith.index_cast %get3A_346 : i32 to index
      %get3A_349 = arith.index_cast %get3A_347 : i32 to index
      %get3A_350 = arith.constant 96 : index
      %get3A_351 = tpu.vector_load %arg7[%get3A_348, %get3A_349, %get3A_350] {strides = array<i32>} : memref<16x2x128xi32, #tpu.memory_space<vmem>>, vector<16xi32>,
      tpu.vector_store_idx %arg9[%get3A_351], %broadcast_in_dim3A_3 {add = true} : memref<10240xf32, #tpu.memory_space<vmem>>[vector<16xi32>], vector<16xf32>,
      %get3A_352 = arith.constant 3 : i32
      %get3A_353 = arith.constant 1 : i32
      %get3A_354 = arith.index_cast %get3A_352 : i32 to index
      %get3A_355 = arith.index_cast %get3A_353 : i32 to index
      %get3A_356 = arith.constant 112 : index
      %get3A_357 = tpu.vector_load %arg7[%get3A_354, %get3A_355, %get3A_356] {strides = array<i32>} : memref<16x2x128xi32, #tpu.memory_space<vmem>>, vector<16xi32>,
      tpu.vector_store_idx %arg9[%get3A_357], %broadcast_in_dim3A_3 {add = true} : memref<10240xf32, #tpu.memory_space<vmem>>[vector<16xi32>], vector<16xf32>,
      %dma_wait3A_358 = arith.constant 4 : i32
      %dma_wait3A_359 = arith.constant 0 : i32
      %dma_wait3A_360 = arith.constant 0 : i32
      %dma_wait3A_361 = arith.constant 0 : i32
      %dma_wait3A_362 = arith.constant 0 : i32
      %dma_wait3A_363 = tpu.memref_slice %arg8[%dma_wait3A_360, %dma_wait3A_361, %dma_wait3A_362] : memref<2x128x128xf32, #tpu.memory_space<vmem>> -> memref<1x128x128xf32, #tpu.memory_space<vmem>>
      %dma_wait3A_364 = tpu.memref_squeeze %dma_wait3A_363 : memref<1x128x128xf32, #tpu.memory_space<vmem>> -> memref<128x128xf32, #tpu.memory_space<vmem>>
      %dma_wait3A_365 = arith.constant 0 : i32
      %dma_wait3A_366 = tpu.memref_slice %arg7[%dma_wait3A_358, %dma_wait3A_359, %dma_wait3A_365] : memref<16x2x128xi32, #tpu.memory_space<vmem>> -> memref<1x1x128xi32, #tpu.memory_space<vmem>>
      %dma_wait3A_367 = tpu.memref_squeeze %dma_wait3A_366 : memref<1x1x128xi32, #tpu.memory_space<vmem>> -> memref<128xi32, #tpu.memory_space<vmem>>
      %dma_wait3A_368 = arith.constant 0 : i32
      %dma_wait3A_369 = arith.constant 0 : i32
      %dma_wait3A_370 = tpu.memref_slice %arg2[%dma_wait3A_368, %dma_wait3A_369] : memref<10240x128xf32, #tpu.memory_space<hbm>> -> memref<10240x128xf32, #tpu.memory_space<hbm>>
      tpu.wait_indirect_dma semaphore(%arg10 : memref<!tpu.dma_semaphore, #tpu.memory_space<semaphore_mem>>) src(%dma_wait3A_370 : memref<10240x128xf32, #tpu.memory_space<hbm>>) dst(%dma_wait3A_364 : memref<128x128xf32, #tpu.memory_space<vmem>>)
      %dma_start3A_371 = arith.constant 5 : i32
      %dma_start3A_372 = arith.constant 0 : i32
      %dma_start3A_373 = arith.constant 1 : i32
      %dma_start3A_374 = arith.constant 0 : i32
      %dma_start3A_375 = arith.constant 0 : i32
      %dma_start3A_376 = tpu.memref_slice %arg8[%dma_start3A_373, %dma_start3A_374, %dma_start3A_375] : memref<2x128x128xf32, #tpu.memory_space<vmem>> -> memref<1x128x128xf32, #tpu.memory_space<vmem>>
      %dma_start3A_377 = tpu.memref_squeeze %dma_start3A_376 : memref<1x128x128xf32, #tpu.memory_space<vmem>> -> memref<128x128xf32, #tpu.memory_space<vmem>>
      %dma_start3A_378 = arith.constant 0 : i32
      %dma_start3A_379 = tpu.memref_slice %arg7[%dma_start3A_371, %dma_start3A_372, %dma_start3A_378] : memref<16x2x128xi32, #tpu.memory_space<vmem>> -> memref<1x1x128xi32, #tpu.memory_space<vmem>>
      %dma_start3A_380 = tpu.memref_squeeze %dma_start3A_379 : memref<1x1x128xi32, #tpu.memory_space<vmem>> -> memref<128xi32, #tpu.memory_space<vmem>>
      %dma_start3A_381 = arith.constant 0 : i32
      %dma_start3A_382 = arith.constant 0 : i32
      %dma_start3A_383 = tpu.memref_slice %arg2[%dma_start3A_381, %dma_start3A_382] : memref<10240x128xf32, #tpu.memory_space<hbm>> -> memref<10240x128xf32, #tpu.memory_space<hbm>>
      tpu.enqueue_indirect_dma source(%dma_start3A_383 : memref<10240x128xf32, #tpu.memory_space<hbm>>) target(%dma_start3A_377 : memref<128x128xf32, #tpu.memory_space<vmem>>) offsets(%dma_start3A_380 : memref<128xi32, #tpu.memory_space<vmem>>) semaphore(%arg11 : memref<!tpu.dma_semaphore, #tpu.memory_space<semaphore_mem>>)
      %run_scoped3A_384 = arith.constant 0 : i32
      %run_scoped3A_385 = arith.constant 4 : i32
      %run_scoped3A_386 = arith.constant 1 : i32
      "tpu.region"() ({
        %run_scoped3A_1269 = tpu.sem_alloc : memref<!tpu.dma_semaphore, #tpu.memory_space<semaphore_mem>>
        %dma_start3A_1270 = arith.constant 0 : i32
        %dma_start3A_1271 = arith.constant 0 : i32
        %dma_start3A_1272 = tpu.memref_slice %arg8[%run_scoped3A_384, %dma_start3A_1270, %dma_start3A_1271] : memref<2x128x128xf32, #tpu.memory_space<vmem>> -> memref<1x128x128xf32, #tpu.memory_space<vmem>>
        %dma_start3A_1273 = tpu.memref_squeeze %dma_start3A_1272 : memref<1x128x128xf32, #tpu.memory_space<vmem>> -> memref<128x128xf32, #tpu.memory_space<vmem>>
        %dma_start3A_1274 = arith.constant 0 : i32
        %dma_start3A_1275 = tpu.memref_slice %arg7[%run_scoped3A_385, %run_scoped3A_386, %dma_start3A_1274] : memref<16x2x128xi32, #tpu.memory_space<vmem>> -> memref<1x1x128xi32, #tpu.memory_space<vmem>>
        %dma_start3A_1276 = tpu.memref_squeeze %dma_start3A_1275 : memref<1x1x128xi32, #tpu.memory_space<vmem>> -> memref<128xi32, #tpu.memory_space<vmem>>
        %dma_start3A_1277 = arith.constant 0 : i32
        %dma_start3A_1278 = arith.constant 0 : i32
        %dma_start3A_1279 = tpu.memref_slice %arg6[%dma_start3A_1277, %dma_start3A_1278] : memref<10240x128xf32, #tpu.memory_space<vmem_shared>> -> memref<10240x128xf32, #tpu.memory_space<vmem_shared>>
        tpu.enqueue_indirect_dma source(%dma_start3A_1273 : memref<128x128xf32, #tpu.memory_space<vmem>>) target(%dma_start3A_1279 : memref<10240x128xf32, #tpu.memory_space<vmem_shared>>) offsets(%dma_start3A_1276 : memref<128xi32, #tpu.memory_space<vmem>>) semaphore(%run_scoped3A_1269 : memref<!tpu.dma_semaphore, #tpu.memory_space<semaphore_mem>>) {add = true}
        %dma_wait3A_1280 = arith.constant 0 : i32
        %dma_wait3A_1281 = arith.constant 0 : i32
        %dma_wait3A_1282 = tpu.memref_slice %arg8[%run_scoped3A_384, %dma_wait3A_1280, %dma_wait3A_1281] : memref<2x128x128xf32, #tpu.memory_space<vmem>> -> memref<1x128x128xf32, #tpu.memory_space<vmem>>
        %dma_wait3A_1283 = tpu.memref_squeeze %dma_wait3A_1282 : memref<1x128x128xf32, #tpu.memory_space<vmem>> -> memref<128x128xf32, #tpu.memory_space<vmem>>
        %dma_wait3A_1284 = arith.constant 0 : i32
        %dma_wait3A_1285 = tpu.memref_slice %arg7[%run_scoped3A_385, %run_scoped3A_386, %dma_wait3A_1284] : memref<16x2x128xi32, #tpu.memory_space<vmem>> -> memref<1x1x128xi32, #tpu.memory_space<vmem>>
        %dma_wait3A_1286 = tpu.memref_squeeze %dma_wait3A_1285 : memref<1x1x128xi32, #tpu.memory_space<vmem>> -> memref<128xi32, #tpu.memory_space<vmem>>
        %dma_wait3A_1287 = arith.constant 0 : i32
        %dma_wait3A_1288 = arith.constant 0 : i32
        %dma_wait3A_1289 = tpu.memref_slice %arg6[%dma_wait3A_1287, %dma_wait3A_1288] : memref<10240x128xf32, #tpu.memory_space<vmem_shared>> -> memref<10240x128xf32, #tpu.memory_space<vmem_shared>>
        tpu.wait_indirect_dma semaphore(%run_scoped3A_1269 : memref<!tpu.dma_semaphore, #tpu.memory_space<semaphore_mem>>) src(%dma_wait3A_1283 : memref<128x128xf32, #tpu.memory_space<vmem>>) dst(%dma_wait3A_1289 : memref<10240x128xf32, #tpu.memory_space<vmem_shared>>)
        tpu.yield
      }) : () -> ()
      %get3A_387 = arith.constant 4 : i32
      %get3A_388 = arith.constant 1 : i32
      %get3A_389 = arith.index_cast %get3A_387 : i32 to index
      %get3A_390 = arith.index_cast %get3A_388 : i32 to index
      %get3A_391 = arith.constant 0 : index
      %get3A_392 = tpu.vector_load %arg7[%get3A_389, %get3A_390, %get3A_391] {strides = array<i32>} : memref<16x2x128xi32, #tpu.memory_space<vmem>>, vector<16xi32>,
      tpu.vector_store_idx %arg9[%get3A_392], %broadcast_in_dim3A_3 {add = true} : memref<10240xf32, #tpu.memory_space<vmem>>[vector<16xi32>], vector<16xf32>,
      %get3A_393 = arith.constant 4 : i32
      %get3A_394 = arith.constant 1 : i32
      %get3A_395 = arith.index_cast %get3A_393 : i32 to index
      %get3A_396 = arith.index_cast %get3A_394 : i32 to index
      %get3A_397 = arith.constant 16 : index
      %get3A_398 = tpu.vector_load %arg7[%get3A_395, %get3A_396, %get3A_397] {strides = array<i32>} : memref<16x2x128xi32, #tpu.memory_space<vmem>>, vector<16xi32>,
      tpu.vector_store_idx %arg9[%get3A_398], %broadcast_in_dim3A_3 {add = true} : memref<10240xf32, #tpu.memory_space<vmem>>[vector<16xi32>], vector<16xf32>,
      %get3A_399 = arith.constant 4 : i32
      %get3A_400 = arith.constant 1 : i32
      %get3A_401 = arith.index_cast %get3A_399 : i32 to index
      %get3A_402 = arith.index_cast %get3A_400 : i32 to index
      %get3A_403 = arith.constant 32 : index
      %get3A_404 = tpu.vector_load %arg7[%get3A_401, %get3A_402, %get3A_403] {strides = array<i32>} : memref<16x2x128xi32, #tpu.memory_space<vmem>>, vector<16xi32>,
      tpu.vector_store_idx %arg9[%get3A_404], %broadcast_in_dim3A_3 {add = true} : memref<10240xf32, #tpu.memory_space<vmem>>[vector<16xi32>], vector<16xf32>,
      %get3A_405 = arith.constant 4 : i32
      %get3A_406 = arith.constant 1 : i32
      %get3A_407 = arith.index_cast %get3A_405 : i32 to index
      %get3A_408 = arith.index_cast %get3A_406 : i32 to index
      %get3A_409 = arith.constant 48 : index
      %get3A_410 = tpu.vector_load %arg7[%get3A_407, %get3A_408, %get3A_409] {strides = array<i32>} : memref<16x2x128xi32, #tpu.memory_space<vmem>>, vector<16xi32>,
      tpu.vector_store_idx %arg9[%get3A_410], %broadcast_in_dim3A_3 {add = true} : memref<10240xf32, #tpu.memory_space<vmem>>[vector<16xi32>], vector<16xf32>,
      %get3A_411 = arith.constant 4 : i32
      %get3A_412 = arith.constant 1 : i32
      %get3A_413 = arith.index_cast %get3A_411 : i32 to index
      %get3A_414 = arith.index_cast %get3A_412 : i32 to index
      %get3A_415 = arith.constant 64 : index
      %get3A_416 = tpu.vector_load %arg7[%get3A_413, %get3A_414, %get3A_415] {strides = array<i32>} : memref<16x2x128xi32, #tpu.memory_space<vmem>>, vector<16xi32>,
      tpu.vector_store_idx %arg9[%get3A_416], %broadcast_in_dim3A_3 {add = true} : memref<10240xf32, #tpu.memory_space<vmem>>[vector<16xi32>], vector<16xf32>,
      %get3A_417 = arith.constant 4 : i32
      %get3A_418 = arith.constant 1 : i32
      %get3A_419 = arith.index_cast %get3A_417 : i32 to index
      %get3A_420 = arith.index_cast %get3A_418 : i32 to index
      %get3A_421 = arith.constant 80 : index
      %get3A_422 = tpu.vector_load %arg7[%get3A_419, %get3A_420, %get3A_421] {strides = array<i32>} : memref<16x2x128xi32, #tpu.memory_space<vmem>>, vector<16xi32>,
      tpu.vector_store_idx %arg9[%get3A_422], %broadcast_in_dim3A_3 {add = true} : memref<10240xf32, #tpu.memory_space<vmem>>[vector<16xi32>], vector<16xf32>,
      %get3A_423 = arith.constant 4 : i32
      %get3A_424 = arith.constant 1 : i32
      %get3A_425 = arith.index_cast %get3A_423 : i32 to index
      %get3A_426 = arith.index_cast %get3A_424 : i32 to index
      %get3A_427 = arith.constant 96 : index
      %get3A_428 = tpu.vector_load %arg7[%get3A_425, %get3A_426, %get3A_427] {strides = array<i32>} : memref<16x2x128xi32, #tpu.memory_space<vmem>>, vector<16xi32>,
      tpu.vector_store_idx %arg9[%get3A_428], %broadcast_in_dim3A_3 {add = true} : memref<10240xf32, #tpu.memory_space<vmem>>[vector<16xi32>], vector<16xf32>,
      %get3A_429 = arith.constant 4 : i32
      %get3A_430 = arith.constant 1 : i32
      %get3A_431 = arith.index_cast %get3A_429 : i32 to index
      %get3A_432 = arith.index_cast %get3A_430 : i32 to index
      %get3A_433 = arith.constant 112 : index
      %get3A_434 = tpu.vector_load %arg7[%get3A_431, %get3A_432, %get3A_433] {strides = array<i32>} : memref<16x2x128xi32, #tpu.memory_space<vmem>>, vector<16xi32>,
      tpu.vector_store_idx %arg9[%get3A_434], %broadcast_in_dim3A_3 {add = true} : memref<10240xf32, #tpu.memory_space<vmem>>[vector<16xi32>], vector<16xf32>,
      %dma_wait3A_435 = arith.constant 5 : i32
      %dma_wait3A_436 = arith.constant 0 : i32
      %dma_wait3A_437 = arith.constant 1 : i32
      %dma_wait3A_438 = arith.constant 0 : i32
      %dma_wait3A_439 = arith.constant 0 : i32
      %dma_wait3A_440 = tpu.memref_slice %arg8[%dma_wait3A_437, %dma_wait3A_438, %dma_wait3A_439] : memref<2x128x128xf32, #tpu.memory_space<vmem>> -> memref<1x128x128xf32, #tpu.memory_space<vmem>>
      %dma_wait3A_441 = tpu.memref_squeeze %dma_wait3A_440 : memref<1x128x128xf32, #tpu.memory_space<vmem>> -> memref<128x128xf32, #tpu.memory_space<vmem>>
      %dma_wait3A_442 = arith.constant 0 : i32
      %dma_wait3A_443 = tpu.memref_slice %arg7[%dma_wait3A_435, %dma_wait3A_436, %dma_wait3A_442] : memref<16x2x128xi32, #tpu.memory_space<vmem>> -> memref<1x1x128xi32, #tpu.memory_space<vmem>>
      %dma_wait3A_444 = tpu.memref_squeeze %dma_wait3A_443 : memref<1x1x128xi32, #tpu.memory_space<vmem>> -> memref<128xi32, #tpu.memory_space<vmem>>
      %dma_wait3A_445 = arith.constant 0 : i32
      %dma_wait3A_446 = arith.constant 0 : i32
      %dma_wait3A_447 = tpu.memref_slice %arg2[%dma_wait3A_445, %dma_wait3A_446] : memref<10240x128xf32, #tpu.memory_space<hbm>> -> memref<10240x128xf32, #tpu.memory_space<hbm>>
      tpu.wait_indirect_dma semaphore(%arg11 : memref<!tpu.dma_semaphore, #tpu.memory_space<semaphore_mem>>) src(%dma_wait3A_447 : memref<10240x128xf32, #tpu.memory_space<hbm>>) dst(%dma_wait3A_441 : memref<128x128xf32, #tpu.memory_space<vmem>>)
      %dma_start3A_448 = arith.constant 6 : i32
      %dma_start3A_449 = arith.constant 0 : i32
      %dma_start3A_450 = arith.constant 0 : i32
      %dma_start3A_451 = arith.constant 0 : i32
      %dma_start3A_452 = arith.constant 0 : i32
      %dma_start3A_453 = tpu.memref_slice %arg8[%dma_start3A_450, %dma_start3A_451, %dma_start3A_452] : memref<2x128x128xf32, #tpu.memory_space<vmem>> -> memref<1x128x128xf32, #tpu.memory_space<vmem>>
      %dma_start3A_454 = tpu.memref_squeeze %dma_start3A_453 : memref<1x128x128xf32, #tpu.memory_space<vmem>> -> memref<128x128xf32, #tpu.memory_space<vmem>>
      %dma_start3A_455 = arith.constant 0 : i32
      %dma_start3A_456 = tpu.memref_slice %arg7[%dma_start3A_448, %dma_start3A_449, %dma_start3A_455] : memref<16x2x128xi32, #tpu.memory_space<vmem>> -> memref<1x1x128xi32, #tpu.memory_space<vmem>>
      %dma_start3A_457 = tpu.memref_squeeze %dma_start3A_456 : memref<1x1x128xi32, #tpu.memory_space<vmem>> -> memref<128xi32, #tpu.memory_space<vmem>>
      %dma_start3A_458 = arith.constant 0 : i32
      %dma_start3A_459 = arith.constant 0 : i32
      %dma_start3A_460 = tpu.memref_slice %arg2[%dma_start3A_458, %dma_start3A_459] : memref<10240x128xf32, #tpu.memory_space<hbm>> -> memref<10240x128xf32, #tpu.memory_space<hbm>>
      tpu.enqueue_indirect_dma source(%dma_start3A_460 : memref<10240x128xf32, #tpu.memory_space<hbm>>) target(%dma_start3A_454 : memref<128x128xf32, #tpu.memory_space<vmem>>) offsets(%dma_start3A_457 : memref<128xi32, #tpu.memory_space<vmem>>) semaphore(%arg10 : memref<!tpu.dma_semaphore, #tpu.memory_space<semaphore_mem>>)
      %run_scoped3A_461 = arith.constant 1 : i32
      %run_scoped3A_462 = arith.constant 5 : i32
      %run_scoped3A_463 = arith.constant 1 : i32
      "tpu.region"() ({
        %run_scoped3A_1269 = tpu.sem_alloc : memref<!tpu.dma_semaphore, #tpu.memory_space<semaphore_mem>>
        %dma_start3A_1270 = arith.constant 0 : i32
        %dma_start3A_1271 = arith.constant 0 : i32
        %dma_start3A_1272 = tpu.memref_slice %arg8[%run_scoped3A_461, %dma_start3A_1270, %dma_start3A_1271] : memref<2x128x128xf32, #tpu.memory_space<vmem>> -> memref<1x128x128xf32, #tpu.memory_space<vmem>>
        %dma_start3A_1273 = tpu.memref_squeeze %dma_start3A_1272 : memref<1x128x128xf32, #tpu.memory_space<vmem>> -> memref<128x128xf32, #tpu.memory_space<vmem>>
        %dma_start3A_1274 = arith.constant 0 : i32
        %dma_start3A_1275 = tpu.memref_slice %arg7[%run_scoped3A_462, %run_scoped3A_463, %dma_start3A_1274] : memref<16x2x128xi32, #tpu.memory_space<vmem>> -> memref<1x1x128xi32, #tpu.memory_space<vmem>>
        %dma_start3A_1276 = tpu.memref_squeeze %dma_start3A_1275 : memref<1x1x128xi32, #tpu.memory_space<vmem>> -> memref<128xi32, #tpu.memory_space<vmem>>
        %dma_start3A_1277 = arith.constant 0 : i32
        %dma_start3A_1278 = arith.constant 0 : i32
        %dma_start3A_1279 = tpu.memref_slice %arg6[%dma_start3A_1277, %dma_start3A_1278] : memref<10240x128xf32, #tpu.memory_space<vmem_shared>> -> memref<10240x128xf32, #tpu.memory_space<vmem_shared>>
        tpu.enqueue_indirect_dma source(%dma_start3A_1273 : memref<128x128xf32, #tpu.memory_space<vmem>>) target(%dma_start3A_1279 : memref<10240x128xf32, #tpu.memory_space<vmem_shared>>) offsets(%dma_start3A_1276 : memref<128xi32, #tpu.memory_space<vmem>>) semaphore(%run_scoped3A_1269 : memref<!tpu.dma_semaphore, #tpu.memory_space<semaphore_mem>>) {add = true}
        %dma_wait3A_1280 = arith.constant 0 : i32
        %dma_wait3A_1281 = arith.constant 0 : i32
        %dma_wait3A_1282 = tpu.memref_slice %arg8[%run_scoped3A_461, %dma_wait3A_1280, %dma_wait3A_1281] : memref<2x128x128xf32, #tpu.memory_space<vmem>> -> memref<1x128x128xf32, #tpu.memory_space<vmem>>
        %dma_wait3A_1283 = tpu.memref_squeeze %dma_wait3A_1282 : memref<1x128x128xf32, #tpu.memory_space<vmem>> -> memref<128x128xf32, #tpu.memory_space<vmem>>
        %dma_wait3A_1284 = arith.constant 0 : i32
        %dma_wait3A_1285 = tpu.memref_slice %arg7[%run_scoped3A_462, %run_scoped3A_463, %dma_wait3A_1284] : memref<16x2x128xi32, #tpu.memory_space<vmem>> -> memref<1x1x128xi32, #tpu.memory_space<vmem>>
        %dma_wait3A_1286 = tpu.memref_squeeze %dma_wait3A_1285 : memref<1x1x128xi32, #tpu.memory_space<vmem>> -> memref<128xi32, #tpu.memory_space<vmem>>
        %dma_wait3A_1287 = arith.constant 0 : i32
        %dma_wait3A_1288 = arith.constant 0 : i32
        %dma_wait3A_1289 = tpu.memref_slice %arg6[%dma_wait3A_1287, %dma_wait3A_1288] : memref<10240x128xf32, #tpu.memory_space<vmem_shared>> -> memref<10240x128xf32, #tpu.memory_space<vmem_shared>>
        tpu.wait_indirect_dma semaphore(%run_scoped3A_1269 : memref<!tpu.dma_semaphore, #tpu.memory_space<semaphore_mem>>) src(%dma_wait3A_1283 : memref<128x128xf32, #tpu.memory_space<vmem>>) dst(%dma_wait3A_1289 : memref<10240x128xf32, #tpu.memory_space<vmem_shared>>)
        tpu.yield
      }) : () -> ()
      %get3A_464 = arith.constant 5 : i32
      %get3A_465 = arith.constant 1 : i32
      %get3A_466 = arith.index_cast %get3A_464 : i32 to index
      %get3A_467 = arith.index_cast %get3A_465 : i32 to index
      %get3A_468 = arith.constant 0 : index
      %get3A_469 = tpu.vector_load %arg7[%get3A_466, %get3A_467, %get3A_468] {strides = array<i32>} : memref<16x2x128xi32, #tpu.memory_space<vmem>>, vector<16xi32>,
      tpu.vector_store_idx %arg9[%get3A_469], %broadcast_in_dim3A_3 {add = true} : memref<10240xf32, #tpu.memory_space<vmem>>[vector<16xi32>], vector<16xf32>,
      %get3A_470 = arith.constant 5 : i32
      %get3A_471 = arith.constant 1 : i32
      %get3A_472 = arith.index_cast %get3A_470 : i32 to index
      %get3A_473 = arith.index_cast %get3A_471 : i32 to index
      %get3A_474 = arith.constant 16 : index
      %get3A_475 = tpu.vector_load %arg7[%get3A_472, %get3A_473, %get3A_474] {strides = array<i32>} : memref<16x2x128xi32, #tpu.memory_space<vmem>>, vector<16xi32>,
      tpu.vector_store_idx %arg9[%get3A_475], %broadcast_in_dim3A_3 {add = true} : memref<10240xf32, #tpu.memory_space<vmem>>[vector<16xi32>], vector<16xf32>,
      %get3A_476 = arith.constant 5 : i32
      %get3A_477 = arith.constant 1 : i32
      %get3A_478 = arith.index_cast %get3A_476 : i32 to index
      %get3A_479 = arith.index_cast %get3A_477 : i32 to index
      %get3A_480 = arith.constant 32 : index
      %get3A_481 = tpu.vector_load %arg7[%get3A_478, %get3A_479, %get3A_480] {strides = array<i32>} : memref<16x2x128xi32, #tpu.memory_space<vmem>>, vector<16xi32>,
      tpu.vector_store_idx %arg9[%get3A_481], %broadcast_in_dim3A_3 {add = true} : memref<10240xf32, #tpu.memory_space<vmem>>[vector<16xi32>], vector<16xf32>,
      %get3A_482 = arith.constant 5 : i32
      %get3A_483 = arith.constant 1 : i32
      %get3A_484 = arith.index_cast %get3A_482 : i32 to index
      %get3A_485 = arith.index_cast %get3A_483 : i32 to index
      %get3A_486 = arith.constant 48 : index
      %get3A_487 = tpu.vector_load %arg7[%get3A_484, %get3A_485, %get3A_486] {strides = array<i32>} : memref<16x2x128xi32, #tpu.memory_space<vmem>>, vector<16xi32>,
      tpu.vector_store_idx %arg9[%get3A_487], %broadcast_in_dim3A_3 {add = true} : memref<10240xf32, #tpu.memory_space<vmem>>[vector<16xi32>], vector<16xf32>,
      %get3A_488 = arith.constant 5 : i32
      %get3A_489 = arith.constant 1 : i32
      %get3A_490 = arith.index_cast %get3A_488 : i32 to index
      %get3A_491 = arith.index_cast %get3A_489 : i32 to index
      %get3A_492 = arith.constant 64 : index
      %get3A_493 = tpu.vector_load %arg7[%get3A_490, %get3A_491, %get3A_492] {strides = array<i32>} : memref<16x2x128xi32, #tpu.memory_space<vmem>>, vector<16xi32>,
      tpu.vector_store_idx %arg9[%get3A_493], %broadcast_in_dim3A_3 {add = true} : memref<10240xf32, #tpu.memory_space<vmem>>[vector<16xi32>], vector<16xf32>,
      %get3A_494 = arith.constant 5 : i32
      %get3A_495 = arith.constant 1 : i32
      %get3A_496 = arith.index_cast %get3A_494 : i32 to index
      %get3A_497 = arith.index_cast %get3A_495 : i32 to index
      %get3A_498 = arith.constant 80 : index
      %get3A_499 = tpu.vector_load %arg7[%get3A_496, %get3A_497, %get3A_498] {strides = array<i32>} : memref<16x2x128xi32, #tpu.memory_space<vmem>>, vector<16xi32>,
      tpu.vector_store_idx %arg9[%get3A_499], %broadcast_in_dim3A_3 {add = true} : memref<10240xf32, #tpu.memory_space<vmem>>[vector<16xi32>], vector<16xf32>,
      %get3A_500 = arith.constant 5 : i32
      %get3A_501 = arith.constant 1 : i32
      %get3A_502 = arith.index_cast %get3A_500 : i32 to index
      %get3A_503 = arith.index_cast %get3A_501 : i32 to index
      %get3A_504 = arith.constant 96 : index
      %get3A_505 = tpu.vector_load %arg7[%get3A_502, %get3A_503, %get3A_504] {strides = array<i32>} : memref<16x2x128xi32, #tpu.memory_space<vmem>>, vector<16xi32>,
      tpu.vector_store_idx %arg9[%get3A_505], %broadcast_in_dim3A_3 {add = true} : memref<10240xf32, #tpu.memory_space<vmem>>[vector<16xi32>], vector<16xf32>,
      %get3A_506 = arith.constant 5 : i32
      %get3A_507 = arith.constant 1 : i32
      %get3A_508 = arith.index_cast %get3A_506 : i32 to index
      %get3A_509 = arith.index_cast %get3A_507 : i32 to index
      %get3A_510 = arith.constant 112 : index
      %get3A_511 = tpu.vector_load %arg7[%get3A_508, %get3A_509, %get3A_510] {strides = array<i32>} : memref<16x2x128xi32, #tpu.memory_space<vmem>>, vector<16xi32>,
      tpu.vector_store_idx %arg9[%get3A_511], %broadcast_in_dim3A_3 {add = true} : memref<10240xf32, #tpu.memory_space<vmem>>[vector<16xi32>], vector<16xf32>,
      %dma_wait3A_512 = arith.constant 6 : i32
      %dma_wait3A_513 = arith.constant 0 : i32
      %dma_wait3A_514 = arith.constant 0 : i32
      %dma_wait3A_515 = arith.constant 0 : i32
      %dma_wait3A_516 = arith.constant 0 : i32
      %dma_wait3A_517 = tpu.memref_slice %arg8[%dma_wait3A_514, %dma_wait3A_515, %dma_wait3A_516] : memref<2x128x128xf32, #tpu.memory_space<vmem>> -> memref<1x128x128xf32, #tpu.memory_space<vmem>>
      %dma_wait3A_518 = tpu.memref_squeeze %dma_wait3A_517 : memref<1x128x128xf32, #tpu.memory_space<vmem>> -> memref<128x128xf32, #tpu.memory_space<vmem>>
      %dma_wait3A_519 = arith.constant 0 : i32
      %dma_wait3A_520 = tpu.memref_slice %arg7[%dma_wait3A_512, %dma_wait3A_513, %dma_wait3A_519] : memref<16x2x128xi32, #tpu.memory_space<vmem>> -> memref<1x1x128xi32, #tpu.memory_space<vmem>>
      %dma_wait3A_521 = tpu.memref_squeeze %dma_wait3A_520 : memref<1x1x128xi32, #tpu.memory_space<vmem>> -> memref<128xi32, #tpu.memory_space<vmem>>
      %dma_wait3A_522 = arith.constant 0 : i32
      %dma_wait3A_523 = arith.constant 0 : i32
      %dma_wait3A_524 = tpu.memref_slice %arg2[%dma_wait3A_522, %dma_wait3A_523] : memref<10240x128xf32, #tpu.memory_space<hbm>> -> memref<10240x128xf32, #tpu.memory_space<hbm>>
      tpu.wait_indirect_dma semaphore(%arg10 : memref<!tpu.dma_semaphore, #tpu.memory_space<semaphore_mem>>) src(%dma_wait3A_524 : memref<10240x128xf32, #tpu.memory_space<hbm>>) dst(%dma_wait3A_518 : memref<128x128xf32, #tpu.memory_space<vmem>>)
      %dma_start3A_525 = arith.constant 7 : i32
      %dma_start3A_526 = arith.constant 0 : i32
      %dma_start3A_527 = arith.constant 1 : i32
      %dma_start3A_528 = arith.constant 0 : i32
      %dma_start3A_529 = arith.constant 0 : i32
      %dma_start3A_530 = tpu.memref_slice %arg8[%dma_start3A_527, %dma_start3A_528, %dma_start3A_529] : memref<2x128x128xf32, #tpu.memory_space<vmem>> -> memref<1x128x128xf32, #tpu.memory_space<vmem>>
      %dma_start3A_531 = tpu.memref_squeeze %dma_start3A_530 : memref<1x128x128xf32, #tpu.memory_space<vmem>> -> memref<128x128xf32, #tpu.memory_space<vmem>>
      %dma_start3A_532 = arith.constant 0 : i32
      %dma_start3A_533 = tpu.memref_slice %arg7[%dma_start3A_525, %dma_start3A_526, %dma_start3A_532] : memref<16x2x128xi32, #tpu.memory_space<vmem>> -> memref<1x1x128xi32, #tpu.memory_space<vmem>>
      %dma_start3A_534 = tpu.memref_squeeze %dma_start3A_533 : memref<1x1x128xi32, #tpu.memory_space<vmem>> -> memref<128xi32, #tpu.memory_space<vmem>>
      %dma_start3A_535 = arith.constant 0 : i32
      %dma_start3A_536 = arith.constant 0 : i32
      %dma_start3A_537 = tpu.memref_slice %arg2[%dma_start3A_535, %dma_start3A_536] : memref<10240x128xf32, #tpu.memory_space<hbm>> -> memref<10240x128xf32, #tpu.memory_space<hbm>>
      tpu.enqueue_indirect_dma source(%dma_start3A_537 : memref<10240x128xf32, #tpu.memory_space<hbm>>) target(%dma_start3A_531 : memref<128x128xf32, #tpu.memory_space<vmem>>) offsets(%dma_start3A_534 : memref<128xi32, #tpu.memory_space<vmem>>) semaphore(%arg11 : memref<!tpu.dma_semaphore, #tpu.memory_space<semaphore_mem>>)
      %run_scoped3A_538 = arith.constant 0 : i32
      %run_scoped3A_539 = arith.constant 6 : i32
      %run_scoped3A_540 = arith.constant 1 : i32
      "tpu.region"() ({
        %run_scoped3A_1269 = tpu.sem_alloc : memref<!tpu.dma_semaphore, #tpu.memory_space<semaphore_mem>>
        %dma_start3A_1270 = arith.constant 0 : i32
        %dma_start3A_1271 = arith.constant 0 : i32
        %dma_start3A_1272 = tpu.memref_slice %arg8[%run_scoped3A_538, %dma_start3A_1270, %dma_start3A_1271] : memref<2x128x128xf32, #tpu.memory_space<vmem>> -> memref<1x128x128xf32, #tpu.memory_space<vmem>>
        %dma_start3A_1273 = tpu.memref_squeeze %dma_start3A_1272 : memref<1x128x128xf32, #tpu.memory_space<vmem>> -> memref<128x128xf32, #tpu.memory_space<vmem>>
        %dma_start3A_1274 = arith.constant 0 : i32
        %dma_start3A_1275 = tpu.memref_slice %arg7[%run_scoped3A_539, %run_scoped3A_540, %dma_start3A_1274] : memref<16x2x128xi32, #tpu.memory_space<vmem>> -> memref<1x1x128xi32, #tpu.memory_space<vmem>>
        %dma_start3A_1276 = tpu.memref_squeeze %dma_start3A_1275 : memref<1x1x128xi32, #tpu.memory_space<vmem>> -> memref<128xi32, #tpu.memory_space<vmem>>
        %dma_start3A_1277 = arith.constant 0 : i32
        %dma_start3A_1278 = arith.constant 0 : i32
        %dma_start3A_1279 = tpu.memref_slice %arg6[%dma_start3A_1277, %dma_start3A_1278] : memref<10240x128xf32, #tpu.memory_space<vmem_shared>> -> memref<10240x128xf32, #tpu.memory_space<vmem_shared>>
        tpu.enqueue_indirect_dma source(%dma_start3A_1273 : memref<128x128xf32, #tpu.memory_space<vmem>>) target(%dma_start3A_1279 : memref<10240x128xf32, #tpu.memory_space<vmem_shared>>) offsets(%dma_start3A_1276 : memref<128xi32, #tpu.memory_space<vmem>>) semaphore(%run_scoped3A_1269 : memref<!tpu.dma_semaphore, #tpu.memory_space<semaphore_mem>>) {add = true}
        %dma_wait3A_1280 = arith.constant 0 : i32
        %dma_wait3A_1281 = arith.constant 0 : i32
        %dma_wait3A_1282 = tpu.memref_slice %arg8[%run_scoped3A_538, %dma_wait3A_1280, %dma_wait3A_1281] : memref<2x128x128xf32, #tpu.memory_space<vmem>> -> memref<1x128x128xf32, #tpu.memory_space<vmem>>
        %dma_wait3A_1283 = tpu.memref_squeeze %dma_wait3A_1282 : memref<1x128x128xf32, #tpu.memory_space<vmem>> -> memref<128x128xf32, #tpu.memory_space<vmem>>
        %dma_wait3A_1284 = arith.constant 0 : i32
        %dma_wait3A_1285 = tpu.memref_slice %arg7[%run_scoped3A_539, %run_scoped3A_540, %dma_wait3A_1284] : memref<16x2x128xi32, #tpu.memory_space<vmem>> -> memref<1x1x128xi32, #tpu.memory_space<vmem>>
        %dma_wait3A_1286 = tpu.memref_squeeze %dma_wait3A_1285 : memref<1x1x128xi32, #tpu.memory_space<vmem>> -> memref<128xi32, #tpu.memory_space<vmem>>
        %dma_wait3A_1287 = arith.constant 0 : i32
        %dma_wait3A_1288 = arith.constant 0 : i32
        %dma_wait3A_1289 = tpu.memref_slice %arg6[%dma_wait3A_1287, %dma_wait3A_1288] : memref<10240x128xf32, #tpu.memory_space<vmem_shared>> -> memref<10240x128xf32, #tpu.memory_space<vmem_shared>>
        tpu.wait_indirect_dma semaphore(%run_scoped3A_1269 : memref<!tpu.dma_semaphore, #tpu.memory_space<semaphore_mem>>) src(%dma_wait3A_1283 : memref<128x128xf32, #tpu.memory_space<vmem>>) dst(%dma_wait3A_1289 : memref<10240x128xf32, #tpu.memory_space<vmem_shared>>)
        tpu.yield
      }) : () -> ()
      %get3A_541 = arith.constant 6 : i32
      %get3A_542 = arith.constant 1 : i32
      %get3A_543 = arith.index_cast %get3A_541 : i32 to index
      %get3A_544 = arith.index_cast %get3A_542 : i32 to index
      %get3A_545 = arith.constant 0 : index
      %get3A_546 = tpu.vector_load %arg7[%get3A_543, %get3A_544, %get3A_545] {strides = array<i32>} : memref<16x2x128xi32, #tpu.memory_space<vmem>>, vector<16xi32>,
      tpu.vector_store_idx %arg9[%get3A_546], %broadcast_in_dim3A_3 {add = true} : memref<10240xf32, #tpu.memory_space<vmem>>[vector<16xi32>], vector<16xf32>,
      %get3A_547 = arith.constant 6 : i32
      %get3A_548 = arith.constant 1 : i32
      %get3A_549 = arith.index_cast %get3A_547 : i32 to index
      %get3A_550 = arith.index_cast %get3A_548 : i32 to index
      %get3A_551 = arith.constant 16 : index
      %get3A_552 = tpu.vector_load %arg7[%get3A_549, %get3A_550, %get3A_551] {strides = array<i32>} : memref<16x2x128xi32, #tpu.memory_space<vmem>>, vector<16xi32>,
      tpu.vector_store_idx %arg9[%get3A_552], %broadcast_in_dim3A_3 {add = true} : memref<10240xf32, #tpu.memory_space<vmem>>[vector<16xi32>], vector<16xf32>,
      %get3A_553 = arith.constant 6 : i32
      %get3A_554 = arith.constant 1 : i32
      %get3A_555 = arith.index_cast %get3A_553 : i32 to index
      %get3A_556 = arith.index_cast %get3A_554 : i32 to index
      %get3A_557 = arith.constant 32 : index
      %get3A_558 = tpu.vector_load %arg7[%get3A_555, %get3A_556, %get3A_557] {strides = array<i32>} : memref<16x2x128xi32, #tpu.memory_space<vmem>>, vector<16xi32>,
      tpu.vector_store_idx %arg9[%get3A_558], %broadcast_in_dim3A_3 {add = true} : memref<10240xf32, #tpu.memory_space<vmem>>[vector<16xi32>], vector<16xf32>,
      %get3A_559 = arith.constant 6 : i32
      %get3A_560 = arith.constant 1 : i32
      %get3A_561 = arith.index_cast %get3A_559 : i32 to index
      %get3A_562 = arith.index_cast %get3A_560 : i32 to index
      %get3A_563 = arith.constant 48 : index
      %get3A_564 = tpu.vector_load %arg7[%get3A_561, %get3A_562, %get3A_563] {strides = array<i32>} : memref<16x2x128xi32, #tpu.memory_space<vmem>>, vector<16xi32>,
      tpu.vector_store_idx %arg9[%get3A_564], %broadcast_in_dim3A_3 {add = true} : memref<10240xf32, #tpu.memory_space<vmem>>[vector<16xi32>], vector<16xf32>,
      %get3A_565 = arith.constant 6 : i32
      %get3A_566 = arith.constant 1 : i32
      %get3A_567 = arith.index_cast %get3A_565 : i32 to index
      %get3A_568 = arith.index_cast %get3A_566 : i32 to index
      %get3A_569 = arith.constant 64 : index
      %get3A_570 = tpu.vector_load %arg7[%get3A_567, %get3A_568, %get3A_569] {strides = array<i32>} : memref<16x2x128xi32, #tpu.memory_space<vmem>>, vector<16xi32>,
      tpu.vector_store_idx %arg9[%get3A_570], %broadcast_in_dim3A_3 {add = true} : memref<10240xf32, #tpu.memory_space<vmem>>[vector<16xi32>], vector<16xf32>,
      %get3A_571 = arith.constant 6 : i32
      %get3A_572 = arith.constant 1 : i32
      %get3A_573 = arith.index_cast %get3A_571 : i32 to index
      %get3A_574 = arith.index_cast %get3A_572 : i32 to index
      %get3A_575 = arith.constant 80 : index
      %get3A_576 = tpu.vector_load %arg7[%get3A_573, %get3A_574, %get3A_575] {strides = array<i32>} : memref<16x2x128xi32, #tpu.memory_space<vmem>>, vector<16xi32>,
      tpu.vector_store_idx %arg9[%get3A_576], %broadcast_in_dim3A_3 {add = true} : memref<10240xf32, #tpu.memory_space<vmem>>[vector<16xi32>], vector<16xf32>,
      %get3A_577 = arith.constant 6 : i32
      %get3A_578 = arith.constant 1 : i32
      %get3A_579 = arith.index_cast %get3A_577 : i32 to index
      %get3A_580 = arith.index_cast %get3A_578 : i32 to index
      %get3A_581 = arith.constant 96 : index
      %get3A_582 = tpu.vector_load %arg7[%get3A_579, %get3A_580, %get3A_581] {strides = array<i32>} : memref<16x2x128xi32, #tpu.memory_space<vmem>>, vector<16xi32>,
      tpu.vector_store_idx %arg9[%get3A_582], %broadcast_in_dim3A_3 {add = true} : memref<10240xf32, #tpu.memory_space<vmem>>[vector<16xi32>], vector<16xf32>,
      %get3A_583 = arith.constant 6 : i32
      %get3A_584 = arith.constant 1 : i32
      %get3A_585 = arith.index_cast %get3A_583 : i32 to index
      %get3A_586 = arith.index_cast %get3A_584 : i32 to index
      %get3A_587 = arith.constant 112 : index
      %get3A_588 = tpu.vector_load %arg7[%get3A_585, %get3A_586, %get3A_587] {strides = array<i32>} : memref<16x2x128xi32, #tpu.memory_space<vmem>>, vector<16xi32>,
      tpu.vector_store_idx %arg9[%get3A_588], %broadcast_in_dim3A_3 {add = true} : memref<10240xf32, #tpu.memory_space<vmem>>[vector<16xi32>], vector<16xf32>,
      %dma_wait3A_589 = arith.constant 7 : i32
      %dma_wait3A_590 = arith.constant 0 : i32
      %dma_wait3A_591 = arith.constant 1 : i32
      %dma_wait3A_592 = arith.constant 0 : i32
      %dma_wait3A_593 = arith.constant 0 : i32
      %dma_wait3A_594 = tpu.memref_slice %arg8[%dma_wait3A_591, %dma_wait3A_592, %dma_wait3A_593] : memref<2x128x128xf32, #tpu.memory_space<vmem>> -> memref<1x128x128xf32, #tpu.memory_space<vmem>>
      %dma_wait3A_595 = tpu.memref_squeeze %dma_wait3A_594 : memref<1x128x128xf32, #tpu.memory_space<vmem>> -> memref<128x128xf32, #tpu.memory_space<vmem>>
      %dma_wait3A_596 = arith.constant 0 : i32
      %dma_wait3A_597 = tpu.memref_slice %arg7[%dma_wait3A_589, %dma_wait3A_590, %dma_wait3A_596] : memref<16x2x128xi32, #tpu.memory_space<vmem>> -> memref<1x1x128xi32, #tpu.memory_space<vmem>>
      %dma_wait3A_598 = tpu.memref_squeeze %dma_wait3A_597 : memref<1x1x128xi32, #tpu.memory_space<vmem>> -> memref<128xi32, #tpu.memory_space<vmem>>
      %dma_wait3A_599 = arith.constant 0 : i32
      %dma_wait3A_600 = arith.constant 0 : i32
      %dma_wait3A_601 = tpu.memref_slice %arg2[%dma_wait3A_599, %dma_wait3A_600] : memref<10240x128xf32, #tpu.memory_space<hbm>> -> memref<10240x128xf32, #tpu.memory_space<hbm>>
      tpu.wait_indirect_dma semaphore(%arg11 : memref<!tpu.dma_semaphore, #tpu.memory_space<semaphore_mem>>) src(%dma_wait3A_601 : memref<10240x128xf32, #tpu.memory_space<hbm>>) dst(%dma_wait3A_595 : memref<128x128xf32, #tpu.memory_space<vmem>>)
      %dma_start3A_602 = arith.constant 8 : i32
      %dma_start3A_603 = arith.constant 0 : i32
      %dma_start3A_604 = arith.constant 0 : i32
      %dma_start3A_605 = arith.constant 0 : i32
      %dma_start3A_606 = arith.constant 0 : i32
      %dma_start3A_607 = tpu.memref_slice %arg8[%dma_start3A_604, %dma_start3A_605, %dma_start3A_606] : memref<2x128x128xf32, #tpu.memory_space<vmem>> -> memref<1x128x128xf32, #tpu.memory_space<vmem>>
      %dma_start3A_608 = tpu.memref_squeeze %dma_start3A_607 : memref<1x128x128xf32, #tpu.memory_space<vmem>> -> memref<128x128xf32, #tpu.memory_space<vmem>>
      %dma_start3A_609 = arith.constant 0 : i32
      %dma_start3A_610 = tpu.memref_slice %arg7[%dma_start3A_602, %dma_start3A_603, %dma_start3A_609] : memref<16x2x128xi32, #tpu.memory_space<vmem>> -> memref<1x1x128xi32, #tpu.memory_space<vmem>>
      %dma_start3A_611 = tpu.memref_squeeze %dma_start3A_610 : memref<1x1x128xi32, #tpu.memory_space<vmem>> -> memref<128xi32, #tpu.memory_space<vmem>>
      %dma_start3A_612 = arith.constant 0 : i32
      %dma_start3A_613 = arith.constant 0 : i32
      %dma_start3A_614 = tpu.memref_slice %arg2[%dma_start3A_612, %dma_start3A_613] : memref<10240x128xf32, #tpu.memory_space<hbm>> -> memref<10240x128xf32, #tpu.memory_space<hbm>>
      tpu.enqueue_indirect_dma source(%dma_start3A_614 : memref<10240x128xf32, #tpu.memory_space<hbm>>) target(%dma_start3A_608 : memref<128x128xf32, #tpu.memory_space<vmem>>) offsets(%dma_start3A_611 : memref<128xi32, #tpu.memory_space<vmem>>) semaphore(%arg10 : memref<!tpu.dma_semaphore, #tpu.memory_space<semaphore_mem>>)
      %run_scoped3A_615 = arith.constant 1 : i32
      %run_scoped3A_616 = arith.constant 7 : i32
      %run_scoped3A_617 = arith.constant 1 : i32
      "tpu.region"() ({
        %run_scoped3A_1269 = tpu.sem_alloc : memref<!tpu.dma_semaphore, #tpu.memory_space<semaphore_mem>>
        %dma_start3A_1270 = arith.constant 0 : i32
        %dma_start3A_1271 = arith.constant 0 : i32
        %dma_start3A_1272 = tpu.memref_slice %arg8[%run_scoped3A_615, %dma_start3A_1270, %dma_start3A_1271] : memref<2x128x128xf32, #tpu.memory_space<vmem>> -> memref<1x128x128xf32, #tpu.memory_space<vmem>>
        %dma_start3A_1273 = tpu.memref_squeeze %dma_start3A_1272 : memref<1x128x128xf32, #tpu.memory_space<vmem>> -> memref<128x128xf32, #tpu.memory_space<vmem>>
        %dma_start3A_1274 = arith.constant 0 : i32
        %dma_start3A_1275 = tpu.memref_slice %arg7[%run_scoped3A_616, %run_scoped3A_617, %dma_start3A_1274] : memref<16x2x128xi32, #tpu.memory_space<vmem>> -> memref<1x1x128xi32, #tpu.memory_space<vmem>>
        %dma_start3A_1276 = tpu.memref_squeeze %dma_start3A_1275 : memref<1x1x128xi32, #tpu.memory_space<vmem>> -> memref<128xi32, #tpu.memory_space<vmem>>
        %dma_start3A_1277 = arith.constant 0 : i32
        %dma_start3A_1278 = arith.constant 0 : i32
        %dma_start3A_1279 = tpu.memref_slice %arg6[%dma_start3A_1277, %dma_start3A_1278] : memref<10240x128xf32, #tpu.memory_space<vmem_shared>> -> memref<10240x128xf32, #tpu.memory_space<vmem_shared>>
        tpu.enqueue_indirect_dma source(%dma_start3A_1273 : memref<128x128xf32, #tpu.memory_space<vmem>>) target(%dma_start3A_1279 : memref<10240x128xf32, #tpu.memory_space<vmem_shared>>) offsets(%dma_start3A_1276 : memref<128xi32, #tpu.memory_space<vmem>>) semaphore(%run_scoped3A_1269 : memref<!tpu.dma_semaphore, #tpu.memory_space<semaphore_mem>>) {add = true}
        %dma_wait3A_1280 = arith.constant 0 : i32
        %dma_wait3A_1281 = arith.constant 0 : i32
        %dma_wait3A_1282 = tpu.memref_slice %arg8[%run_scoped3A_615, %dma_wait3A_1280, %dma_wait3A_1281] : memref<2x128x128xf32, #tpu.memory_space<vmem>> -> memref<1x128x128xf32, #tpu.memory_space<vmem>>
        %dma_wait3A_1283 = tpu.memref_squeeze %dma_wait3A_1282 : memref<1x128x128xf32, #tpu.memory_space<vmem>> -> memref<128x128xf32, #tpu.memory_space<vmem>>
        %dma_wait3A_1284 = arith.constant 0 : i32
        %dma_wait3A_1285 = tpu.memref_slice %arg7[%run_scoped3A_616, %run_scoped3A_617, %dma_wait3A_1284] : memref<16x2x128xi32, #tpu.memory_space<vmem>> -> memref<1x1x128xi32, #tpu.memory_space<vmem>>
        %dma_wait3A_1286 = tpu.memref_squeeze %dma_wait3A_1285 : memref<1x1x128xi32, #tpu.memory_space<vmem>> -> memref<128xi32, #tpu.memory_space<vmem>>
        %dma_wait3A_1287 = arith.constant 0 : i32
        %dma_wait3A_1288 = arith.constant 0 : i32
        %dma_wait3A_1289 = tpu.memref_slice %arg6[%dma_wait3A_1287, %dma_wait3A_1288] : memref<10240x128xf32, #tpu.memory_space<vmem_shared>> -> memref<10240x128xf32, #tpu.memory_space<vmem_shared>>
        tpu.wait_indirect_dma semaphore(%run_scoped3A_1269 : memref<!tpu.dma_semaphore, #tpu.memory_space<semaphore_mem>>) src(%dma_wait3A_1283 : memref<128x128xf32, #tpu.memory_space<vmem>>) dst(%dma_wait3A_1289 : memref<10240x128xf32, #tpu.memory_space<vmem_shared>>)
        tpu.yield
      }) : () -> ()
      %get3A_618 = arith.constant 7 : i32
      %get3A_619 = arith.constant 1 : i32
      %get3A_620 = arith.index_cast %get3A_618 : i32 to index
      %get3A_621 = arith.index_cast %get3A_619 : i32 to index
      %get3A_622 = arith.constant 0 : index
      %get3A_623 = tpu.vector_load %arg7[%get3A_620, %get3A_621, %get3A_622] {strides = array<i32>} : memref<16x2x128xi32, #tpu.memory_space<vmem>>, vector<16xi32>,
      tpu.vector_store_idx %arg9[%get3A_623], %broadcast_in_dim3A_3 {add = true} : memref<10240xf32, #tpu.memory_space<vmem>>[vector<16xi32>], vector<16xf32>,
      %get3A_624 = arith.constant 7 : i32
      %get3A_625 = arith.constant 1 : i32
      %get3A_626 = arith.index_cast %get3A_624 : i32 to index
      %get3A_627 = arith.index_cast %get3A_625 : i32 to index
      %get3A_628 = arith.constant 16 : index
      %get3A_629 = tpu.vector_load %arg7[%get3A_626, %get3A_627, %get3A_628] {strides = array<i32>} : memref<16x2x128xi32, #tpu.memory_space<vmem>>, vector<16xi32>,
      tpu.vector_store_idx %arg9[%get3A_629], %broadcast_in_dim3A_3 {add = true} : memref<10240xf32, #tpu.memory_space<vmem>>[vector<16xi32>], vector<16xf32>,
      %get3A_630 = arith.constant 7 : i32
      %get3A_631 = arith.constant 1 : i32
      %get3A_632 = arith.index_cast %get3A_630 : i32 to index
      %get3A_633 = arith.index_cast %get3A_631 : i32 to index
      %get3A_634 = arith.constant 32 : index
      %get3A_635 = tpu.vector_load %arg7[%get3A_632, %get3A_633, %get3A_634] {strides = array<i32>} : memref<16x2x128xi32, #tpu.memory_space<vmem>>, vector<16xi32>,
      tpu.vector_store_idx %arg9[%get3A_635], %broadcast_in_dim3A_3 {add = true} : memref<10240xf32, #tpu.memory_space<vmem>>[vector<16xi32>], vector<16xf32>,
      %get3A_636 = arith.constant 7 : i32
      %get3A_637 = arith.constant 1 : i32
      %get3A_638 = arith.index_cast %get3A_636 : i32 to index
      %get3A_639 = arith.index_cast %get3A_637 : i32 to index
      %get3A_640 = arith.constant 48 : index
      %get3A_641 = tpu.vector_load %arg7[%get3A_638, %get3A_639, %get3A_640] {strides = array<i32>} : memref<16x2x128xi32, #tpu.memory_space<vmem>>, vector<16xi32>,
      tpu.vector_store_idx %arg9[%get3A_641], %broadcast_in_dim3A_3 {add = true} : memref<10240xf32, #tpu.memory_space<vmem>>[vector<16xi32>], vector<16xf32>,
      %get3A_642 = arith.constant 7 : i32
      %get3A_643 = arith.constant 1 : i32
      %get3A_644 = arith.index_cast %get3A_642 : i32 to index
      %get3A_645 = arith.index_cast %get3A_643 : i32 to index
      %get3A_646 = arith.constant 64 : index
      %get3A_647 = tpu.vector_load %arg7[%get3A_644, %get3A_645, %get3A_646] {strides = array<i32>} : memref<16x2x128xi32, #tpu.memory_space<vmem>>, vector<16xi32>,
      tpu.vector_store_idx %arg9[%get3A_647], %broadcast_in_dim3A_3 {add = true} : memref<10240xf32, #tpu.memory_space<vmem>>[vector<16xi32>], vector<16xf32>,
      %get3A_648 = arith.constant 7 : i32
      %get3A_649 = arith.constant 1 : i32
      %get3A_650 = arith.index_cast %get3A_648 : i32 to index
      %get3A_651 = arith.index_cast %get3A_649 : i32 to index
      %get3A_652 = arith.constant 80 : index
      %get3A_653 = tpu.vector_load %arg7[%get3A_650, %get3A_651, %get3A_652] {strides = array<i32>} : memref<16x2x128xi32, #tpu.memory_space<vmem>>, vector<16xi32>,
      tpu.vector_store_idx %arg9[%get3A_653], %broadcast_in_dim3A_3 {add = true} : memref<10240xf32, #tpu.memory_space<vmem>>[vector<16xi32>], vector<16xf32>,
      %get3A_654 = arith.constant 7 : i32
      %get3A_655 = arith.constant 1 : i32
      %get3A_656 = arith.index_cast %get3A_654 : i32 to index
      %get3A_657 = arith.index_cast %get3A_655 : i32 to index
      %get3A_658 = arith.constant 96 : index
      %get3A_659 = tpu.vector_load %arg7[%get3A_656, %get3A_657, %get3A_658] {strides = array<i32>} : memref<16x2x128xi32, #tpu.memory_space<vmem>>, vector<16xi32>,
      tpu.vector_store_idx %arg9[%get3A_659], %broadcast_in_dim3A_3 {add = true} : memref<10240xf32, #tpu.memory_space<vmem>>[vector<16xi32>], vector<16xf32>,
      %get3A_660 = arith.constant 7 : i32
      %get3A_661 = arith.constant 1 : i32
      %get3A_662 = arith.index_cast %get3A_660 : i32 to index
      %get3A_663 = arith.index_cast %get3A_661 : i32 to index
      %get3A_664 = arith.constant 112 : index
      %get3A_665 = tpu.vector_load %arg7[%get3A_662, %get3A_663, %get3A_664] {strides = array<i32>} : memref<16x2x128xi32, #tpu.memory_space<vmem>>, vector<16xi32>,
      tpu.vector_store_idx %arg9[%get3A_665], %broadcast_in_dim3A_3 {add = true} : memref<10240xf32, #tpu.memory_space<vmem>>[vector<16xi32>], vector<16xf32>,
      %dma_wait3A_666 = arith.constant 8 : i32
      %dma_wait3A_667 = arith.constant 0 : i32
      %dma_wait3A_668 = arith.constant 0 : i32
      %dma_wait3A_669 = arith.constant 0 : i32
      %dma_wait3A_670 = arith.constant 0 : i32
      %dma_wait3A_671 = tpu.memref_slice %arg8[%dma_wait3A_668, %dma_wait3A_669, %dma_wait3A_670] : memref<2x128x128xf32, #tpu.memory_space<vmem>> -> memref<1x128x128xf32, #tpu.memory_space<vmem>>
      %dma_wait3A_672 = tpu.memref_squeeze %dma_wait3A_671 : memref<1x128x128xf32, #tpu.memory_space<vmem>> -> memref<128x128xf32, #tpu.memory_space<vmem>>
      %dma_wait3A_673 = arith.constant 0 : i32
      %dma_wait3A_674 = tpu.memref_slice %arg7[%dma_wait3A_666, %dma_wait3A_667, %dma_wait3A_673] : memref<16x2x128xi32, #tpu.memory_space<vmem>> -> memref<1x1x128xi32, #tpu.memory_space<vmem>>
      %dma_wait3A_675 = tpu.memref_squeeze %dma_wait3A_674 : memref<1x1x128xi32, #tpu.memory_space<vmem>> -> memref<128xi32, #tpu.memory_space<vmem>>
      %dma_wait3A_676 = arith.constant 0 : i32
      %dma_wait3A_677 = arith.constant 0 : i32
      %dma_wait3A_678 = tpu.memref_slice %arg2[%dma_wait3A_676, %dma_wait3A_677] : memref<10240x128xf32, #tpu.memory_space<hbm>> -> memref<10240x128xf32, #tpu.memory_space<hbm>>
      tpu.wait_indirect_dma semaphore(%arg10 : memref<!tpu.dma_semaphore, #tpu.memory_space<semaphore_mem>>) src(%dma_wait3A_678 : memref<10240x128xf32, #tpu.memory_space<hbm>>) dst(%dma_wait3A_672 : memref<128x128xf32, #tpu.memory_space<vmem>>)
      %dma_start3A_679 = arith.constant 9 : i32
      %dma_start3A_680 = arith.constant 0 : i32
      %dma_start3A_681 = arith.constant 1 : i32
      %dma_start3A_682 = arith.constant 0 : i32
      %dma_start3A_683 = arith.constant 0 : i32
      %dma_start3A_684 = tpu.memref_slice %arg8[%dma_start3A_681, %dma_start3A_682, %dma_start3A_683] : memref<2x128x128xf32, #tpu.memory_space<vmem>> -> memref<1x128x128xf32, #tpu.memory_space<vmem>>
      %dma_start3A_685 = tpu.memref_squeeze %dma_start3A_684 : memref<1x128x128xf32, #tpu.memory_space<vmem>> -> memref<128x128xf32, #tpu.memory_space<vmem>>
      %dma_start3A_686 = arith.constant 0 : i32
      %dma_start3A_687 = tpu.memref_slice %arg7[%dma_start3A_679, %dma_start3A_680, %dma_start3A_686] : memref<16x2x128xi32, #tpu.memory_space<vmem>> -> memref<1x1x128xi32, #tpu.memory_space<vmem>>
      %dma_start3A_688 = tpu.memref_squeeze %dma_start3A_687 : memref<1x1x128xi32, #tpu.memory_space<vmem>> -> memref<128xi32, #tpu.memory_space<vmem>>
      %dma_start3A_689 = arith.constant 0 : i32
      %dma_start3A_690 = arith.constant 0 : i32
      %dma_start3A_691 = tpu.memref_slice %arg2[%dma_start3A_689, %dma_start3A_690] : memref<10240x128xf32, #tpu.memory_space<hbm>> -> memref<10240x128xf32, #tpu.memory_space<hbm>>
      tpu.enqueue_indirect_dma source(%dma_start3A_691 : memref<10240x128xf32, #tpu.memory_space<hbm>>) target(%dma_start3A_685 : memref<128x128xf32, #tpu.memory_space<vmem>>) offsets(%dma_start3A_688 : memref<128xi32, #tpu.memory_space<vmem>>) semaphore(%arg11 : memref<!tpu.dma_semaphore, #tpu.memory_space<semaphore_mem>>)
      %run_scoped3A_692 = arith.constant 0 : i32
      %run_scoped3A_693 = arith.constant 8 : i32
      %run_scoped3A_694 = arith.constant 1 : i32
      "tpu.region"() ({
        %run_scoped3A_1269 = tpu.sem_alloc : memref<!tpu.dma_semaphore, #tpu.memory_space<semaphore_mem>>
        %dma_start3A_1270 = arith.constant 0 : i32
        %dma_start3A_1271 = arith.constant 0 : i32
        %dma_start3A_1272 = tpu.memref_slice %arg8[%run_scoped3A_692, %dma_start3A_1270, %dma_start3A_1271] : memref<2x128x128xf32, #tpu.memory_space<vmem>> -> memref<1x128x128xf32, #tpu.memory_space<vmem>>
        %dma_start3A_1273 = tpu.memref_squeeze %dma_start3A_1272 : memref<1x128x128xf32, #tpu.memory_space<vmem>> -> memref<128x128xf32, #tpu.memory_space<vmem>>
        %dma_start3A_1274 = arith.constant 0 : i32
        %dma_start3A_1275 = tpu.memref_slice %arg7[%run_scoped3A_693, %run_scoped3A_694, %dma_start3A_1274] : memref<16x2x128xi32, #tpu.memory_space<vmem>> -> memref<1x1x128xi32, #tpu.memory_space<vmem>>
        %dma_start3A_1276 = tpu.memref_squeeze %dma_start3A_1275 : memref<1x1x128xi32, #tpu.memory_space<vmem>> -> memref<128xi32, #tpu.memory_space<vmem>>
        %dma_start3A_1277 = arith.constant 0 : i32
        %dma_start3A_1278 = arith.constant 0 : i32
        %dma_start3A_1279 = tpu.memref_slice %arg6[%dma_start3A_1277, %dma_start3A_1278] : memref<10240x128xf32, #tpu.memory_space<vmem_shared>> -> memref<10240x128xf32, #tpu.memory_space<vmem_shared>>
        tpu.enqueue_indirect_dma source(%dma_start3A_1273 : memref<128x128xf32, #tpu.memory_space<vmem>>) target(%dma_start3A_1279 : memref<10240x128xf32, #tpu.memory_space<vmem_shared>>) offsets(%dma_start3A_1276 : memref<128xi32, #tpu.memory_space<vmem>>) semaphore(%run_scoped3A_1269 : memref<!tpu.dma_semaphore, #tpu.memory_space<semaphore_mem>>) {add = true}
        %dma_wait3A_1280 = arith.constant 0 : i32
        %dma_wait3A_1281 = arith.constant 0 : i32
        %dma_wait3A_1282 = tpu.memref_slice %arg8[%run_scoped3A_692, %dma_wait3A_1280, %dma_wait3A_1281] : memref<2x128x128xf32, #tpu.memory_space<vmem>> -> memref<1x128x128xf32, #tpu.memory_space<vmem>>
        %dma_wait3A_1283 = tpu.memref_squeeze %dma_wait3A_1282 : memref<1x128x128xf32, #tpu.memory_space<vmem>> -> memref<128x128xf32, #tpu.memory_space<vmem>>
        %dma_wait3A_1284 = arith.constant 0 : i32
        %dma_wait3A_1285 = tpu.memref_slice %arg7[%run_scoped3A_693, %run_scoped3A_694, %dma_wait3A_1284] : memref<16x2x128xi32, #tpu.memory_space<vmem>> -> memref<1x1x128xi32, #tpu.memory_space<vmem>>
        %dma_wait3A_1286 = tpu.memref_squeeze %dma_wait3A_1285 : memref<1x1x128xi32, #tpu.memory_space<vmem>> -> memref<128xi32, #tpu.memory_space<vmem>>
        %dma_wait3A_1287 = arith.constant 0 : i32
        %dma_wait3A_1288 = arith.constant 0 : i32
        %dma_wait3A_1289 = tpu.memref_slice %arg6[%dma_wait3A_1287, %dma_wait3A_1288] : memref<10240x128xf32, #tpu.memory_space<vmem_shared>> -> memref<10240x128xf32, #tpu.memory_space<vmem_shared>>
        tpu.wait_indirect_dma semaphore(%run_scoped3A_1269 : memref<!tpu.dma_semaphore, #tpu.memory_space<semaphore_mem>>) src(%dma_wait3A_1283 : memref<128x128xf32, #tpu.memory_space<vmem>>) dst(%dma_wait3A_1289 : memref<10240x128xf32, #tpu.memory_space<vmem_shared>>)
        tpu.yield
      }) : () -> ()
      %get3A_695 = arith.constant 8 : i32
      %get3A_696 = arith.constant 1 : i32
      %get3A_697 = arith.index_cast %get3A_695 : i32 to index
      %get3A_698 = arith.index_cast %get3A_696 : i32 to index
      %get3A_699 = arith.constant 0 : index
      %get3A_700 = tpu.vector_load %arg7[%get3A_697, %get3A_698, %get3A_699] {strides = array<i32>} : memref<16x2x128xi32, #tpu.memory_space<vmem>>, vector<16xi32>,
      tpu.vector_store_idx %arg9[%get3A_700], %broadcast_in_dim3A_3 {add = true} : memref<10240xf32, #tpu.memory_space<vmem>>[vector<16xi32>], vector<16xf32>,
      %get3A_701 = arith.constant 8 : i32
      %get3A_702 = arith.constant 1 : i32
      %get3A_703 = arith.index_cast %get3A_701 : i32 to index
      %get3A_704 = arith.index_cast %get3A_702 : i32 to index
      %get3A_705 = arith.constant 16 : index
      %get3A_706 = tpu.vector_load %arg7[%get3A_703, %get3A_704, %get3A_705] {strides = array<i32>} : memref<16x2x128xi32, #tpu.memory_space<vmem>>, vector<16xi32>,
      tpu.vector_store_idx %arg9[%get3A_706], %broadcast_in_dim3A_3 {add = true} : memref<10240xf32, #tpu.memory_space<vmem>>[vector<16xi32>], vector<16xf32>,
      %get3A_707 = arith.constant 8 : i32
      %get3A_708 = arith.constant 1 : i32
      %get3A_709 = arith.index_cast %get3A_707 : i32 to index
      %get3A_710 = arith.index_cast %get3A_708 : i32 to index
      %get3A_711 = arith.constant 32 : index
      %get3A_712 = tpu.vector_load %arg7[%get3A_709, %get3A_710, %get3A_711] {strides = array<i32>} : memref<16x2x128xi32, #tpu.memory_space<vmem>>, vector<16xi32>,
      tpu.vector_store_idx %arg9[%get3A_712], %broadcast_in_dim3A_3 {add = true} : memref<10240xf32, #tpu.memory_space<vmem>>[vector<16xi32>], vector<16xf32>,
      %get3A_713 = arith.constant 8 : i32
      %get3A_714 = arith.constant 1 : i32
      %get3A_715 = arith.index_cast %get3A_713 : i32 to index
      %get3A_716 = arith.index_cast %get3A_714 : i32 to index
      %get3A_717 = arith.constant 48 : index
      %get3A_718 = tpu.vector_load %arg7[%get3A_715, %get3A_716, %get3A_717] {strides = array<i32>} : memref<16x2x128xi32, #tpu.memory_space<vmem>>, vector<16xi32>,
      tpu.vector_store_idx %arg9[%get3A_718], %broadcast_in_dim3A_3 {add = true} : memref<10240xf32, #tpu.memory_space<vmem>>[vector<16xi32>], vector<16xf32>,
      %get3A_719 = arith.constant 8 : i32
      %get3A_720 = arith.constant 1 : i32
      %get3A_721 = arith.index_cast %get3A_719 : i32 to index
      %get3A_722 = arith.index_cast %get3A_720 : i32 to index
      %get3A_723 = arith.constant 64 : index
      %get3A_724 = tpu.vector_load %arg7[%get3A_721, %get3A_722, %get3A_723] {strides = array<i32>} : memref<16x2x128xi32, #tpu.memory_space<vmem>>, vector<16xi32>,
      tpu.vector_store_idx %arg9[%get3A_724], %broadcast_in_dim3A_3 {add = true} : memref<10240xf32, #tpu.memory_space<vmem>>[vector<16xi32>], vector<16xf32>,
      %get3A_725 = arith.constant 8 : i32
      %get3A_726 = arith.constant 1 : i32
      %get3A_727 = arith.index_cast %get3A_725 : i32 to index
      %get3A_728 = arith.index_cast %get3A_726 : i32 to index
      %get3A_729 = arith.constant 80 : index
      %get3A_730 = tpu.vector_load %arg7[%get3A_727, %get3A_728, %get3A_729] {strides = array<i32>} : memref<16x2x128xi32, #tpu.memory_space<vmem>>, vector<16xi32>,
      tpu.vector_store_idx %arg9[%get3A_730], %broadcast_in_dim3A_3 {add = true} : memref<10240xf32, #tpu.memory_space<vmem>>[vector<16xi32>], vector<16xf32>,
      %get3A_731 = arith.constant 8 : i32
      %get3A_732 = arith.constant 1 : i32
      %get3A_733 = arith.index_cast %get3A_731 : i32 to index
      %get3A_734 = arith.index_cast %get3A_732 : i32 to index
      %get3A_735 = arith.constant 96 : index
      %get3A_736 = tpu.vector_load %arg7[%get3A_733, %get3A_734, %get3A_735] {strides = array<i32>} : memref<16x2x128xi32, #tpu.memory_space<vmem>>, vector<16xi32>,
      tpu.vector_store_idx %arg9[%get3A_736], %broadcast_in_dim3A_3 {add = true} : memref<10240xf32, #tpu.memory_space<vmem>>[vector<16xi32>], vector<16xf32>,
      %get3A_737 = arith.constant 8 : i32
      %get3A_738 = arith.constant 1 : i32
      %get3A_739 = arith.index_cast %get3A_737 : i32 to index
      %get3A_740 = arith.index_cast %get3A_738 : i32 to index
      %get3A_741 = arith.constant 112 : index
      %get3A_742 = tpu.vector_load %arg7[%get3A_739, %get3A_740, %get3A_741] {strides = array<i32>} : memref<16x2x128xi32, #tpu.memory_space<vmem>>, vector<16xi32>,
      tpu.vector_store_idx %arg9[%get3A_742], %broadcast_in_dim3A_3 {add = true} : memref<10240xf32, #tpu.memory_space<vmem>>[vector<16xi32>], vector<16xf32>,
      %dma_wait3A_743 = arith.constant 9 : i32
      %dma_wait3A_744 = arith.constant 0 : i32
      %dma_wait3A_745 = arith.constant 1 : i32
      %dma_wait3A_746 = arith.constant 0 : i32
      %dma_wait3A_747 = arith.constant 0 : i32
      %dma_wait3A_748 = tpu.memref_slice %arg8[%dma_wait3A_745, %dma_wait3A_746, %dma_wait3A_747] : memref<2x128x128xf32, #tpu.memory_space<vmem>> -> memref<1x128x128xf32, #tpu.memory_space<vmem>>
      %dma_wait3A_749 = tpu.memref_squeeze %dma_wait3A_748 : memref<1x128x128xf32, #tpu.memory_space<vmem>> -> memref<128x128xf32, #tpu.memory_space<vmem>>
      %dma_wait3A_750 = arith.constant 0 : i32
      %dma_wait3A_751 = tpu.memref_slice %arg7[%dma_wait3A_743, %dma_wait3A_744, %dma_wait3A_750] : memref<16x2x128xi32, #tpu.memory_space<vmem>> -> memref<1x1x128xi32, #tpu.memory_space<vmem>>
      %dma_wait3A_752 = tpu.memref_squeeze %dma_wait3A_751 : memref<1x1x128xi32, #tpu.memory_space<vmem>> -> memref<128xi32, #tpu.memory_space<vmem>>
      %dma_wait3A_753 = arith.constant 0 : i32
      %dma_wait3A_754 = arith.constant 0 : i32
      %dma_wait3A_755 = tpu.memref_slice %arg2[%dma_wait3A_753, %dma_wait3A_754] : memref<10240x128xf32, #tpu.memory_space<hbm>> -> memref<10240x128xf32, #tpu.memory_space<hbm>>
      tpu.wait_indirect_dma semaphore(%arg11 : memref<!tpu.dma_semaphore, #tpu.memory_space<semaphore_mem>>) src(%dma_wait3A_755 : memref<10240x128xf32, #tpu.memory_space<hbm>>) dst(%dma_wait3A_749 : memref<128x128xf32, #tpu.memory_space<vmem>>)
      %dma_start3A_756 = arith.constant 10 : i32
      %dma_start3A_757 = arith.constant 0 : i32
      %dma_start3A_758 = arith.constant 0 : i32
      %dma_start3A_759 = arith.constant 0 : i32
      %dma_start3A_760 = arith.constant 0 : i32
      %dma_start3A_761 = tpu.memref_slice %arg8[%dma_start3A_758, %dma_start3A_759, %dma_start3A_760] : memref<2x128x128xf32, #tpu.memory_space<vmem>> -> memref<1x128x128xf32, #tpu.memory_space<vmem>>
      %dma_start3A_762 = tpu.memref_squeeze %dma_start3A_761 : memref<1x128x128xf32, #tpu.memory_space<vmem>> -> memref<128x128xf32, #tpu.memory_space<vmem>>
      %dma_start3A_763 = arith.constant 0 : i32
      %dma_start3A_764 = tpu.memref_slice %arg7[%dma_start3A_756, %dma_start3A_757, %dma_start3A_763] : memref<16x2x128xi32, #tpu.memory_space<vmem>> -> memref<1x1x128xi32, #tpu.memory_space<vmem>>
      %dma_start3A_765 = tpu.memref_squeeze %dma_start3A_764 : memref<1x1x128xi32, #tpu.memory_space<vmem>> -> memref<128xi32, #tpu.memory_space<vmem>>
      %dma_start3A_766 = arith.constant 0 : i32
      %dma_start3A_767 = arith.constant 0 : i32
      %dma_start3A_768 = tpu.memref_slice %arg2[%dma_start3A_766, %dma_start3A_767] : memref<10240x128xf32, #tpu.memory_space<hbm>> -> memref<10240x128xf32, #tpu.memory_space<hbm>>
      tpu.enqueue_indirect_dma source(%dma_start3A_768 : memref<10240x128xf32, #tpu.memory_space<hbm>>) target(%dma_start3A_762 : memref<128x128xf32, #tpu.memory_space<vmem>>) offsets(%dma_start3A_765 : memref<128xi32, #tpu.memory_space<vmem>>) semaphore(%arg10 : memref<!tpu.dma_semaphore, #tpu.memory_space<semaphore_mem>>)
      %run_scoped3A_769 = arith.constant 1 : i32
      %run_scoped3A_770 = arith.constant 9 : i32
      %run_scoped3A_771 = arith.constant 1 : i32
      "tpu.region"() ({
        %run_scoped3A_1269 = tpu.sem_alloc : memref<!tpu.dma_semaphore, #tpu.memory_space<semaphore_mem>>
        %dma_start3A_1270 = arith.constant 0 : i32
        %dma_start3A_1271 = arith.constant 0 : i32
        %dma_start3A_1272 = tpu.memref_slice %arg8[%run_scoped3A_769, %dma_start3A_1270, %dma_start3A_1271] : memref<2x128x128xf32, #tpu.memory_space<vmem>> -> memref<1x128x128xf32, #tpu.memory_space<vmem>>
        %dma_start3A_1273 = tpu.memref_squeeze %dma_start3A_1272 : memref<1x128x128xf32, #tpu.memory_space<vmem>> -> memref<128x128xf32, #tpu.memory_space<vmem>>
        %dma_start3A_1274 = arith.constant 0 : i32
        %dma_start3A_1275 = tpu.memref_slice %arg7[%run_scoped3A_770, %run_scoped3A_771, %dma_start3A_1274] : memref<16x2x128xi32, #tpu.memory_space<vmem>> -> memref<1x1x128xi32, #tpu.memory_space<vmem>>
        %dma_start3A_1276 = tpu.memref_squeeze %dma_start3A_1275 : memref<1x1x128xi32, #tpu.memory_space<vmem>> -> memref<128xi32, #tpu.memory_space<vmem>>
        %dma_start3A_1277 = arith.constant 0 : i32
        %dma_start3A_1278 = arith.constant 0 : i32
        %dma_start3A_1279 = tpu.memref_slice %arg6[%dma_start3A_1277, %dma_start3A_1278] : memref<10240x128xf32, #tpu.memory_space<vmem_shared>> -> memref<10240x128xf32, #tpu.memory_space<vmem_shared>>
        tpu.enqueue_indirect_dma source(%dma_start3A_1273 : memref<128x128xf32, #tpu.memory_space<vmem>>) target(%dma_start3A_1279 : memref<10240x128xf32, #tpu.memory_space<vmem_shared>>) offsets(%dma_start3A_1276 : memref<128xi32, #tpu.memory_space<vmem>>) semaphore(%run_scoped3A_1269 : memref<!tpu.dma_semaphore, #tpu.memory_space<semaphore_mem>>) {add = true}
        %dma_wait3A_1280 = arith.constant 0 : i32
        %dma_wait3A_1281 = arith.constant 0 : i32
        %dma_wait3A_1282 = tpu.memref_slice %arg8[%run_scoped3A_769, %dma_wait3A_1280, %dma_wait3A_1281] : memref<2x128x128xf32, #tpu.memory_space<vmem>> -> memref<1x128x128xf32, #tpu.memory_space<vmem>>
        %dma_wait3A_1283 = tpu.memref_squeeze %dma_wait3A_1282 : memref<1x128x128xf32, #tpu.memory_space<vmem>> -> memref<128x128xf32, #tpu.memory_space<vmem>>
        %dma_wait3A_1284 = arith.constant 0 : i32
        %dma_wait3A_1285 = tpu.memref_slice %arg7[%run_scoped3A_770, %run_scoped3A_771, %dma_wait3A_1284] : memref<16x2x128xi32, #tpu.memory_space<vmem>> -> memref<1x1x128xi32, #tpu.memory_space<vmem>>
        %dma_wait3A_1286 = tpu.memref_squeeze %dma_wait3A_1285 : memref<1x1x128xi32, #tpu.memory_space<vmem>> -> memref<128xi32, #tpu.memory_space<vmem>>
        %dma_wait3A_1287 = arith.constant 0 : i32
        %dma_wait3A_1288 = arith.constant 0 : i32
        %dma_wait3A_1289 = tpu.memref_slice %arg6[%dma_wait3A_1287, %dma_wait3A_1288] : memref<10240x128xf32, #tpu.memory_space<vmem_shared>> -> memref<10240x128xf32, #tpu.memory_space<vmem_shared>>
        tpu.wait_indirect_dma semaphore(%run_scoped3A_1269 : memref<!tpu.dma_semaphore, #tpu.memory_space<semaphore_mem>>) src(%dma_wait3A_1283 : memref<128x128xf32, #tpu.memory_space<vmem>>) dst(%dma_wait3A_1289 : memref<10240x128xf32, #tpu.memory_space<vmem_shared>>)
        tpu.yield
      }) : () -> ()
      %get3A_772 = arith.constant 9 : i32
      %get3A_773 = arith.constant 1 : i32
      %get3A_774 = arith.index_cast %get3A_772 : i32 to index
      %get3A_775 = arith.index_cast %get3A_773 : i32 to index
      %get3A_776 = arith.constant 0 : index
      %get3A_777 = tpu.vector_load %arg7[%get3A_774, %get3A_775, %get3A_776] {strides = array<i32>} : memref<16x2x128xi32, #tpu.memory_space<vmem>>, vector<16xi32>,
      tpu.vector_store_idx %arg9[%get3A_777], %broadcast_in_dim3A_3 {add = true} : memref<10240xf32, #tpu.memory_space<vmem>>[vector<16xi32>], vector<16xf32>,
      %get3A_778 = arith.constant 9 : i32
      %get3A_779 = arith.constant 1 : i32
      %get3A_780 = arith.index_cast %get3A_778 : i32 to index
      %get3A_781 = arith.index_cast %get3A_779 : i32 to index
      %get3A_782 = arith.constant 16 : index
      %get3A_783 = tpu.vector_load %arg7[%get3A_780, %get3A_781, %get3A_782] {strides = array<i32>} : memref<16x2x128xi32, #tpu.memory_space<vmem>>, vector<16xi32>,
      tpu.vector_store_idx %arg9[%get3A_783], %broadcast_in_dim3A_3 {add = true} : memref<10240xf32, #tpu.memory_space<vmem>>[vector<16xi32>], vector<16xf32>,
      %get3A_784 = arith.constant 9 : i32
      %get3A_785 = arith.constant 1 : i32
      %get3A_786 = arith.index_cast %get3A_784 : i32 to index
      %get3A_787 = arith.index_cast %get3A_785 : i32 to index
      %get3A_788 = arith.constant 32 : index
      %get3A_789 = tpu.vector_load %arg7[%get3A_786, %get3A_787, %get3A_788] {strides = array<i32>} : memref<16x2x128xi32, #tpu.memory_space<vmem>>, vector<16xi32>,
      tpu.vector_store_idx %arg9[%get3A_789], %broadcast_in_dim3A_3 {add = true} : memref<10240xf32, #tpu.memory_space<vmem>>[vector<16xi32>], vector<16xf32>,
      %get3A_790 = arith.constant 9 : i32
      %get3A_791 = arith.constant 1 : i32
      %get3A_792 = arith.index_cast %get3A_790 : i32 to index
      %get3A_793 = arith.index_cast %get3A_791 : i32 to index
      %get3A_794 = arith.constant 48 : index
      %get3A_795 = tpu.vector_load %arg7[%get3A_792, %get3A_793, %get3A_794] {strides = array<i32>} : memref<16x2x128xi32, #tpu.memory_space<vmem>>, vector<16xi32>,
      tpu.vector_store_idx %arg9[%get3A_795], %broadcast_in_dim3A_3 {add = true} : memref<10240xf32, #tpu.memory_space<vmem>>[vector<16xi32>], vector<16xf32>,
      %get3A_796 = arith.constant 9 : i32
      %get3A_797 = arith.constant 1 : i32
      %get3A_798 = arith.index_cast %get3A_796 : i32 to index
      %get3A_799 = arith.index_cast %get3A_797 : i32 to index
      %get3A_800 = arith.constant 64 : index
      %get3A_801 = tpu.vector_load %arg7[%get3A_798, %get3A_799, %get3A_800] {strides = array<i32>} : memref<16x2x128xi32, #tpu.memory_space<vmem>>, vector<16xi32>,
      tpu.vector_store_idx %arg9[%get3A_801], %broadcast_in_dim3A_3 {add = true} : memref<10240xf32, #tpu.memory_space<vmem>>[vector<16xi32>], vector<16xf32>,
      %get3A_802 = arith.constant 9 : i32
      %get3A_803 = arith.constant 1 : i32
      %get3A_804 = arith.index_cast %get3A_802 : i32 to index
      %get3A_805 = arith.index_cast %get3A_803 : i32 to index
      %get3A_806 = arith.constant 80 : index
      %get3A_807 = tpu.vector_load %arg7[%get3A_804, %get3A_805, %get3A_806] {strides = array<i32>} : memref<16x2x128xi32, #tpu.memory_space<vmem>>, vector<16xi32>,
      tpu.vector_store_idx %arg9[%get3A_807], %broadcast_in_dim3A_3 {add = true} : memref<10240xf32, #tpu.memory_space<vmem>>[vector<16xi32>], vector<16xf32>,
      %get3A_808 = arith.constant 9 : i32
      %get3A_809 = arith.constant 1 : i32
      %get3A_810 = arith.index_cast %get3A_808 : i32 to index
      %get3A_811 = arith.index_cast %get3A_809 : i32 to index
      %get3A_812 = arith.constant 96 : index
      %get3A_813 = tpu.vector_load %arg7[%get3A_810, %get3A_811, %get3A_812] {strides = array<i32>} : memref<16x2x128xi32, #tpu.memory_space<vmem>>, vector<16xi32>,
      tpu.vector_store_idx %arg9[%get3A_813], %broadcast_in_dim3A_3 {add = true} : memref<10240xf32, #tpu.memory_space<vmem>>[vector<16xi32>], vector<16xf32>,
      %get3A_814 = arith.constant 9 : i32
      %get3A_815 = arith.constant 1 : i32
      %get3A_816 = arith.index_cast %get3A_814 : i32 to index
      %get3A_817 = arith.index_cast %get3A_815 : i32 to index
      %get3A_818 = arith.constant 112 : index
      %get3A_819 = tpu.vector_load %arg7[%get3A_816, %get3A_817, %get3A_818] {strides = array<i32>} : memref<16x2x128xi32, #tpu.memory_space<vmem>>, vector<16xi32>,
      tpu.vector_store_idx %arg9[%get3A_819], %broadcast_in_dim3A_3 {add = true} : memref<10240xf32, #tpu.memory_space<vmem>>[vector<16xi32>], vector<16xf32>,
      %dma_wait3A_820 = arith.constant 10 : i32
      %dma_wait3A_821 = arith.constant 0 : i32
      %dma_wait3A_822 = arith.constant 0 : i32
      %dma_wait3A_823 = arith.constant 0 : i32
      %dma_wait3A_824 = arith.constant 0 : i32
      %dma_wait3A_825 = tpu.memref_slice %arg8[%dma_wait3A_822, %dma_wait3A_823, %dma_wait3A_824] : memref<2x128x128xf32, #tpu.memory_space<vmem>> -> memref<1x128x128xf32, #tpu.memory_space<vmem>>
      %dma_wait3A_826 = tpu.memref_squeeze %dma_wait3A_825 : memref<1x128x128xf32, #tpu.memory_space<vmem>> -> memref<128x128xf32, #tpu.memory_space<vmem>>
      %dma_wait3A_827 = arith.constant 0 : i32
      %dma_wait3A_828 = tpu.memref_slice %arg7[%dma_wait3A_820, %dma_wait3A_821, %dma_wait3A_827] : memref<16x2x128xi32, #tpu.memory_space<vmem>> -> memref<1x1x128xi32, #tpu.memory_space<vmem>>
      %dma_wait3A_829 = tpu.memref_squeeze %dma_wait3A_828 : memref<1x1x128xi32, #tpu.memory_space<vmem>> -> memref<128xi32, #tpu.memory_space<vmem>>
      %dma_wait3A_830 = arith.constant 0 : i32
      %dma_wait3A_831 = arith.constant 0 : i32
      %dma_wait3A_832 = tpu.memref_slice %arg2[%dma_wait3A_830, %dma_wait3A_831] : memref<10240x128xf32, #tpu.memory_space<hbm>> -> memref<10240x128xf32, #tpu.memory_space<hbm>>
      tpu.wait_indirect_dma semaphore(%arg10 : memref<!tpu.dma_semaphore, #tpu.memory_space<semaphore_mem>>) src(%dma_wait3A_832 : memref<10240x128xf32, #tpu.memory_space<hbm>>) dst(%dma_wait3A_826 : memref<128x128xf32, #tpu.memory_space<vmem>>)
      %dma_start3A_833 = arith.constant 11 : i32
      %dma_start3A_834 = arith.constant 0 : i32
      %dma_start3A_835 = arith.constant 1 : i32
      %dma_start3A_836 = arith.constant 0 : i32
      %dma_start3A_837 = arith.constant 0 : i32
      %dma_start3A_838 = tpu.memref_slice %arg8[%dma_start3A_835, %dma_start3A_836, %dma_start3A_837] : memref<2x128x128xf32, #tpu.memory_space<vmem>> -> memref<1x128x128xf32, #tpu.memory_space<vmem>>
      %dma_start3A_839 = tpu.memref_squeeze %dma_start3A_838 : memref<1x128x128xf32, #tpu.memory_space<vmem>> -> memref<128x128xf32, #tpu.memory_space<vmem>>
      %dma_start3A_840 = arith.constant 0 : i32
      %dma_start3A_841 = tpu.memref_slice %arg7[%dma_start3A_833, %dma_start3A_834, %dma_start3A_840] : memref<16x2x128xi32, #tpu.memory_space<vmem>> -> memref<1x1x128xi32, #tpu.memory_space<vmem>>
      %dma_start3A_842 = tpu.memref_squeeze %dma_start3A_841 : memref<1x1x128xi32, #tpu.memory_space<vmem>> -> memref<128xi32, #tpu.memory_space<vmem>>
      %dma_start3A_843 = arith.constant 0 : i32
      %dma_start3A_844 = arith.constant 0 : i32
      %dma_start3A_845 = tpu.memref_slice %arg2[%dma_start3A_843, %dma_start3A_844] : memref<10240x128xf32, #tpu.memory_space<hbm>> -> memref<10240x128xf32, #tpu.memory_space<hbm>>
      tpu.enqueue_indirect_dma source(%dma_start3A_845 : memref<10240x128xf32, #tpu.memory_space<hbm>>) target(%dma_start3A_839 : memref<128x128xf32, #tpu.memory_space<vmem>>) offsets(%dma_start3A_842 : memref<128xi32, #tpu.memory_space<vmem>>) semaphore(%arg11 : memref<!tpu.dma_semaphore, #tpu.memory_space<semaphore_mem>>)
      %run_scoped3A_846 = arith.constant 0 : i32
      %run_scoped3A_847 = arith.constant 10 : i32
      %run_scoped3A_848 = arith.constant 1 : i32
      "tpu.region"() ({
        %run_scoped3A_1269 = tpu.sem_alloc : memref<!tpu.dma_semaphore, #tpu.memory_space<semaphore_mem>>
        %dma_start3A_1270 = arith.constant 0 : i32
        %dma_start3A_1271 = arith.constant 0 : i32
        %dma_start3A_1272 = tpu.memref_slice %arg8[%run_scoped3A_846, %dma_start3A_1270, %dma_start3A_1271] : memref<2x128x128xf32, #tpu.memory_space<vmem>> -> memref<1x128x128xf32, #tpu.memory_space<vmem>>
        %dma_start3A_1273 = tpu.memref_squeeze %dma_start3A_1272 : memref<1x128x128xf32, #tpu.memory_space<vmem>> -> memref<128x128xf32, #tpu.memory_space<vmem>>
        %dma_start3A_1274 = arith.constant 0 : i32
        %dma_start3A_1275 = tpu.memref_slice %arg7[%run_scoped3A_847, %run_scoped3A_848, %dma_start3A_1274] : memref<16x2x128xi32, #tpu.memory_space<vmem>> -> memref<1x1x128xi32, #tpu.memory_space<vmem>>
        %dma_start3A_1276 = tpu.memref_squeeze %dma_start3A_1275 : memref<1x1x128xi32, #tpu.memory_space<vmem>> -> memref<128xi32, #tpu.memory_space<vmem>>
        %dma_start3A_1277 = arith.constant 0 : i32
        %dma_start3A_1278 = arith.constant 0 : i32
        %dma_start3A_1279 = tpu.memref_slice %arg6[%dma_start3A_1277, %dma_start3A_1278] : memref<10240x128xf32, #tpu.memory_space<vmem_shared>> -> memref<10240x128xf32, #tpu.memory_space<vmem_shared>>
        tpu.enqueue_indirect_dma source(%dma_start3A_1273 : memref<128x128xf32, #tpu.memory_space<vmem>>) target(%dma_start3A_1279 : memref<10240x128xf32, #tpu.memory_space<vmem_shared>>) offsets(%dma_start3A_1276 : memref<128xi32, #tpu.memory_space<vmem>>) semaphore(%run_scoped3A_1269 : memref<!tpu.dma_semaphore, #tpu.memory_space<semaphore_mem>>) {add = true}
        %dma_wait3A_1280 = arith.constant 0 : i32
        %dma_wait3A_1281 = arith.constant 0 : i32
        %dma_wait3A_1282 = tpu.memref_slice %arg8[%run_scoped3A_846, %dma_wait3A_1280, %dma_wait3A_1281] : memref<2x128x128xf32, #tpu.memory_space<vmem>> -> memref<1x128x128xf32, #tpu.memory_space<vmem>>
        %dma_wait3A_1283 = tpu.memref_squeeze %dma_wait3A_1282 : memref<1x128x128xf32, #tpu.memory_space<vmem>> -> memref<128x128xf32, #tpu.memory_space<vmem>>
        %dma_wait3A_1284 = arith.constant 0 : i32
        %dma_wait3A_1285 = tpu.memref_slice %arg7[%run_scoped3A_847, %run_scoped3A_848, %dma_wait3A_1284] : memref<16x2x128xi32, #tpu.memory_space<vmem>> -> memref<1x1x128xi32, #tpu.memory_space<vmem>>
        %dma_wait3A_1286 = tpu.memref_squeeze %dma_wait3A_1285 : memref<1x1x128xi32, #tpu.memory_space<vmem>> -> memref<128xi32, #tpu.memory_space<vmem>>
        %dma_wait3A_1287 = arith.constant 0 : i32
        %dma_wait3A_1288 = arith.constant 0 : i32
        %dma_wait3A_1289 = tpu.memref_slice %arg6[%dma_wait3A_1287, %dma_wait3A_1288] : memref<10240x128xf32, #tpu.memory_space<vmem_shared>> -> memref<10240x128xf32, #tpu.memory_space<vmem_shared>>
        tpu.wait_indirect_dma semaphore(%run_scoped3A_1269 : memref<!tpu.dma_semaphore, #tpu.memory_space<semaphore_mem>>) src(%dma_wait3A_1283 : memref<128x128xf32, #tpu.memory_space<vmem>>) dst(%dma_wait3A_1289 : memref<10240x128xf32, #tpu.memory_space<vmem_shared>>)
        tpu.yield
      }) : () -> ()
      %get3A_849 = arith.constant 10 : i32
      %get3A_850 = arith.constant 1 : i32
      %get3A_851 = arith.index_cast %get3A_849 : i32 to index
      %get3A_852 = arith.index_cast %get3A_850 : i32 to index
      %get3A_853 = arith.constant 0 : index
      %get3A_854 = tpu.vector_load %arg7[%get3A_851, %get3A_852, %get3A_853] {strides = array<i32>} : memref<16x2x128xi32, #tpu.memory_space<vmem>>, vector<16xi32>,
      tpu.vector_store_idx %arg9[%get3A_854], %broadcast_in_dim3A_3 {add = true} : memref<10240xf32, #tpu.memory_space<vmem>>[vector<16xi32>], vector<16xf32>,
      %get3A_855 = arith.constant 10 : i32
      %get3A_856 = arith.constant 1 : i32
      %get3A_857 = arith.index_cast %get3A_855 : i32 to index
      %get3A_858 = arith.index_cast %get3A_856 : i32 to index
      %get3A_859 = arith.constant 16 : index
      %get3A_860 = tpu.vector_load %arg7[%get3A_857, %get3A_858, %get3A_859] {strides = array<i32>} : memref<16x2x128xi32, #tpu.memory_space<vmem>>, vector<16xi32>,
      tpu.vector_store_idx %arg9[%get3A_860], %broadcast_in_dim3A_3 {add = true} : memref<10240xf32, #tpu.memory_space<vmem>>[vector<16xi32>], vector<16xf32>,
      %get3A_861 = arith.constant 10 : i32
      %get3A_862 = arith.constant 1 : i32
      %get3A_863 = arith.index_cast %get3A_861 : i32 to index
      %get3A_864 = arith.index_cast %get3A_862 : i32 to index
      %get3A_865 = arith.constant 32 : index
      %get3A_866 = tpu.vector_load %arg7[%get3A_863, %get3A_864, %get3A_865] {strides = array<i32>} : memref<16x2x128xi32, #tpu.memory_space<vmem>>, vector<16xi32>,
      tpu.vector_store_idx %arg9[%get3A_866], %broadcast_in_dim3A_3 {add = true} : memref<10240xf32, #tpu.memory_space<vmem>>[vector<16xi32>], vector<16xf32>,
      %get3A_867 = arith.constant 10 : i32
      %get3A_868 = arith.constant 1 : i32
      %get3A_869 = arith.index_cast %get3A_867 : i32 to index
      %get3A_870 = arith.index_cast %get3A_868 : i32 to index
      %get3A_871 = arith.constant 48 : index
      %get3A_872 = tpu.vector_load %arg7[%get3A_869, %get3A_870, %get3A_871] {strides = array<i32>} : memref<16x2x128xi32, #tpu.memory_space<vmem>>, vector<16xi32>,
      tpu.vector_store_idx %arg9[%get3A_872], %broadcast_in_dim3A_3 {add = true} : memref<10240xf32, #tpu.memory_space<vmem>>[vector<16xi32>], vector<16xf32>,
      %get3A_873 = arith.constant 10 : i32
      %get3A_874 = arith.constant 1 : i32
      %get3A_875 = arith.index_cast %get3A_873 : i32 to index
      %get3A_876 = arith.index_cast %get3A_874 : i32 to index
      %get3A_877 = arith.constant 64 : index
      %get3A_878 = tpu.vector_load %arg7[%get3A_875, %get3A_876, %get3A_877] {strides = array<i32>} : memref<16x2x128xi32, #tpu.memory_space<vmem>>, vector<16xi32>,
      tpu.vector_store_idx %arg9[%get3A_878], %broadcast_in_dim3A_3 {add = true} : memref<10240xf32, #tpu.memory_space<vmem>>[vector<16xi32>], vector<16xf32>,
      %get3A_879 = arith.constant 10 : i32
      %get3A_880 = arith.constant 1 : i32
      %get3A_881 = arith.index_cast %get3A_879 : i32 to index
      %get3A_882 = arith.index_cast %get3A_880 : i32 to index
      %get3A_883 = arith.constant 80 : index
      %get3A_884 = tpu.vector_load %arg7[%get3A_881, %get3A_882, %get3A_883] {strides = array<i32>} : memref<16x2x128xi32, #tpu.memory_space<vmem>>, vector<16xi32>,
      tpu.vector_store_idx %arg9[%get3A_884], %broadcast_in_dim3A_3 {add = true} : memref<10240xf32, #tpu.memory_space<vmem>>[vector<16xi32>], vector<16xf32>,
      %get3A_885 = arith.constant 10 : i32
      %get3A_886 = arith.constant 1 : i32
      %get3A_887 = arith.index_cast %get3A_885 : i32 to index
      %get3A_888 = arith.index_cast %get3A_886 : i32 to index
      %get3A_889 = arith.constant 96 : index
      %get3A_890 = tpu.vector_load %arg7[%get3A_887, %get3A_888, %get3A_889] {strides = array<i32>} : memref<16x2x128xi32, #tpu.memory_space<vmem>>, vector<16xi32>,
      tpu.vector_store_idx %arg9[%get3A_890], %broadcast_in_dim3A_3 {add = true} : memref<10240xf32, #tpu.memory_space<vmem>>[vector<16xi32>], vector<16xf32>,
      %get3A_891 = arith.constant 10 : i32
      %get3A_892 = arith.constant 1 : i32
      %get3A_893 = arith.index_cast %get3A_891 : i32 to index
      %get3A_894 = arith.index_cast %get3A_892 : i32 to index
      %get3A_895 = arith.constant 112 : index
      %get3A_896 = tpu.vector_load %arg7[%get3A_893, %get3A_894, %get3A_895] {strides = array<i32>} : memref<16x2x128xi32, #tpu.memory_space<vmem>>, vector<16xi32>,
      tpu.vector_store_idx %arg9[%get3A_896], %broadcast_in_dim3A_3 {add = true} : memref<10240xf32, #tpu.memory_space<vmem>>[vector<16xi32>], vector<16xf32>,
      %dma_wait3A_897 = arith.constant 11 : i32
      %dma_wait3A_898 = arith.constant 0 : i32
      %dma_wait3A_899 = arith.constant 1 : i32
      %dma_wait3A_900 = arith.constant 0 : i32
      %dma_wait3A_901 = arith.constant 0 : i32
      %dma_wait3A_902 = tpu.memref_slice %arg8[%dma_wait3A_899, %dma_wait3A_900, %dma_wait3A_901] : memref<2x128x128xf32, #tpu.memory_space<vmem>> -> memref<1x128x128xf32, #tpu.memory_space<vmem>>
      %dma_wait3A_903 = tpu.memref_squeeze %dma_wait3A_902 : memref<1x128x128xf32, #tpu.memory_space<vmem>> -> memref<128x128xf32, #tpu.memory_space<vmem>>
      %dma_wait3A_904 = arith.constant 0 : i32
      %dma_wait3A_905 = tpu.memref_slice %arg7[%dma_wait3A_897, %dma_wait3A_898, %dma_wait3A_904] : memref<16x2x128xi32, #tpu.memory_space<vmem>> -> memref<1x1x128xi32, #tpu.memory_space<vmem>>
      %dma_wait3A_906 = tpu.memref_squeeze %dma_wait3A_905 : memref<1x1x128xi32, #tpu.memory_space<vmem>> -> memref<128xi32, #tpu.memory_space<vmem>>
      %dma_wait3A_907 = arith.constant 0 : i32
      %dma_wait3A_908 = arith.constant 0 : i32
      %dma_wait3A_909 = tpu.memref_slice %arg2[%dma_wait3A_907, %dma_wait3A_908] : memref<10240x128xf32, #tpu.memory_space<hbm>> -> memref<10240x128xf32, #tpu.memory_space<hbm>>
      tpu.wait_indirect_dma semaphore(%arg11 : memref<!tpu.dma_semaphore, #tpu.memory_space<semaphore_mem>>) src(%dma_wait3A_909 : memref<10240x128xf32, #tpu.memory_space<hbm>>) dst(%dma_wait3A_903 : memref<128x128xf32, #tpu.memory_space<vmem>>)
      %dma_start3A_910 = arith.constant 12 : i32
      %dma_start3A_911 = arith.constant 0 : i32
      %dma_start3A_912 = arith.constant 0 : i32
      %dma_start3A_913 = arith.constant 0 : i32
      %dma_start3A_914 = arith.constant 0 : i32
      %dma_start3A_915 = tpu.memref_slice %arg8[%dma_start3A_912, %dma_start3A_913, %dma_start3A_914] : memref<2x128x128xf32, #tpu.memory_space<vmem>> -> memref<1x128x128xf32, #tpu.memory_space<vmem>>
      %dma_start3A_916 = tpu.memref_squeeze %dma_start3A_915 : memref<1x128x128xf32, #tpu.memory_space<vmem>> -> memref<128x128xf32, #tpu.memory_space<vmem>>
      %dma_start3A_917 = arith.constant 0 : i32
      %dma_start3A_918 = tpu.memref_slice %arg7[%dma_start3A_910, %dma_start3A_911, %dma_start3A_917] : memref<16x2x128xi32, #tpu.memory_space<vmem>> -> memref<1x1x128xi32, #tpu.memory_space<vmem>>
      %dma_start3A_919 = tpu.memref_squeeze %dma_start3A_918 : memref<1x1x128xi32, #tpu.memory_space<vmem>> -> memref<128xi32, #tpu.memory_space<vmem>>
      %dma_start3A_920 = arith.constant 0 : i32
      %dma_start3A_921 = arith.constant 0 : i32
      %dma_start3A_922 = tpu.memref_slice %arg2[%dma_start3A_920, %dma_start3A_921] : memref<10240x128xf32, #tpu.memory_space<hbm>> -> memref<10240x128xf32, #tpu.memory_space<hbm>>
      tpu.enqueue_indirect_dma source(%dma_start3A_922 : memref<10240x128xf32, #tpu.memory_space<hbm>>) target(%dma_start3A_916 : memref<128x128xf32, #tpu.memory_space<vmem>>) offsets(%dma_start3A_919 : memref<128xi32, #tpu.memory_space<vmem>>) semaphore(%arg10 : memref<!tpu.dma_semaphore, #tpu.memory_space<semaphore_mem>>)
      %run_scoped3A_923 = arith.constant 1 : i32
      %run_scoped3A_924 = arith.constant 11 : i32
      %run_scoped3A_925 = arith.constant 1 : i32
      "tpu.region"() ({
        %run_scoped3A_1269 = tpu.sem_alloc : memref<!tpu.dma_semaphore, #tpu.memory_space<semaphore_mem>>
        %dma_start3A_1270 = arith.constant 0 : i32
        %dma_start3A_1271 = arith.constant 0 : i32
        %dma_start3A_1272 = tpu.memref_slice %arg8[%run_scoped3A_923, %dma_start3A_1270, %dma_start3A_1271] : memref<2x128x128xf32, #tpu.memory_space<vmem>> -> memref<1x128x128xf32, #tpu.memory_space<vmem>>
        %dma_start3A_1273 = tpu.memref_squeeze %dma_start3A_1272 : memref<1x128x128xf32, #tpu.memory_space<vmem>> -> memref<128x128xf32, #tpu.memory_space<vmem>>
        %dma_start3A_1274 = arith.constant 0 : i32
        %dma_start3A_1275 = tpu.memref_slice %arg7[%run_scoped3A_924, %run_scoped3A_925, %dma_start3A_1274] : memref<16x2x128xi32, #tpu.memory_space<vmem>> -> memref<1x1x128xi32, #tpu.memory_space<vmem>>
        %dma_start3A_1276 = tpu.memref_squeeze %dma_start3A_1275 : memref<1x1x128xi32, #tpu.memory_space<vmem>> -> memref<128xi32, #tpu.memory_space<vmem>>
        %dma_start3A_1277 = arith.constant 0 : i32
        %dma_start3A_1278 = arith.constant 0 : i32
        %dma_start3A_1279 = tpu.memref_slice %arg6[%dma_start3A_1277, %dma_start3A_1278] : memref<10240x128xf32, #tpu.memory_space<vmem_shared>> -> memref<10240x128xf32, #tpu.memory_space<vmem_shared>>
        tpu.enqueue_indirect_dma source(%dma_start3A_1273 : memref<128x128xf32, #tpu.memory_space<vmem>>) target(%dma_start3A_1279 : memref<10240x128xf32, #tpu.memory_space<vmem_shared>>) offsets(%dma_start3A_1276 : memref<128xi32, #tpu.memory_space<vmem>>) semaphore(%run_scoped3A_1269 : memref<!tpu.dma_semaphore, #tpu.memory_space<semaphore_mem>>) {add = true}
        %dma_wait3A_1280 = arith.constant 0 : i32
        %dma_wait3A_1281 = arith.constant 0 : i32
        %dma_wait3A_1282 = tpu.memref_slice %arg8[%run_scoped3A_923, %dma_wait3A_1280, %dma_wait3A_1281] : memref<2x128x128xf32, #tpu.memory_space<vmem>> -> memref<1x128x128xf32, #tpu.memory_space<vmem>>
        %dma_wait3A_1283 = tpu.memref_squeeze %dma_wait3A_1282 : memref<1x128x128xf32, #tpu.memory_space<vmem>> -> memref<128x128xf32, #tpu.memory_space<vmem>>
        %dma_wait3A_1284 = arith.constant 0 : i32
        %dma_wait3A_1285 = tpu.memref_slice %arg7[%run_scoped3A_924, %run_scoped3A_925, %dma_wait3A_1284] : memref<16x2x128xi32, #tpu.memory_space<vmem>> -> memref<1x1x128xi32, #tpu.memory_space<vmem>>
        %dma_wait3A_1286 = tpu.memref_squeeze %dma_wait3A_1285 : memref<1x1x128xi32, #tpu.memory_space<vmem>> -> memref<128xi32, #tpu.memory_space<vmem>>
        %dma_wait3A_1287 = arith.constant 0 : i32
        %dma_wait3A_1288 = arith.constant 0 : i32
        %dma_wait3A_1289 = tpu.memref_slice %arg6[%dma_wait3A_1287, %dma_wait3A_1288] : memref<10240x128xf32, #tpu.memory_space<vmem_shared>> -> memref<10240x128xf32, #tpu.memory_space<vmem_shared>>
        tpu.wait_indirect_dma semaphore(%run_scoped3A_1269 : memref<!tpu.dma_semaphore, #tpu.memory_space<semaphore_mem>>) src(%dma_wait3A_1283 : memref<128x128xf32, #tpu.memory_space<vmem>>) dst(%dma_wait3A_1289 : memref<10240x128xf32, #tpu.memory_space<vmem_shared>>)
        tpu.yield
      }) : () -> ()
      %get3A_926 = arith.constant 11 : i32
      %get3A_927 = arith.constant 1 : i32
      %get3A_928 = arith.index_cast %get3A_926 : i32 to index
      %get3A_929 = arith.index_cast %get3A_927 : i32 to index
      %get3A_930 = arith.constant 0 : index
      %get3A_931 = tpu.vector_load %arg7[%get3A_928, %get3A_929, %get3A_930] {strides = array<i32>} : memref<16x2x128xi32, #tpu.memory_space<vmem>>, vector<16xi32>,
      tpu.vector_store_idx %arg9[%get3A_931], %broadcast_in_dim3A_3 {add = true} : memref<10240xf32, #tpu.memory_space<vmem>>[vector<16xi32>], vector<16xf32>,
      %get3A_932 = arith.constant 11 : i32
      %get3A_933 = arith.constant 1 : i32
      %get3A_934 = arith.index_cast %get3A_932 : i32 to index
      %get3A_935 = arith.index_cast %get3A_933 : i32 to index
      %get3A_936 = arith.constant 16 : index
      %get3A_937 = tpu.vector_load %arg7[%get3A_934, %get3A_935, %get3A_936] {strides = array<i32>} : memref<16x2x128xi32, #tpu.memory_space<vmem>>, vector<16xi32>,
      tpu.vector_store_idx %arg9[%get3A_937], %broadcast_in_dim3A_3 {add = true} : memref<10240xf32, #tpu.memory_space<vmem>>[vector<16xi32>], vector<16xf32>,
      %get3A_938 = arith.constant 11 : i32
      %get3A_939 = arith.constant 1 : i32
      %get3A_940 = arith.index_cast %get3A_938 : i32 to index
      %get3A_941 = arith.index_cast %get3A_939 : i32 to index
      %get3A_942 = arith.constant 32 : index
      %get3A_943 = tpu.vector_load %arg7[%get3A_940, %get3A_941, %get3A_942] {strides = array<i32>} : memref<16x2x128xi32, #tpu.memory_space<vmem>>, vector<16xi32>,
      tpu.vector_store_idx %arg9[%get3A_943], %broadcast_in_dim3A_3 {add = true} : memref<10240xf32, #tpu.memory_space<vmem>>[vector<16xi32>], vector<16xf32>,
      %get3A_944 = arith.constant 11 : i32
      %get3A_945 = arith.constant 1 : i32
      %get3A_946 = arith.index_cast %get3A_944 : i32 to index
      %get3A_947 = arith.index_cast %get3A_945 : i32 to index
      %get3A_948 = arith.constant 48 : index
      %get3A_949 = tpu.vector_load %arg7[%get3A_946, %get3A_947, %get3A_948] {strides = array<i32>} : memref<16x2x128xi32, #tpu.memory_space<vmem>>, vector<16xi32>,
      tpu.vector_store_idx %arg9[%get3A_949], %broadcast_in_dim3A_3 {add = true} : memref<10240xf32, #tpu.memory_space<vmem>>[vector<16xi32>], vector<16xf32>,
      %get3A_950 = arith.constant 11 : i32
      %get3A_951 = arith.constant 1 : i32
      %get3A_952 = arith.index_cast %get3A_950 : i32 to index
      %get3A_953 = arith.index_cast %get3A_951 : i32 to index
      %get3A_954 = arith.constant 64 : index
      %get3A_955 = tpu.vector_load %arg7[%get3A_952, %get3A_953, %get3A_954] {strides = array<i32>} : memref<16x2x128xi32, #tpu.memory_space<vmem>>, vector<16xi32>,
      tpu.vector_store_idx %arg9[%get3A_955], %broadcast_in_dim3A_3 {add = true} : memref<10240xf32, #tpu.memory_space<vmem>>[vector<16xi32>], vector<16xf32>,
      %get3A_956 = arith.constant 11 : i32
      %get3A_957 = arith.constant 1 : i32
      %get3A_958 = arith.index_cast %get3A_956 : i32 to index
      %get3A_959 = arith.index_cast %get3A_957 : i32 to index
      %get3A_960 = arith.constant 80 : index
      %get3A_961 = tpu.vector_load %arg7[%get3A_958, %get3A_959, %get3A_960] {strides = array<i32>} : memref<16x2x128xi32, #tpu.memory_space<vmem>>, vector<16xi32>,
      tpu.vector_store_idx %arg9[%get3A_961], %broadcast_in_dim3A_3 {add = true} : memref<10240xf32, #tpu.memory_space<vmem>>[vector<16xi32>], vector<16xf32>,
      %get3A_962 = arith.constant 11 : i32
      %get3A_963 = arith.constant 1 : i32
      %get3A_964 = arith.index_cast %get3A_962 : i32 to index
      %get3A_965 = arith.index_cast %get3A_963 : i32 to index
      %get3A_966 = arith.constant 96 : index
      %get3A_967 = tpu.vector_load %arg7[%get3A_964, %get3A_965, %get3A_966] {strides = array<i32>} : memref<16x2x128xi32, #tpu.memory_space<vmem>>, vector<16xi32>,
      tpu.vector_store_idx %arg9[%get3A_967], %broadcast_in_dim3A_3 {add = true} : memref<10240xf32, #tpu.memory_space<vmem>>[vector<16xi32>], vector<16xf32>,
      %get3A_968 = arith.constant 11 : i32
      %get3A_969 = arith.constant 1 : i32
      %get3A_970 = arith.index_cast %get3A_968 : i32 to index
      %get3A_971 = arith.index_cast %get3A_969 : i32 to index
      %get3A_972 = arith.constant 112 : index
      %get3A_973 = tpu.vector_load %arg7[%get3A_970, %get3A_971, %get3A_972] {strides = array<i32>} : memref<16x2x128xi32, #tpu.memory_space<vmem>>, vector<16xi32>,
      tpu.vector_store_idx %arg9[%get3A_973], %broadcast_in_dim3A_3 {add = true} : memref<10240xf32, #tpu.memory_space<vmem>>[vector<16xi32>], vector<16xf32>,
      %dma_wait3A_974 = arith.constant 12 : i32
      %dma_wait3A_975 = arith.constant 0 : i32
      %dma_wait3A_976 = arith.constant 0 : i32
      %dma_wait3A_977 = arith.constant 0 : i32
      %dma_wait3A_978 = arith.constant 0 : i32
      %dma_wait3A_979 = tpu.memref_slice %arg8[%dma_wait3A_976, %dma_wait3A_977, %dma_wait3A_978] : memref<2x128x128xf32, #tpu.memory_space<vmem>> -> memref<1x128x128xf32, #tpu.memory_space<vmem>>
      %dma_wait3A_980 = tpu.memref_squeeze %dma_wait3A_979 : memref<1x128x128xf32, #tpu.memory_space<vmem>> -> memref<128x128xf32, #tpu.memory_space<vmem>>
      %dma_wait3A_981 = arith.constant 0 : i32
      %dma_wait3A_982 = tpu.memref_slice %arg7[%dma_wait3A_974, %dma_wait3A_975, %dma_wait3A_981] : memref<16x2x128xi32, #tpu.memory_space<vmem>> -> memref<1x1x128xi32, #tpu.memory_space<vmem>>
      %dma_wait3A_983 = tpu.memref_squeeze %dma_wait3A_982 : memref<1x1x128xi32, #tpu.memory_space<vmem>> -> memref<128xi32, #tpu.memory_space<vmem>>
      %dma_wait3A_984 = arith.constant 0 : i32
      %dma_wait3A_985 = arith.constant 0 : i32
      %dma_wait3A_986 = tpu.memref_slice %arg2[%dma_wait3A_984, %dma_wait3A_985] : memref<10240x128xf32, #tpu.memory_space<hbm>> -> memref<10240x128xf32, #tpu.memory_space<hbm>>
      tpu.wait_indirect_dma semaphore(%arg10 : memref<!tpu.dma_semaphore, #tpu.memory_space<semaphore_mem>>) src(%dma_wait3A_986 : memref<10240x128xf32, #tpu.memory_space<hbm>>) dst(%dma_wait3A_980 : memref<128x128xf32, #tpu.memory_space<vmem>>)
      %dma_start3A_987 = arith.constant 13 : i32
      %dma_start3A_988 = arith.constant 0 : i32
      %dma_start3A_989 = arith.constant 1 : i32
      %dma_start3A_990 = arith.constant 0 : i32
      %dma_start3A_991 = arith.constant 0 : i32
      %dma_start3A_992 = tpu.memref_slice %arg8[%dma_start3A_989, %dma_start3A_990, %dma_start3A_991] : memref<2x128x128xf32, #tpu.memory_space<vmem>> -> memref<1x128x128xf32, #tpu.memory_space<vmem>>
      %dma_start3A_993 = tpu.memref_squeeze %dma_start3A_992 : memref<1x128x128xf32, #tpu.memory_space<vmem>> -> memref<128x128xf32, #tpu.memory_space<vmem>>
      %dma_start3A_994 = arith.constant 0 : i32
      %dma_start3A_995 = tpu.memref_slice %arg7[%dma_start3A_987, %dma_start3A_988, %dma_start3A_994] : memref<16x2x128xi32, #tpu.memory_space<vmem>> -> memref<1x1x128xi32, #tpu.memory_space<vmem>>
      %dma_start3A_996 = tpu.memref_squeeze %dma_start3A_995 : memref<1x1x128xi32, #tpu.memory_space<vmem>> -> memref<128xi32, #tpu.memory_space<vmem>>
      %dma_start3A_997 = arith.constant 0 : i32
      %dma_start3A_998 = arith.constant 0 : i32
      %dma_start3A_999 = tpu.memref_slice %arg2[%dma_start3A_997, %dma_start3A_998] : memref<10240x128xf32, #tpu.memory_space<hbm>> -> memref<10240x128xf32, #tpu.memory_space<hbm>>
      tpu.enqueue_indirect_dma source(%dma_start3A_999 : memref<10240x128xf32, #tpu.memory_space<hbm>>) target(%dma_start3A_993 : memref<128x128xf32, #tpu.memory_space<vmem>>) offsets(%dma_start3A_996 : memref<128xi32, #tpu.memory_space<vmem>>) semaphore(%arg11 : memref<!tpu.dma_semaphore, #tpu.memory_space<semaphore_mem>>)
      %run_scoped3A_1000 = arith.constant 0 : i32
      %run_scoped3A_1001 = arith.constant 12 : i32
      %run_scoped3A_1002 = arith.constant 1 : i32
      "tpu.region"() ({
        %run_scoped3A_1269 = tpu.sem_alloc : memref<!tpu.dma_semaphore, #tpu.memory_space<semaphore_mem>>
        %dma_start3A_1270 = arith.constant 0 : i32
        %dma_start3A_1271 = arith.constant 0 : i32
        %dma_start3A_1272 = tpu.memref_slice %arg8[%run_scoped3A_1000, %dma_start3A_1270, %dma_start3A_1271] : memref<2x128x128xf32, #tpu.memory_space<vmem>> -> memref<1x128x128xf32, #tpu.memory_space<vmem>>
        %dma_start3A_1273 = tpu.memref_squeeze %dma_start3A_1272 : memref<1x128x128xf32, #tpu.memory_space<vmem>> -> memref<128x128xf32, #tpu.memory_space<vmem>>
        %dma_start3A_1274 = arith.constant 0 : i32
        %dma_start3A_1275 = tpu.memref_slice %arg7[%run_scoped3A_1001, %run_scoped3A_1002, %dma_start3A_1274] : memref<16x2x128xi32, #tpu.memory_space<vmem>> -> memref<1x1x128xi32, #tpu.memory_space<vmem>>
        %dma_start3A_1276 = tpu.memref_squeeze %dma_start3A_1275 : memref<1x1x128xi32, #tpu.memory_space<vmem>> -> memref<128xi32, #tpu.memory_space<vmem>>
        %dma_start3A_1277 = arith.constant 0 : i32
        %dma_start3A_1278 = arith.constant 0 : i32
        %dma_start3A_1279 = tpu.memref_slice %arg6[%dma_start3A_1277, %dma_start3A_1278] : memref<10240x128xf32, #tpu.memory_space<vmem_shared>> -> memref<10240x128xf32, #tpu.memory_space<vmem_shared>>
        tpu.enqueue_indirect_dma source(%dma_start3A_1273 : memref<128x128xf32, #tpu.memory_space<vmem>>) target(%dma_start3A_1279 : memref<10240x128xf32, #tpu.memory_space<vmem_shared>>) offsets(%dma_start3A_1276 : memref<128xi32, #tpu.memory_space<vmem>>) semaphore(%run_scoped3A_1269 : memref<!tpu.dma_semaphore, #tpu.memory_space<semaphore_mem>>) {add = true}
        %dma_wait3A_1280 = arith.constant 0 : i32
        %dma_wait3A_1281 = arith.constant 0 : i32
        %dma_wait3A_1282 = tpu.memref_slice %arg8[%run_scoped3A_1000, %dma_wait3A_1280, %dma_wait3A_1281] : memref<2x128x128xf32, #tpu.memory_space<vmem>> -> memref<1x128x128xf32, #tpu.memory_space<vmem>>
        %dma_wait3A_1283 = tpu.memref_squeeze %dma_wait3A_1282 : memref<1x128x128xf32, #tpu.memory_space<vmem>> -> memref<128x128xf32, #tpu.memory_space<vmem>>
        %dma_wait3A_1284 = arith.constant 0 : i32
        %dma_wait3A_1285 = tpu.memref_slice %arg7[%run_scoped3A_1001, %run_scoped3A_1002, %dma_wait3A_1284] : memref<16x2x128xi32, #tpu.memory_space<vmem>> -> memref<1x1x128xi32, #tpu.memory_space<vmem>>
        %dma_wait3A_1286 = tpu.memref_squeeze %dma_wait3A_1285 : memref<1x1x128xi32, #tpu.memory_space<vmem>> -> memref<128xi32, #tpu.memory_space<vmem>>
        %dma_wait3A_1287 = arith.constant 0 : i32
        %dma_wait3A_1288 = arith.constant 0 : i32
        %dma_wait3A_1289 = tpu.memref_slice %arg6[%dma_wait3A_1287, %dma_wait3A_1288] : memref<10240x128xf32, #tpu.memory_space<vmem_shared>> -> memref<10240x128xf32, #tpu.memory_space<vmem_shared>>
        tpu.wait_indirect_dma semaphore(%run_scoped3A_1269 : memref<!tpu.dma_semaphore, #tpu.memory_space<semaphore_mem>>) src(%dma_wait3A_1283 : memref<128x128xf32, #tpu.memory_space<vmem>>) dst(%dma_wait3A_1289 : memref<10240x128xf32, #tpu.memory_space<vmem_shared>>)
        tpu.yield
      }) : () -> ()
      %get3A_1003 = arith.constant 12 : i32
      %get3A_1004 = arith.constant 1 : i32
      %get3A_1005 = arith.index_cast %get3A_1003 : i32 to index
      %get3A_1006 = arith.index_cast %get3A_1004 : i32 to index
      %get3A_1007 = arith.constant 0 : index
      %get3A_1008 = tpu.vector_load %arg7[%get3A_1005, %get3A_1006, %get3A_1007] {strides = array<i32>} : memref<16x2x128xi32, #tpu.memory_space<vmem>>, vector<16xi32>,
      tpu.vector_store_idx %arg9[%get3A_1008], %broadcast_in_dim3A_3 {add = true} : memref<10240xf32, #tpu.memory_space<vmem>>[vector<16xi32>], vector<16xf32>,
      %get3A_1009 = arith.constant 12 : i32
      %get3A_1010 = arith.constant 1 : i32
      %get3A_1011 = arith.index_cast %get3A_1009 : i32 to index
      %get3A_1012 = arith.index_cast %get3A_1010 : i32 to index
      %get3A_1013 = arith.constant 16 : index
      %get3A_1014 = tpu.vector_load %arg7[%get3A_1011, %get3A_1012, %get3A_1013] {strides = array<i32>} : memref<16x2x128xi32, #tpu.memory_space<vmem>>, vector<16xi32>,
      tpu.vector_store_idx %arg9[%get3A_1014], %broadcast_in_dim3A_3 {add = true} : memref<10240xf32, #tpu.memory_space<vmem>>[vector<16xi32>], vector<16xf32>,
      %get3A_1015 = arith.constant 12 : i32
      %get3A_1016 = arith.constant 1 : i32
      %get3A_1017 = arith.index_cast %get3A_1015 : i32 to index
      %get3A_1018 = arith.index_cast %get3A_1016 : i32 to index
      %get3A_1019 = arith.constant 32 : index
      %get3A_1020 = tpu.vector_load %arg7[%get3A_1017, %get3A_1018, %get3A_1019] {strides = array<i32>} : memref<16x2x128xi32, #tpu.memory_space<vmem>>, vector<16xi32>,
      tpu.vector_store_idx %arg9[%get3A_1020], %broadcast_in_dim3A_3 {add = true} : memref<10240xf32, #tpu.memory_space<vmem>>[vector<16xi32>], vector<16xf32>,
      %get3A_1021 = arith.constant 12 : i32
      %get3A_1022 = arith.constant 1 : i32
      %get3A_1023 = arith.index_cast %get3A_1021 : i32 to index
      %get3A_1024 = arith.index_cast %get3A_1022 : i32 to index
      %get3A_1025 = arith.constant 48 : index
      %get3A_1026 = tpu.vector_load %arg7[%get3A_1023, %get3A_1024, %get3A_1025] {strides = array<i32>} : memref<16x2x128xi32, #tpu.memory_space<vmem>>, vector<16xi32>,
      tpu.vector_store_idx %arg9[%get3A_1026], %broadcast_in_dim3A_3 {add = true} : memref<10240xf32, #tpu.memory_space<vmem>>[vector<16xi32>], vector<16xf32>,
      %get3A_1027 = arith.constant 12 : i32
      %get3A_1028 = arith.constant 1 : i32
      %get3A_1029 = arith.index_cast %get3A_1027 : i32 to index
      %get3A_1030 = arith.index_cast %get3A_1028 : i32 to index
      %get3A_1031 = arith.constant 64 : index
      %get3A_1032 = tpu.vector_load %arg7[%get3A_1029, %get3A_1030, %get3A_1031] {strides = array<i32>} : memref<16x2x128xi32, #tpu.memory_space<vmem>>, vector<16xi32>,
      tpu.vector_store_idx %arg9[%get3A_1032], %broadcast_in_dim3A_3 {add = true} : memref<10240xf32, #tpu.memory_space<vmem>>[vector<16xi32>], vector<16xf32>,
      %get3A_1033 = arith.constant 12 : i32
      %get3A_1034 = arith.constant 1 : i32
      %get3A_1035 = arith.index_cast %get3A_1033 : i32 to index
      %get3A_1036 = arith.index_cast %get3A_1034 : i32 to index
      %get3A_1037 = arith.constant 80 : index
      %get3A_1038 = tpu.vector_load %arg7[%get3A_1035, %get3A_1036, %get3A_1037] {strides = array<i32>} : memref<16x2x128xi32, #tpu.memory_space<vmem>>, vector<16xi32>,
      tpu.vector_store_idx %arg9[%get3A_1038], %broadcast_in_dim3A_3 {add = true} : memref<10240xf32, #tpu.memory_space<vmem>>[vector<16xi32>], vector<16xf32>,
      %get3A_1039 = arith.constant 12 : i32
      %get3A_1040 = arith.constant 1 : i32
      %get3A_1041 = arith.index_cast %get3A_1039 : i32 to index
      %get3A_1042 = arith.index_cast %get3A_1040 : i32 to index
      %get3A_1043 = arith.constant 96 : index
      %get3A_1044 = tpu.vector_load %arg7[%get3A_1041, %get3A_1042, %get3A_1043] {strides = array<i32>} : memref<16x2x128xi32, #tpu.memory_space<vmem>>, vector<16xi32>,
      tpu.vector_store_idx %arg9[%get3A_1044], %broadcast_in_dim3A_3 {add = true} : memref<10240xf32, #tpu.memory_space<vmem>>[vector<16xi32>], vector<16xf32>,
      %get3A_1045 = arith.constant 12 : i32
      %get3A_1046 = arith.constant 1 : i32
      %get3A_1047 = arith.index_cast %get3A_1045 : i32 to index
      %get3A_1048 = arith.index_cast %get3A_1046 : i32 to index
      %get3A_1049 = arith.constant 112 : index
      %get3A_1050 = tpu.vector_load %arg7[%get3A_1047, %get3A_1048, %get3A_1049] {strides = array<i32>} : memref<16x2x128xi32, #tpu.memory_space<vmem>>, vector<16xi32>,
      tpu.vector_store_idx %arg9[%get3A_1050], %broadcast_in_dim3A_3 {add = true} : memref<10240xf32, #tpu.memory_space<vmem>>[vector<16xi32>], vector<16xf32>,
      %dma_wait3A_1051 = arith.constant 13 : i32
      %dma_wait3A_1052 = arith.constant 0 : i32
      %dma_wait3A_1053 = arith.constant 1 : i32
      %dma_wait3A_1054 = arith.constant 0 : i32
      %dma_wait3A_1055 = arith.constant 0 : i32
      %dma_wait3A_1056 = tpu.memref_slice %arg8[%dma_wait3A_1053, %dma_wait3A_1054, %dma_wait3A_1055] : memref<2x128x128xf32, #tpu.memory_space<vmem>> -> memref<1x128x128xf32, #tpu.memory_space<vmem>>
      %dma_wait3A_1057 = tpu.memref_squeeze %dma_wait3A_1056 : memref<1x128x128xf32, #tpu.memory_space<vmem>> -> memref<128x128xf32, #tpu.memory_space<vmem>>
      %dma_wait3A_1058 = arith.constant 0 : i32
      %dma_wait3A_1059 = tpu.memref_slice %arg7[%dma_wait3A_1051, %dma_wait3A_1052, %dma_wait3A_1058] : memref<16x2x128xi32, #tpu.memory_space<vmem>> -> memref<1x1x128xi32, #tpu.memory_space<vmem>>
      %dma_wait3A_1060 = tpu.memref_squeeze %dma_wait3A_1059 : memref<1x1x128xi32, #tpu.memory_space<vmem>> -> memref<128xi32, #tpu.memory_space<vmem>>
      %dma_wait3A_1061 = arith.constant 0 : i32
      %dma_wait3A_1062 = arith.constant 0 : i32
      %dma_wait3A_1063 = tpu.memref_slice %arg2[%dma_wait3A_1061, %dma_wait3A_1062] : memref<10240x128xf32, #tpu.memory_space<hbm>> -> memref<10240x128xf32, #tpu.memory_space<hbm>>
      tpu.wait_indirect_dma semaphore(%arg11 : memref<!tpu.dma_semaphore, #tpu.memory_space<semaphore_mem>>) src(%dma_wait3A_1063 : memref<10240x128xf32, #tpu.memory_space<hbm>>) dst(%dma_wait3A_1057 : memref<128x128xf32, #tpu.memory_space<vmem>>)
      %dma_start3A_1064 = arith.constant 14 : i32
      %dma_start3A_1065 = arith.constant 0 : i32
      %dma_start3A_1066 = arith.constant 0 : i32
      %dma_start3A_1067 = arith.constant 0 : i32
      %dma_start3A_1068 = arith.constant 0 : i32
      %dma_start3A_1069 = tpu.memref_slice %arg8[%dma_start3A_1066, %dma_start3A_1067, %dma_start3A_1068] : memref<2x128x128xf32, #tpu.memory_space<vmem>> -> memref<1x128x128xf32, #tpu.memory_space<vmem>>
      %dma_start3A_1070 = tpu.memref_squeeze %dma_start3A_1069 : memref<1x128x128xf32, #tpu.memory_space<vmem>> -> memref<128x128xf32, #tpu.memory_space<vmem>>
      %dma_start3A_1071 = arith.constant 0 : i32
      %dma_start3A_1072 = tpu.memref_slice %arg7[%dma_start3A_1064, %dma_start3A_1065, %dma_start3A_1071] : memref<16x2x128xi32, #tpu.memory_space<vmem>> -> memref<1x1x128xi32, #tpu.memory_space<vmem>>
      %dma_start3A_1073 = tpu.memref_squeeze %dma_start3A_1072 : memref<1x1x128xi32, #tpu.memory_space<vmem>> -> memref<128xi32, #tpu.memory_space<vmem>>
      %dma_start3A_1074 = arith.constant 0 : i32
      %dma_start3A_1075 = arith.constant 0 : i32
      %dma_start3A_1076 = tpu.memref_slice %arg2[%dma_start3A_1074, %dma_start3A_1075] : memref<10240x128xf32, #tpu.memory_space<hbm>> -> memref<10240x128xf32, #tpu.memory_space<hbm>>
      tpu.enqueue_indirect_dma source(%dma_start3A_1076 : memref<10240x128xf32, #tpu.memory_space<hbm>>) target(%dma_start3A_1070 : memref<128x128xf32, #tpu.memory_space<vmem>>) offsets(%dma_start3A_1073 : memref<128xi32, #tpu.memory_space<vmem>>) semaphore(%arg10 : memref<!tpu.dma_semaphore, #tpu.memory_space<semaphore_mem>>)
      %run_scoped3A_1077 = arith.constant 1 : i32
      %run_scoped3A_1078 = arith.constant 13 : i32
      %run_scoped3A_1079 = arith.constant 1 : i32
      "tpu.region"() ({
        %run_scoped3A_1269 = tpu.sem_alloc : memref<!tpu.dma_semaphore, #tpu.memory_space<semaphore_mem>>
        %dma_start3A_1270 = arith.constant 0 : i32
        %dma_start3A_1271 = arith.constant 0 : i32
        %dma_start3A_1272 = tpu.memref_slice %arg8[%run_scoped3A_1077, %dma_start3A_1270, %dma_start3A_1271] : memref<2x128x128xf32, #tpu.memory_space<vmem>> -> memref<1x128x128xf32, #tpu.memory_space<vmem>>
        %dma_start3A_1273 = tpu.memref_squeeze %dma_start3A_1272 : memref<1x128x128xf32, #tpu.memory_space<vmem>> -> memref<128x128xf32, #tpu.memory_space<vmem>>
        %dma_start3A_1274 = arith.constant 0 : i32
        %dma_start3A_1275 = tpu.memref_slice %arg7[%run_scoped3A_1078, %run_scoped3A_1079, %dma_start3A_1274] : memref<16x2x128xi32, #tpu.memory_space<vmem>> -> memref<1x1x128xi32, #tpu.memory_space<vmem>>
        %dma_start3A_1276 = tpu.memref_squeeze %dma_start3A_1275 : memref<1x1x128xi32, #tpu.memory_space<vmem>> -> memref<128xi32, #tpu.memory_space<vmem>>
        %dma_start3A_1277 = arith.constant 0 : i32
        %dma_start3A_1278 = arith.constant 0 : i32
        %dma_start3A_1279 = tpu.memref_slice %arg6[%dma_start3A_1277, %dma_start3A_1278] : memref<10240x128xf32, #tpu.memory_space<vmem_shared>> -> memref<10240x128xf32, #tpu.memory_space<vmem_shared>>
        tpu.enqueue_indirect_dma source(%dma_start3A_1273 : memref<128x128xf32, #tpu.memory_space<vmem>>) target(%dma_start3A_1279 : memref<10240x128xf32, #tpu.memory_space<vmem_shared>>) offsets(%dma_start3A_1276 : memref<128xi32, #tpu.memory_space<vmem>>) semaphore(%run_scoped3A_1269 : memref<!tpu.dma_semaphore, #tpu.memory_space<semaphore_mem>>) {add = true}
        %dma_wait3A_1280 = arith.constant 0 : i32
        %dma_wait3A_1281 = arith.constant 0 : i32
        %dma_wait3A_1282 = tpu.memref_slice %arg8[%run_scoped3A_1077, %dma_wait3A_1280, %dma_wait3A_1281] : memref<2x128x128xf32, #tpu.memory_space<vmem>> -> memref<1x128x128xf32, #tpu.memory_space<vmem>>
        %dma_wait3A_1283 = tpu.memref_squeeze %dma_wait3A_1282 : memref<1x128x128xf32, #tpu.memory_space<vmem>> -> memref<128x128xf32, #tpu.memory_space<vmem>>
        %dma_wait3A_1284 = arith.constant 0 : i32
        %dma_wait3A_1285 = tpu.memref_slice %arg7[%run_scoped3A_1078, %run_scoped3A_1079, %dma_wait3A_1284] : memref<16x2x128xi32, #tpu.memory_space<vmem>> -> memref<1x1x128xi32, #tpu.memory_space<vmem>>
        %dma_wait3A_1286 = tpu.memref_squeeze %dma_wait3A_1285 : memref<1x1x128xi32, #tpu.memory_space<vmem>> -> memref<128xi32, #tpu.memory_space<vmem>>
        %dma_wait3A_1287 = arith.constant 0 : i32
        %dma_wait3A_1288 = arith.constant 0 : i32
        %dma_wait3A_1289 = tpu.memref_slice %arg6[%dma_wait3A_1287, %dma_wait3A_1288] : memref<10240x128xf32, #tpu.memory_space<vmem_shared>> -> memref<10240x128xf32, #tpu.memory_space<vmem_shared>>
        tpu.wait_indirect_dma semaphore(%run_scoped3A_1269 : memref<!tpu.dma_semaphore, #tpu.memory_space<semaphore_mem>>) src(%dma_wait3A_1283 : memref<128x128xf32, #tpu.memory_space<vmem>>) dst(%dma_wait3A_1289 : memref<10240x128xf32, #tpu.memory_space<vmem_shared>>)
        tpu.yield
      }) : () -> ()
      %get3A_1080 = arith.constant 13 : i32
      %get3A_1081 = arith.constant 1 : i32
      %get3A_1082 = arith.index_cast %get3A_1080 : i32 to index
      %get3A_1083 = arith.index_cast %get3A_1081 : i32 to index
      %get3A_1084 = arith.constant 0 : index
      %get3A_1085 = tpu.vector_load %arg7[%get3A_1082, %get3A_1083, %get3A_1084] {strides = array<i32>} : memref<16x2x128xi32, #tpu.memory_space<vmem>>, vector<16xi32>,
      tpu.vector_store_idx %arg9[%get3A_1085], %broadcast_in_dim3A_3 {add = true} : memref<10240xf32, #tpu.memory_space<vmem>>[vector<16xi32>], vector<16xf32>,
      %get3A_1086 = arith.constant 13 : i32
      %get3A_1087 = arith.constant 1 : i32
      %get3A_1088 = arith.index_cast %get3A_1086 : i32 to index
      %get3A_1089 = arith.index_cast %get3A_1087 : i32 to index
      %get3A_1090 = arith.constant 16 : index
      %get3A_1091 = tpu.vector_load %arg7[%get3A_1088, %get3A_1089, %get3A_1090] {strides = array<i32>} : memref<16x2x128xi32, #tpu.memory_space<vmem>>, vector<16xi32>,
      tpu.vector_store_idx %arg9[%get3A_1091], %broadcast_in_dim3A_3 {add = true} : memref<10240xf32, #tpu.memory_space<vmem>>[vector<16xi32>], vector<16xf32>,
      %get3A_1092 = arith.constant 13 : i32
      %get3A_1093 = arith.constant 1 : i32
      %get3A_1094 = arith.index_cast %get3A_1092 : i32 to index
      %get3A_1095 = arith.index_cast %get3A_1093 : i32 to index
      %get3A_1096 = arith.constant 32 : index
      %get3A_1097 = tpu.vector_load %arg7[%get3A_1094, %get3A_1095, %get3A_1096] {strides = array<i32>} : memref<16x2x128xi32, #tpu.memory_space<vmem>>, vector<16xi32>,
      tpu.vector_store_idx %arg9[%get3A_1097], %broadcast_in_dim3A_3 {add = true} : memref<10240xf32, #tpu.memory_space<vmem>>[vector<16xi32>], vector<16xf32>,
      %get3A_1098 = arith.constant 13 : i32
      %get3A_1099 = arith.constant 1 : i32
      %get3A_1100 = arith.index_cast %get3A_1098 : i32 to index
      %get3A_1101 = arith.index_cast %get3A_1099 : i32 to index
      %get3A_1102 = arith.constant 48 : index
      %get3A_1103 = tpu.vector_load %arg7[%get3A_1100, %get3A_1101, %get3A_1102] {strides = array<i32>} : memref<16x2x128xi32, #tpu.memory_space<vmem>>, vector<16xi32>,
      tpu.vector_store_idx %arg9[%get3A_1103], %broadcast_in_dim3A_3 {add = true} : memref<10240xf32, #tpu.memory_space<vmem>>[vector<16xi32>], vector<16xf32>,
      %get3A_1104 = arith.constant 13 : i32
      %get3A_1105 = arith.constant 1 : i32
      %get3A_1106 = arith.index_cast %get3A_1104 : i32 to index
      %get3A_1107 = arith.index_cast %get3A_1105 : i32 to index
      %get3A_1108 = arith.constant 64 : index
      %get3A_1109 = tpu.vector_load %arg7[%get3A_1106, %get3A_1107, %get3A_1108] {strides = array<i32>} : memref<16x2x128xi32, #tpu.memory_space<vmem>>, vector<16xi32>,
      tpu.vector_store_idx %arg9[%get3A_1109], %broadcast_in_dim3A_3 {add = true} : memref<10240xf32, #tpu.memory_space<vmem>>[vector<16xi32>], vector<16xf32>,
      %get3A_1110 = arith.constant 13 : i32
      %get3A_1111 = arith.constant 1 : i32
      %get3A_1112 = arith.index_cast %get3A_1110 : i32 to index
      %get3A_1113 = arith.index_cast %get3A_1111 : i32 to index
      %get3A_1114 = arith.constant 80 : index
      %get3A_1115 = tpu.vector_load %arg7[%get3A_1112, %get3A_1113, %get3A_1114] {strides = array<i32>} : memref<16x2x128xi32, #tpu.memory_space<vmem>>, vector<16xi32>,
      tpu.vector_store_idx %arg9[%get3A_1115], %broadcast_in_dim3A_3 {add = true} : memref<10240xf32, #tpu.memory_space<vmem>>[vector<16xi32>], vector<16xf32>,
      %get3A_1116 = arith.constant 13 : i32
      %get3A_1117 = arith.constant 1 : i32
      %get3A_1118 = arith.index_cast %get3A_1116 : i32 to index
      %get3A_1119 = arith.index_cast %get3A_1117 : i32 to index
      %get3A_1120 = arith.constant 96 : index
      %get3A_1121 = tpu.vector_load %arg7[%get3A_1118, %get3A_1119, %get3A_1120] {strides = array<i32>} : memref<16x2x128xi32, #tpu.memory_space<vmem>>, vector<16xi32>,
      tpu.vector_store_idx %arg9[%get3A_1121], %broadcast_in_dim3A_3 {add = true} : memref<10240xf32, #tpu.memory_space<vmem>>[vector<16xi32>], vector<16xf32>,
      %get3A_1122 = arith.constant 13 : i32
      %get3A_1123 = arith.constant 1 : i32
      %get3A_1124 = arith.index_cast %get3A_1122 : i32 to index
      %get3A_1125 = arith.index_cast %get3A_1123 : i32 to index
      %get3A_1126 = arith.constant 112 : index
      %get3A_1127 = tpu.vector_load %arg7[%get3A_1124, %get3A_1125, %get3A_1126] {strides = array<i32>} : memref<16x2x128xi32, #tpu.memory_space<vmem>>, vector<16xi32>,
      tpu.vector_store_idx %arg9[%get3A_1127], %broadcast_in_dim3A_3 {add = true} : memref<10240xf32, #tpu.memory_space<vmem>>[vector<16xi32>], vector<16xf32>,
      %dma_wait3A_1128 = arith.constant 14 : i32
      %dma_wait3A_1129 = arith.constant 0 : i32
      %dma_wait3A_1130 = arith.constant 0 : i32
      %dma_wait3A_1131 = arith.constant 0 : i32
      %dma_wait3A_1132 = arith.constant 0 : i32
      %dma_wait3A_1133 = tpu.memref_slice %arg8[%dma_wait3A_1130, %dma_wait3A_1131, %dma_wait3A_1132] : memref<2x128x128xf32, #tpu.memory_space<vmem>> -> memref<1x128x128xf32, #tpu.memory_space<vmem>>
      %dma_wait3A_1134 = tpu.memref_squeeze %dma_wait3A_1133 : memref<1x128x128xf32, #tpu.memory_space<vmem>> -> memref<128x128xf32, #tpu.memory_space<vmem>>
      %dma_wait3A_1135 = arith.constant 0 : i32
      %dma_wait3A_1136 = tpu.memref_slice %arg7[%dma_wait3A_1128, %dma_wait3A_1129, %dma_wait3A_1135] : memref<16x2x128xi32, #tpu.memory_space<vmem>> -> memref<1x1x128xi32, #tpu.memory_space<vmem>>
      %dma_wait3A_1137 = tpu.memref_squeeze %dma_wait3A_1136 : memref<1x1x128xi32, #tpu.memory_space<vmem>> -> memref<128xi32, #tpu.memory_space<vmem>>
      %dma_wait3A_1138 = arith.constant 0 : i32
      %dma_wait3A_1139 = arith.constant 0 : i32
      %dma_wait3A_1140 = tpu.memref_slice %arg2[%dma_wait3A_1138, %dma_wait3A_1139] : memref<10240x128xf32, #tpu.memory_space<hbm>> -> memref<10240x128xf32, #tpu.memory_space<hbm>>
      tpu.wait_indirect_dma semaphore(%arg10 : memref<!tpu.dma_semaphore, #tpu.memory_space<semaphore_mem>>) src(%dma_wait3A_1140 : memref<10240x128xf32, #tpu.memory_space<hbm>>) dst(%dma_wait3A_1134 : memref<128x128xf32, #tpu.memory_space<vmem>>)
      %dma_start3A_1141 = arith.constant 15 : i32
      %dma_start3A_1142 = arith.constant 0 : i32
      %dma_start3A_1143 = arith.constant 1 : i32
      %dma_start3A_1144 = arith.constant 0 : i32
      %dma_start3A_1145 = arith.constant 0 : i32
      %dma_start3A_1146 = tpu.memref_slice %arg8[%dma_start3A_1143, %dma_start3A_1144, %dma_start3A_1145] : memref<2x128x128xf32, #tpu.memory_space<vmem>> -> memref<1x128x128xf32, #tpu.memory_space<vmem>>
      %dma_start3A_1147 = tpu.memref_squeeze %dma_start3A_1146 : memref<1x128x128xf32, #tpu.memory_space<vmem>> -> memref<128x128xf32, #tpu.memory_space<vmem>>
      %dma_start3A_1148 = arith.constant 0 : i32
      %dma_start3A_1149 = tpu.memref_slice %arg7[%dma_start3A_1141, %dma_start3A_1142, %dma_start3A_1148] : memref<16x2x128xi32, #tpu.memory_space<vmem>> -> memref<1x1x128xi32, #tpu.memory_space<vmem>>
      %dma_start3A_1150 = tpu.memref_squeeze %dma_start3A_1149 : memref<1x1x128xi32, #tpu.memory_space<vmem>> -> memref<128xi32, #tpu.memory_space<vmem>>
      %dma_start3A_1151 = arith.constant 0 : i32
      %dma_start3A_1152 = arith.constant 0 : i32
      %dma_start3A_1153 = tpu.memref_slice %arg2[%dma_start3A_1151, %dma_start3A_1152] : memref<10240x128xf32, #tpu.memory_space<hbm>> -> memref<10240x128xf32, #tpu.memory_space<hbm>>
      tpu.enqueue_indirect_dma source(%dma_start3A_1153 : memref<10240x128xf32, #tpu.memory_space<hbm>>) target(%dma_start3A_1147 : memref<128x128xf32, #tpu.memory_space<vmem>>) offsets(%dma_start3A_1150 : memref<128xi32, #tpu.memory_space<vmem>>) semaphore(%arg11 : memref<!tpu.dma_semaphore, #tpu.memory_space<semaphore_mem>>)
      %run_scoped3A_1154 = arith.constant 0 : i32
      %run_scoped3A_1155 = arith.constant 14 : i32
      %run_scoped3A_1156 = arith.constant 1 : i32
      "tpu.region"() ({
        %run_scoped3A_1269 = tpu.sem_alloc : memref<!tpu.dma_semaphore, #tpu.memory_space<semaphore_mem>>
        %dma_start3A_1270 = arith.constant 0 : i32
        %dma_start3A_1271 = arith.constant 0 : i32
        %dma_start3A_1272 = tpu.memref_slice %arg8[%run_scoped3A_1154, %dma_start3A_1270, %dma_start3A_1271] : memref<2x128x128xf32, #tpu.memory_space<vmem>> -> memref<1x128x128xf32, #tpu.memory_space<vmem>>
        %dma_start3A_1273 = tpu.memref_squeeze %dma_start3A_1272 : memref<1x128x128xf32, #tpu.memory_space<vmem>> -> memref<128x128xf32, #tpu.memory_space<vmem>>
        %dma_start3A_1274 = arith.constant 0 : i32
        %dma_start3A_1275 = tpu.memref_slice %arg7[%run_scoped3A_1155, %run_scoped3A_1156, %dma_start3A_1274] : memref<16x2x128xi32, #tpu.memory_space<vmem>> -> memref<1x1x128xi32, #tpu.memory_space<vmem>>
        %dma_start3A_1276 = tpu.memref_squeeze %dma_start3A_1275 : memref<1x1x128xi32, #tpu.memory_space<vmem>> -> memref<128xi32, #tpu.memory_space<vmem>>
        %dma_start3A_1277 = arith.constant 0 : i32
        %dma_start3A_1278 = arith.constant 0 : i32
        %dma_start3A_1279 = tpu.memref_slice %arg6[%dma_start3A_1277, %dma_start3A_1278] : memref<10240x128xf32, #tpu.memory_space<vmem_shared>> -> memref<10240x128xf32, #tpu.memory_space<vmem_shared>>
        tpu.enqueue_indirect_dma source(%dma_start3A_1273 : memref<128x128xf32, #tpu.memory_space<vmem>>) target(%dma_start3A_1279 : memref<10240x128xf32, #tpu.memory_space<vmem_shared>>) offsets(%dma_start3A_1276 : memref<128xi32, #tpu.memory_space<vmem>>) semaphore(%run_scoped3A_1269 : memref<!tpu.dma_semaphore, #tpu.memory_space<semaphore_mem>>) {add = true}
        %dma_wait3A_1280 = arith.constant 0 : i32
        %dma_wait3A_1281 = arith.constant 0 : i32
        %dma_wait3A_1282 = tpu.memref_slice %arg8[%run_scoped3A_1154, %dma_wait3A_1280, %dma_wait3A_1281] : memref<2x128x128xf32, #tpu.memory_space<vmem>> -> memref<1x128x128xf32, #tpu.memory_space<vmem>>
        %dma_wait3A_1283 = tpu.memref_squeeze %dma_wait3A_1282 : memref<1x128x128xf32, #tpu.memory_space<vmem>> -> memref<128x128xf32, #tpu.memory_space<vmem>>
        %dma_wait3A_1284 = arith.constant 0 : i32
        %dma_wait3A_1285 = tpu.memref_slice %arg7[%run_scoped3A_1155, %run_scoped3A_1156, %dma_wait3A_1284] : memref<16x2x128xi32, #tpu.memory_space<vmem>> -> memref<1x1x128xi32, #tpu.memory_space<vmem>>
        %dma_wait3A_1286 = tpu.memref_squeeze %dma_wait3A_1285 : memref<1x1x128xi32, #tpu.memory_space<vmem>> -> memref<128xi32, #tpu.memory_space<vmem>>
        %dma_wait3A_1287 = arith.constant 0 : i32
        %dma_wait3A_1288 = arith.constant 0 : i32
        %dma_wait3A_1289 = tpu.memref_slice %arg6[%dma_wait3A_1287, %dma_wait3A_1288] : memref<10240x128xf32, #tpu.memory_space<vmem_shared>> -> memref<10240x128xf32, #tpu.memory_space<vmem_shared>>
        tpu.wait_indirect_dma semaphore(%run_scoped3A_1269 : memref<!tpu.dma_semaphore, #tpu.memory_space<semaphore_mem>>) src(%dma_wait3A_1283 : memref<128x128xf32, #tpu.memory_space<vmem>>) dst(%dma_wait3A_1289 : memref<10240x128xf32, #tpu.memory_space<vmem_shared>>)
        tpu.yield
      }) : () -> ()
      %get3A_1157 = arith.constant 14 : i32
      %get3A_1158 = arith.constant 1 : i32
      %get3A_1159 = arith.index_cast %get3A_1157 : i32 to index
      %get3A_1160 = arith.index_cast %get3A_1158 : i32 to index
      %get3A_1161 = arith.constant 0 : index
      %get3A_1162 = tpu.vector_load %arg7[%get3A_1159, %get3A_1160, %get3A_1161] {strides = array<i32>} : memref<16x2x128xi32, #tpu.memory_space<vmem>>, vector<16xi32>,
      tpu.vector_store_idx %arg9[%get3A_1162], %broadcast_in_dim3A_3 {add = true} : memref<10240xf32, #tpu.memory_space<vmem>>[vector<16xi32>], vector<16xf32>,
      %get3A_1163 = arith.constant 14 : i32
      %get3A_1164 = arith.constant 1 : i32
      %get3A_1165 = arith.index_cast %get3A_1163 : i32 to index
      %get3A_1166 = arith.index_cast %get3A_1164 : i32 to index
      %get3A_1167 = arith.constant 16 : index
      %get3A_1168 = tpu.vector_load %arg7[%get3A_1165, %get3A_1166, %get3A_1167] {strides = array<i32>} : memref<16x2x128xi32, #tpu.memory_space<vmem>>, vector<16xi32>,
      tpu.vector_store_idx %arg9[%get3A_1168], %broadcast_in_dim3A_3 {add = true} : memref<10240xf32, #tpu.memory_space<vmem>>[vector<16xi32>], vector<16xf32>,
      %get3A_1169 = arith.constant 14 : i32
      %get3A_1170 = arith.constant 1 : i32
      %get3A_1171 = arith.index_cast %get3A_1169 : i32 to index
      %get3A_1172 = arith.index_cast %get3A_1170 : i32 to index
      %get3A_1173 = arith.constant 32 : index
      %get3A_1174 = tpu.vector_load %arg7[%get3A_1171, %get3A_1172, %get3A_1173] {strides = array<i32>} : memref<16x2x128xi32, #tpu.memory_space<vmem>>, vector<16xi32>,
      tpu.vector_store_idx %arg9[%get3A_1174], %broadcast_in_dim3A_3 {add = true} : memref<10240xf32, #tpu.memory_space<vmem>>[vector<16xi32>], vector<16xf32>,
      %get3A_1175 = arith.constant 14 : i32
      %get3A_1176 = arith.constant 1 : i32
      %get3A_1177 = arith.index_cast %get3A_1175 : i32 to index
      %get3A_1178 = arith.index_cast %get3A_1176 : i32 to index
      %get3A_1179 = arith.constant 48 : index
      %get3A_1180 = tpu.vector_load %arg7[%get3A_1177, %get3A_1178, %get3A_1179] {strides = array<i32>} : memref<16x2x128xi32, #tpu.memory_space<vmem>>, vector<16xi32>,
      tpu.vector_store_idx %arg9[%get3A_1180], %broadcast_in_dim3A_3 {add = true} : memref<10240xf32, #tpu.memory_space<vmem>>[vector<16xi32>], vector<16xf32>,
      %get3A_1181 = arith.constant 14 : i32
      %get3A_1182 = arith.constant 1 : i32
      %get3A_1183 = arith.index_cast %get3A_1181 : i32 to index
      %get3A_1184 = arith.index_cast %get3A_1182 : i32 to index
      %get3A_1185 = arith.constant 64 : index
      %get3A_1186 = tpu.vector_load %arg7[%get3A_1183, %get3A_1184, %get3A_1185] {strides = array<i32>} : memref<16x2x128xi32, #tpu.memory_space<vmem>>, vector<16xi32>,
      tpu.vector_store_idx %arg9[%get3A_1186], %broadcast_in_dim3A_3 {add = true} : memref<10240xf32, #tpu.memory_space<vmem>>[vector<16xi32>], vector<16xf32>,
      %get3A_1187 = arith.constant 14 : i32
      %get3A_1188 = arith.constant 1 : i32
      %get3A_1189 = arith.index_cast %get3A_1187 : i32 to index
      %get3A_1190 = arith.index_cast %get3A_1188 : i32 to index
      %get3A_1191 = arith.constant 80 : index
      %get3A_1192 = tpu.vector_load %arg7[%get3A_1189, %get3A_1190, %get3A_1191] {strides = array<i32>} : memref<16x2x128xi32, #tpu.memory_space<vmem>>, vector<16xi32>,
      tpu.vector_store_idx %arg9[%get3A_1192], %broadcast_in_dim3A_3 {add = true} : memref<10240xf32, #tpu.memory_space<vmem>>[vector<16xi32>], vector<16xf32>,
      %get3A_1193 = arith.constant 14 : i32
      %get3A_1194 = arith.constant 1 : i32
      %get3A_1195 = arith.index_cast %get3A_1193 : i32 to index
      %get3A_1196 = arith.index_cast %get3A_1194 : i32 to index
      %get3A_1197 = arith.constant 96 : index
      %get3A_1198 = tpu.vector_load %arg7[%get3A_1195, %get3A_1196, %get3A_1197] {strides = array<i32>} : memref<16x2x128xi32, #tpu.memory_space<vmem>>, vector<16xi32>,
      tpu.vector_store_idx %arg9[%get3A_1198], %broadcast_in_dim3A_3 {add = true} : memref<10240xf32, #tpu.memory_space<vmem>>[vector<16xi32>], vector<16xf32>,
      %get3A_1199 = arith.constant 14 : i32
      %get3A_1200 = arith.constant 1 : i32
      %get3A_1201 = arith.index_cast %get3A_1199 : i32 to index
      %get3A_1202 = arith.index_cast %get3A_1200 : i32 to index
      %get3A_1203 = arith.constant 112 : index
      %get3A_1204 = tpu.vector_load %arg7[%get3A_1201, %get3A_1202, %get3A_1203] {strides = array<i32>} : memref<16x2x128xi32, #tpu.memory_space<vmem>>, vector<16xi32>,
      tpu.vector_store_idx %arg9[%get3A_1204], %broadcast_in_dim3A_3 {add = true} : memref<10240xf32, #tpu.memory_space<vmem>>[vector<16xi32>], vector<16xf32>,
      %dma_wait3A_1205 = arith.constant 15 : i32
      %dma_wait3A_1206 = arith.constant 0 : i32
      %dma_wait3A_1207 = arith.constant 1 : i32
      %dma_wait3A_1208 = arith.constant 0 : i32
      %dma_wait3A_1209 = arith.constant 0 : i32
      %dma_wait3A_1210 = tpu.memref_slice %arg8[%dma_wait3A_1207, %dma_wait3A_1208, %dma_wait3A_1209] : memref<2x128x128xf32, #tpu.memory_space<vmem>> -> memref<1x128x128xf32, #tpu.memory_space<vmem>>
      %dma_wait3A_1211 = tpu.memref_squeeze %dma_wait3A_1210 : memref<1x128x128xf32, #tpu.memory_space<vmem>> -> memref<128x128xf32, #tpu.memory_space<vmem>>
      %dma_wait3A_1212 = arith.constant 0 : i32
      %dma_wait3A_1213 = tpu.memref_slice %arg7[%dma_wait3A_1205, %dma_wait3A_1206, %dma_wait3A_1212] : memref<16x2x128xi32, #tpu.memory_space<vmem>> -> memref<1x1x128xi32, #tpu.memory_space<vmem>>
      %dma_wait3A_1214 = tpu.memref_squeeze %dma_wait3A_1213 : memref<1x1x128xi32, #tpu.memory_space<vmem>> -> memref<128xi32, #tpu.memory_space<vmem>>
      %dma_wait3A_1215 = arith.constant 0 : i32
      %dma_wait3A_1216 = arith.constant 0 : i32
      %dma_wait3A_1217 = tpu.memref_slice %arg2[%dma_wait3A_1215, %dma_wait3A_1216] : memref<10240x128xf32, #tpu.memory_space<hbm>> -> memref<10240x128xf32, #tpu.memory_space<hbm>>
      tpu.wait_indirect_dma semaphore(%arg11 : memref<!tpu.dma_semaphore, #tpu.memory_space<semaphore_mem>>) src(%dma_wait3A_1217 : memref<10240x128xf32, #tpu.memory_space<hbm>>) dst(%dma_wait3A_1211 : memref<128x128xf32, #tpu.memory_space<vmem>>)
      %run_scoped3A_1218 = arith.constant 1 : i32
      %run_scoped3A_1219 = arith.constant 15 : i32
      %run_scoped3A_1220 = arith.constant 1 : i32
      "tpu.region"() ({
        %run_scoped3A_1269 = tpu.sem_alloc : memref<!tpu.dma_semaphore, #tpu.memory_space<semaphore_mem>>
        %dma_start3A_1270 = arith.constant 0 : i32
        %dma_start3A_1271 = arith.constant 0 : i32
        %dma_start3A_1272 = tpu.memref_slice %arg8[%run_scoped3A_1218, %dma_start3A_1270, %dma_start3A_1271] : memref<2x128x128xf32, #tpu.memory_space<vmem>> -> memref<1x128x128xf32, #tpu.memory_space<vmem>>
        %dma_start3A_1273 = tpu.memref_squeeze %dma_start3A_1272 : memref<1x128x128xf32, #tpu.memory_space<vmem>> -> memref<128x128xf32, #tpu.memory_space<vmem>>
        %dma_start3A_1274 = arith.constant 0 : i32
        %dma_start3A_1275 = tpu.memref_slice %arg7[%run_scoped3A_1219, %run_scoped3A_1220, %dma_start3A_1274] : memref<16x2x128xi32, #tpu.memory_space<vmem>> -> memref<1x1x128xi32, #tpu.memory_space<vmem>>
        %dma_start3A_1276 = tpu.memref_squeeze %dma_start3A_1275 : memref<1x1x128xi32, #tpu.memory_space<vmem>> -> memref<128xi32, #tpu.memory_space<vmem>>
        %dma_start3A_1277 = arith.constant 0 : i32
        %dma_start3A_1278 = arith.constant 0 : i32
        %dma_start3A_1279 = tpu.memref_slice %arg6[%dma_start3A_1277, %dma_start3A_1278] : memref<10240x128xf32, #tpu.memory_space<vmem_shared>> -> memref<10240x128xf32, #tpu.memory_space<vmem_shared>>
        tpu.enqueue_indirect_dma source(%dma_start3A_1273 : memref<128x128xf32, #tpu.memory_space<vmem>>) target(%dma_start3A_1279 : memref<10240x128xf32, #tpu.memory_space<vmem_shared>>) offsets(%dma_start3A_1276 : memref<128xi32, #tpu.memory_space<vmem>>) semaphore(%run_scoped3A_1269 : memref<!tpu.dma_semaphore, #tpu.memory_space<semaphore_mem>>) {add = true}
        %dma_wait3A_1280 = arith.constant 0 : i32
        %dma_wait3A_1281 = arith.constant 0 : i32
        %dma_wait3A_1282 = tpu.memref_slice %arg8[%run_scoped3A_1218, %dma_wait3A_1280, %dma_wait3A_1281] : memref<2x128x128xf32, #tpu.memory_space<vmem>> -> memref<1x128x128xf32, #tpu.memory_space<vmem>>
        %dma_wait3A_1283 = tpu.memref_squeeze %dma_wait3A_1282 : memref<1x128x128xf32, #tpu.memory_space<vmem>> -> memref<128x128xf32, #tpu.memory_space<vmem>>
        %dma_wait3A_1284 = arith.constant 0 : i32
        %dma_wait3A_1285 = tpu.memref_slice %arg7[%run_scoped3A_1219, %run_scoped3A_1220, %dma_wait3A_1284] : memref<16x2x128xi32, #tpu.memory_space<vmem>> -> memref<1x1x128xi32, #tpu.memory_space<vmem>>
        %dma_wait3A_1286 = tpu.memref_squeeze %dma_wait3A_1285 : memref<1x1x128xi32, #tpu.memory_space<vmem>> -> memref<128xi32, #tpu.memory_space<vmem>>
        %dma_wait3A_1287 = arith.constant 0 : i32
        %dma_wait3A_1288 = arith.constant 0 : i32
        %dma_wait3A_1289 = tpu.memref_slice %arg6[%dma_wait3A_1287, %dma_wait3A_1288] : memref<10240x128xf32, #tpu.memory_space<vmem_shared>> -> memref<10240x128xf32, #tpu.memory_space<vmem_shared>>
        tpu.wait_indirect_dma semaphore(%run_scoped3A_1269 : memref<!tpu.dma_semaphore, #tpu.memory_space<semaphore_mem>>) src(%dma_wait3A_1283 : memref<128x128xf32, #tpu.memory_space<vmem>>) dst(%dma_wait3A_1289 : memref<10240x128xf32, #tpu.memory_space<vmem_shared>>)
        tpu.yield
      }) : () -> ()
      %get3A_1221 = arith.constant 15 : i32
      %get3A_1222 = arith.constant 1 : i32
      %get3A_1223 = arith.index_cast %get3A_1221 : i32 to index
      %get3A_1224 = arith.index_cast %get3A_1222 : i32 to index
      %get3A_1225 = arith.constant 0 : index
      %get3A_1226 = tpu.vector_load %arg7[%get3A_1223, %get3A_1224, %get3A_1225] {strides = array<i32>} : memref<16x2x128xi32, #tpu.memory_space<vmem>>, vector<16xi32>,
      tpu.vector_store_idx %arg9[%get3A_1226], %broadcast_in_dim3A_3 {add = true} : memref<10240xf32, #tpu.memory_space<vmem>>[vector<16xi32>], vector<16xf32>,
      %get3A_1227 = arith.constant 15 : i32
      %get3A_1228 = arith.constant 1 : i32
      %get3A_1229 = arith.index_cast %get3A_1227 : i32 to index
      %get3A_1230 = arith.index_cast %get3A_1228 : i32 to index
      %get3A_1231 = arith.constant 16 : index
      %get3A_1232 = tpu.vector_load %arg7[%get3A_1229, %get3A_1230, %get3A_1231] {strides = array<i32>} : memref<16x2x128xi32, #tpu.memory_space<vmem>>, vector<16xi32>,
      tpu.vector_store_idx %arg9[%get3A_1232], %broadcast_in_dim3A_3 {add = true} : memref<10240xf32, #tpu.memory_space<vmem>>[vector<16xi32>], vector<16xf32>,
      %get3A_1233 = arith.constant 15 : i32
      %get3A_1234 = arith.constant 1 : i32
      %get3A_1235 = arith.index_cast %get3A_1233 : i32 to index
      %get3A_1236 = arith.index_cast %get3A_1234 : i32 to index
      %get3A_1237 = arith.constant 32 : index
      %get3A_1238 = tpu.vector_load %arg7[%get3A_1235, %get3A_1236, %get3A_1237] {strides = array<i32>} : memref<16x2x128xi32, #tpu.memory_space<vmem>>, vector<16xi32>,
      tpu.vector_store_idx %arg9[%get3A_1238], %broadcast_in_dim3A_3 {add = true} : memref<10240xf32, #tpu.memory_space<vmem>>[vector<16xi32>], vector<16xf32>,
      %get3A_1239 = arith.constant 15 : i32
      %get3A_1240 = arith.constant 1 : i32
      %get3A_1241 = arith.index_cast %get3A_1239 : i32 to index
      %get3A_1242 = arith.index_cast %get3A_1240 : i32 to index
      %get3A_1243 = arith.constant 48 : index
      %get3A_1244 = tpu.vector_load %arg7[%get3A_1241, %get3A_1242, %get3A_1243] {strides = array<i32>} : memref<16x2x128xi32, #tpu.memory_space<vmem>>, vector<16xi32>,
      tpu.vector_store_idx %arg9[%get3A_1244], %broadcast_in_dim3A_3 {add = true} : memref<10240xf32, #tpu.memory_space<vmem>>[vector<16xi32>], vector<16xf32>,
      %get3A_1245 = arith.constant 15 : i32
      %get3A_1246 = arith.constant 1 : i32
      %get3A_1247 = arith.index_cast %get3A_1245 : i32 to index
      %get3A_1248 = arith.index_cast %get3A_1246 : i32 to index
      %get3A_1249 = arith.constant 64 : index
      %get3A_1250 = tpu.vector_load %arg7[%get3A_1247, %get3A_1248, %get3A_1249] {strides = array<i32>} : memref<16x2x128xi32, #tpu.memory_space<vmem>>, vector<16xi32>,
      tpu.vector_store_idx %arg9[%get3A_1250], %broadcast_in_dim3A_3 {add = true} : memref<10240xf32, #tpu.memory_space<vmem>>[vector<16xi32>], vector<16xf32>,
      %get3A_1251 = arith.constant 15 : i32
      %get3A_1252 = arith.constant 1 : i32
      %get3A_1253 = arith.index_cast %get3A_1251 : i32 to index
      %get3A_1254 = arith.index_cast %get3A_1252 : i32 to index
      %get3A_1255 = arith.constant 80 : index
      %get3A_1256 = tpu.vector_load %arg7[%get3A_1253, %get3A_1254, %get3A_1255] {strides = array<i32>} : memref<16x2x128xi32, #tpu.memory_space<vmem>>, vector<16xi32>,
      tpu.vector_store_idx %arg9[%get3A_1256], %broadcast_in_dim3A_3 {add = true} : memref<10240xf32, #tpu.memory_space<vmem>>[vector<16xi32>], vector<16xf32>,
      %get3A_1257 = arith.constant 15 : i32
      %get3A_1258 = arith.constant 1 : i32
      %get3A_1259 = arith.index_cast %get3A_1257 : i32 to index
      %get3A_1260 = arith.index_cast %get3A_1258 : i32 to index
      %get3A_1261 = arith.constant 96 : index
      %get3A_1262 = tpu.vector_load %arg7[%get3A_1259, %get3A_1260, %get3A_1261] {strides = array<i32>} : memref<16x2x128xi32, #tpu.memory_space<vmem>>, vector<16xi32>,
      tpu.vector_store_idx %arg9[%get3A_1262], %broadcast_in_dim3A_3 {add = true} : memref<10240xf32, #tpu.memory_space<vmem>>[vector<16xi32>], vector<16xf32>,
      %get3A_1263 = arith.constant 15 : i32
      %get3A_1264 = arith.constant 1 : i32
      %get3A_1265 = arith.index_cast %get3A_1263 : i32 to index
      %get3A_1266 = arith.index_cast %get3A_1264 : i32 to index
      %get3A_1267 = arith.constant 112 : index
      %get3A_1268 = tpu.vector_load %arg7[%get3A_1265, %get3A_1266, %get3A_1267] {strides = array<i32>} : memref<16x2x128xi32, #tpu.memory_space<vmem>>, vector<16xi32>,
      tpu.vector_store_idx %arg9[%get3A_1268], %broadcast_in_dim3A_3 {add = true} : memref<10240xf32, #tpu.memory_space<vmem>>[vector<16xi32>], vector<16xf32>,
    }
    %scan3A_33 = arith.constant 5 : i32
    %barrier3A_34 = arith.constant 0 : index
    tpu.barrier barrier_id(%barrier3A_34)
    "tpu.region"() ({
      %run_scoped3A_35 = tpu.sem_alloc : memref<!tpu.dma_semaphore, #tpu.memory_space<semaphore_mem>>
      %dma_start3A = arith.constant 0 : i32
      %dma_start3A_36 = tpu.memref_slice %arg4[%arg0, %mul3A_14, %dma_start3A] : memref<2x10240x128xf32, #tpu.memory_space<hbm>> -> memref<1x640x128xf32, #tpu.memory_space<hbm>>
      %dma_start3A_37 = tpu.memref_squeeze %dma_start3A_36 : memref<1x640x128xf32, #tpu.memory_space<hbm>> -> memref<640x128xf32, #tpu.memory_space<hbm>>
      %dma_start3A_38 = arith.constant 0 : i32
      %dma_start3A_39 = tpu.memref_slice %arg6[%mul3A_14, %dma_start3A_38] : memref<10240x128xf32, #tpu.memory_space<vmem_shared>> -> memref<640x128xf32, #tpu.memory_space<vmem_shared>>
      tpu.enqueue_dma source(%dma_start3A_39 : memref<640x128xf32, #tpu.memory_space<vmem_shared>>) target(%dma_start3A_37 : memref<640x128xf32, #tpu.memory_space<hbm>>) target_semaphore(%run_scoped3A_35 : memref<!tpu.dma_semaphore, #tpu.memory_space<semaphore_mem>>)
      %dma_wait3A = arith.constant 0 : i32
      %dma_wait3A_40 = tpu.memref_slice %arg4[%arg0, %mul3A_14, %dma_wait3A] : memref<2x10240x128xf32, #tpu.memory_space<hbm>> -> memref<1x640x128xf32, #tpu.memory_space<hbm>>
      %dma_wait3A_41 = tpu.memref_squeeze %dma_wait3A_40 : memref<1x640x128xf32, #tpu.memory_space<hbm>> -> memref<640x128xf32, #tpu.memory_space<hbm>>
      %dma_wait3A_42 = arith.constant 0 : i32
      %dma_wait3A_43 = tpu.memref_slice %arg6[%mul3A_14, %dma_wait3A_42] : memref<10240x128xf32, #tpu.memory_space<vmem_shared>> -> memref<640x128xf32, #tpu.memory_space<vmem_shared>>
      tpu.wait_dma2 semaphore(%run_scoped3A_35 : memref<!tpu.dma_semaphore, #tpu.memory_space<semaphore_mem>>) src(%dma_wait3A_43 : memref<640x128xf32, #tpu.memory_space<vmem_shared>>) dst(%dma_wait3A_41 : memref<640x128xf32, #tpu.memory_space<hbm>>)
      tpu.yield
    }) : () -> ()
    "tpu.region"() ({
      %run_scoped3A_35 = tpu.sem_alloc : memref<!tpu.dma_semaphore, #tpu.memory_space<semaphore_mem>>
      %dma_start3A = arith.constant 0 : i32
      %dma_start3A_36 = tpu.memref_slice %arg5[%add3A, %dma_start3A] : memref<32x10240xf32, #tpu.memory_space<hbm>> -> memref<1x10240xf32, #tpu.memory_space<hbm>>
      %dma_start3A_37 = tpu.memref_squeeze %dma_start3A_36 : memref<1x10240xf32, #tpu.memory_space<hbm>> -> memref<10240xf32, #tpu.memory_space<hbm>>
      %dma_start3A_38 = arith.constant 0 : i32
      %dma_start3A_39 = tpu.memref_slice %arg5[%add3A, %dma_start3A_38] : memref<32x10240xf32, #tpu.memory_space<hbm>> -> memref<1x10240xf32, #tpu.memory_space<hbm>>
      %dma_start3A_40 = tpu.memref_squeeze %dma_start3A_39 : memref<1x10240xf32, #tpu.memory_space<hbm>> -> memref<10240xf32, #tpu.memory_space<hbm>>
      tpu.enqueue_dma source(%arg9 : memref<10240xf32, #tpu.memory_space<vmem>>) target(%dma_start3A_40 : memref<10240xf32, #tpu.memory_space<hbm>>) target_semaphore(%run_scoped3A_35 : memref<!tpu.dma_semaphore, #tpu.memory_space<semaphore_mem>>)
      %dma_wait3A = arith.constant 0 : i32
      %dma_wait3A_41 = tpu.memref_slice %arg5[%add3A, %dma_wait3A] : memref<32x10240xf32, #tpu.memory_space<hbm>> -> memref<1x10240xf32, #tpu.memory_space<hbm>>
      %dma_wait3A_42 = tpu.memref_squeeze %dma_wait3A_41 : memref<1x10240xf32, #tpu.memory_space<hbm>> -> memref<10240xf32, #tpu.memory_space<hbm>>
      %dma_wait3A_43 = arith.constant 0 : i32
      %dma_wait3A_44 = tpu.memref_slice %arg5[%add3A, %dma_wait3A_43] : memref<32x10240xf32, #tpu.memory_space<hbm>> -> memref<1x10240xf32, #tpu.memory_space<hbm>>
      %dma_wait3A_45 = tpu.memref_squeeze %dma_wait3A_44 : memref<1x10240xf32, #tpu.memory_space<hbm>> -> memref<10240xf32, #tpu.memory_space<hbm>>
      tpu.wait_dma2 semaphore(%run_scoped3A_35 : memref<!tpu.dma_semaphore, #tpu.memory_space<semaphore_mem>>) src(%arg9 : memref<10240xf32, #tpu.memory_space<vmem>>) dst(%dma_wait3A_45 : memref<10240xf32, #tpu.memory_space<hbm>>)
      tpu.yield
    }) : () -> ()
    return
  }
}

</mosaic_0001>

<sc_bundles>
// kernel: _sc_agg.3.cloned.1.call-start
scs
__scs_entry_jumppad:
0x0: {  	(pc) =	sbr.rel $0x88, $3  }
0x1: {  	(tag) =	ssettag $0x0;
	lr =	simm.s32 $0x1  }
0x2: {  	[smem:$0x3F9F] =	sst lr;
	_ =	strace $0xD0000000  }
0x3: {  	_ = 	snop  }
0x4: {  	_ = 	snop  }
0x5: {  	_ = 	snop  }
0x6: {  	_ = 	snop  }
0x7: {  	_ = 	snop  }
__scs_overlays_trampoline_lowered:
0x8: {  	[smem:$0x3FAE] =	sst s0  }
0x9: {  	[smem:$0x3FAF] =	sst s1  }
0xa: {  	[smem:$0x3FB0] =	sst s2  }
0xb: {  	[smem:$0x3FB1] =	sst s3  }
0xc: {  	[smem:$0x3FB2] =	sst s4  }
0xd: {  	[smem:$0x3FB3] =	sst s5  }
0xe: {  	[smem:$0x3FB4] =	sst s6  }
0xf: {  	[smem:$0x3FB5] =	sst s7  }
0x10: {  	[smem:$0x3FB6] =	sst s8  }
0x11: {  	[smem:$0x3FB7] =	sst s9;
	s0 =	simm.s32 @!p0 $0x0  }
0x12: {  	s1 =	sld [smem:$0x3F9D];
	s0 =	simm.s32 @p0 $0x1  }
0x13: {  	[smem:$0x3FB8] =	sst s0;
	s0 =	simm.s32 @!p1 $0x0  }
0x14: {  	s2 =	sld [smem:$0x3F9C];
	s0 =	simm.s32 @p1 $0x1  }
0x15: {  	[smem:$0x3FB9] =	sst s0;
	s0 =	simm.s32 @!p2 $0x0  }
0x16: {  	s3 =	sld [smem:$0x3FDB];
	s0 =	simm.s32 @p2 $0x1  }
0x17: {  	s4 =	simm.s32 $0x1BF5;
	[smem:$0x3FBB] =	sst s0  }
0x18: {  	s0 =	sld [smem:$0x3F9E];
	_ =	swait.ge [sflag:s4], $0x0  }
0x19: {  	s7 =	sld [smem:$0x3F9F]  }
0x1a: {  	s8 =	sadd.s32 $0xFFFFE003, lr  }
0x1b: {  	s9 =	sadd.s32 $0xFFFFFEF7, lr;
	s5 =	simm.s32 $0xFFFFFFFF;
	p2 =	slt.u32 s8, $0xFFFFF086  }
0x1c: {  	p1 =	slt.u32 s9, $0xF7A;
	s5 =	simm.s32 @!p2 $0x0  }
0x1d: {  	s5 =	simm.s32 @p1 $0x1;
	p0 =	seq.s32 s7, s2  }
0x1e: {  	s7 =	smul.u32 @!p0 $0xF7A, s2;
	p2 =	seq.s32 @!p0 s5, $0x0  }
0x1f: {  	s9 =	smul.u32 $0xF7A, s1;
	s8 =	simm.s32 @!p0 $0x1BF5;
	p2 =	por !p2, p0  }
0x20: {  	[sflag:s8] =	ssyncset.s32 @!p0 $0xFFFFF086;
	s6 =	sadd.s32 @!p0 s3, s7;
	s7 =	simm.s32 @!p0 $0x108  }
0x21: {  	s3 =	sadd.s32 s3, s9;
	s6 =	sadd.s32 @!p0 $0x88, s6;
	s7 =	simm.s32 @p2 $0x1082  }
0x22: {  	[simem:s7], [sflag:s8] =	dma.local @!p0 [hbm:s6], $0xF7A  }
0x23: {  	s9 =	sor.u32 $0xD0000000, s2;
	s6 =	simm.s32 $0x108;
	_ =	swait.ge @!p0 [sflag:s8], $0x0  }
0x24: {  	s3 =	sadd.s32 $0x88, s3;
	s6 =	simm.s32 @!p1 $0x1082;
	[sflag:s4] =	ssyncset.s32 $0xFFFFF086  }
0x25: {  	[simem:s6], [sflag:s4] =	dma.local [hbm:s3], $0xF7A  }
0x26: {  	[smem:$0x3F9F] =	sst s1;
	(tag) =	ssettag s2;
	_ =	strace s9  }
0x27: {  	s1 =	sld [smem:$0x3FAF]  }
0x28: {  	s2 =	sld [smem:$0x3FB0]  }
0x29: {  	s4 =	sld [smem:$0x3FB2]  }
0x2a: {  	p0 =	seq.s32 s5, $0x0;
	s5 =	sld [smem:$0x3FB3]  }
0x2b: {  	s6 =	sld [smem:$0x3FB4]  }
0x2c: {  	s7 =	sld [smem:$0x3FB5]  }
0x2d: {  	s3 =	simm.s32 $0x108;
	s8 =	sld [smem:$0x3FB6]  }
0x2e: {  	s3 =	simm.s32 @!p0 $0x1082;
	s9 =	sld [smem:$0x3FB7]  }
0x2f: {  	lr =	sadd.s32 s0, s3;
	s0 =	sld [smem:$0x3FAE]  }
0x30: {  	s3 =	sld [smem:$0x3FB1]  }
0x31: {  	[smem:$0x3FBA] =	sst s10  }
0x32: {  	s10 =	sld [smem:$0x3FB8];
	_ =	sdelay $0x3  }
0x33: {  	p0 =	seq.s32 s10, $0x1;
	s10 =	sld [smem:$0x3FBA];
	_ =	sdelay $0x3  }
0x34: {  	[smem:$0x3FBA] =	sst s10  }
0x35: {  	s10 =	sld [smem:$0x3FB9];
	_ =	sdelay $0x3  }
0x36: {  	p1 =	seq.s32 s10, $0x1;
	s10 =	sld [smem:$0x3FBA];
	_ =	sdelay $0x3  }
0x37: {  	[smem:$0x3FBA] =	sst s10  }
0x38: {  	s10 =	sld [smem:$0x3FBB]  }
0x39: {  	_ = 	snop;
	(pc) =	sbr.ind lr, $3  }
0x3a: {  	_ = 	snop  }
0x3b: {  	_ = 	snop  }
0x3c: {  	p2 =	seq.s32 s10, $0x1;
	s10 =	sld [smem:$0x3FBA]  }
0x3d: {  	_ =	shalt  }
0x3e: {  	_ =	shalt  }
0x3f: {  	_ =	shalt  }
0x40: {  	_ =	shalt  }
0x41: {  	_ =	shalt  }
0x42: {  	_ =	shalt  }
0x43: {  	_ =	shalt  }
0x44: {  	_ =	shalt  }
0x45: {  	_ =	shalt  }
0x46: {  	_ =	shalt  }
0x47: {  	_ =	shalt  }
0x48: {  	_ =	shalt  }
0x49: {  	_ =	shalt  }
0x4a: {  	_ =	shalt  }
0x4b: {  	_ =	shalt  }
0x4c: {  	_ =	shalt  }
0x4d: {  	_ =	shalt  }
0x4e: {  	_ =	shalt  }
0x4f: {  	_ =	shalt  }
0x50: {  	_ =	shalt  }
0x51: {  	_ =	shalt  }
0x52: {  	_ =	shalt  }
0x53: {  	_ =	shalt  }
0x54: {  	_ =	shalt  }
0x55: {  	_ =	shalt  }
0x56: {  	_ =	shalt  }
0x57: {  	_ =	shalt  }
0x58: {  	_ =	shalt  }
0x59: {  	_ =	shalt  }
0x5a: {  	_ =	shalt  }
0x5b: {  	_ =	shalt  }
0x5c: {  	_ =	shalt  }
0x5d: {  	_ =	shalt  }
0x5e: {  	_ =	shalt  }
0x5f: {  	_ =	shalt  }
0x60: {  	_ =	shalt  }
0x61: {  	_ =	shalt  }
0x62: {  	_ =	shalt  }
0x63: {  	_ =	shalt  }
0x64: {  	_ =	shalt  }
0x65: {  	_ =	shalt  }
0x66: {  	_ =	shalt  }
0x67: {  	_ =	shalt  }
0x68: {  	_ =	shalt  }
0x69: {  	_ =	shalt  }
0x6a: {  	_ =	shalt  }
0x6b: {  	_ =	shalt  }
0x6c: {  	_ =	shalt  }
0x6d: {  	_ =	shalt  }
0x6e: {  	_ =	shalt  }
0x6f: {  	_ =	shalt  }
0x70: {  	_ =	shalt  }
0x71: {  	_ =	shalt  }
0x72: {  	_ =	shalt  }
0x73: {  	_ =	shalt  }
0x74: {  	_ =	shalt  }
0x75: {  	_ =	shalt  }
0x76: {  	_ =	shalt  }
0x77: {  	_ =	shalt  }
0x78: {  	_ =	shalt  }
0x79: {  	_ =	shalt  }
0x7a: {  	_ =	shalt  }
0x7b: {  	_ =	shalt  }
0x7c: {  	_ =	shalt  }
0x7d: {  	_ =	shalt  }
0x7e: {  	_ =	shalt  }
0x7f: {  	_ =	shalt  }
0x80: {  	_ =	shalt  }
0x81: {  	_ =	shalt  }
0x82: {  	_ =	shalt  }
0x83: {  	_ =	shalt  }
0x84: {  	_ =	shalt  }
0x85: {  	_ =	shalt  }
0x86: {  	_ =	shalt  }
0x87: {  	_ =	shalt  }
.Lfunc_end0:
.L_simem_size_0:
called_computation_lowered:
.L_overlay_start_0:
0x88: {  	s2 =	sld [smem:$0x3FD9]  }
0x89: {  	s3 =	sld [smem:$0x3FFE];
	_ =	sdelay $0x1  }
0x8a: {  	s1 =	srdreg.scid  }
0x8b: {  	s0 =	sand.u32 $0x1, s1  }
0x8c: {  	s15 =	sshll.u32 s0, $0xA;
	s2 =	sadd.s32 s3, s2  }
0x8d: {  	s2 =	sadd.s32 s2, s15  }
0x8e: {  	[smem:$0x3FC6] =	sst s2  }
0x8f: {  	_ = 	snop  }
0x90: {  	s2 =	sld [smem:$0x3FD0];
	_ =	sdelay $0x1  }
0x91: {  	s16 =	sld [smem:$0x3FC9]  }
0x92: {  	s5 =	simm.s32 $0xA;
	s6 =	simm.s32 $0x10;
	s4 =	sld [smem:$0x3FC8]  }
0x93: {  	[smem:s6], [sflag:s5] =	dma.local [hbm:s2], $0x1  }
0x94: {  	_ =	swait.eq [sflag:s5], $0x1  }
0x95: {  	[sflag:s5] =	ssyncset.done $0x0  }
0x96: {  	s17 =	sld [smem:$0x10];
	[sflag:s5] =	ssyncadd.s32 $0xFFFFFFFF  }
0x97: {  	s18 =	sld [smem:$0x11];
	(tm) =	ssettm $0x1  }
0x98: {  	s19 =	sld [smem:$0x3FFB];
	_ =	sdelay $0x3  }
0x99: {  	_ =	strace s19  }
0x9a: {  	s6 =	sld [smem:$0x3FFC];
	_ =	sdelay $0x3  }
0x9b: {  	_ =	strace s6  }
0x9c: {  	s6 =	sld [smem:$0x3FFD];
	_ =	sdelay $0x3  }
0x9d: {  	_ =	strace s6  }
0x9e: {  	_ =	strace $0x8FFFFFFF  }
0x9f: {  	s20 =	sld [smem:$0x3FDB];
	_ =	sdelay $0x1  }
0xa0: {  	s7 =	simm.s32 $_scs_section_size  }
0xa1: {  	s8 =	simm.s32 $_size__tile_overlayer_lowered;
	s9 =	simm.s32 $_tile_overlayer_lowered  }
0xa2: {  	s23 =	simm.s32 $0x1BFF;
	s22 =	sshll.u32 s9, $0x1;
	s6 =	sadd.s32 s7, s20  }
0xa3: {  	s10 =	simm.s32 $0x0;
	s21 =	sshll.u32 s8, $0x1;
	s8 =	sadd.s32 s22, s6  }
0xa4: {  	[timem:s10], [sflag:s23] =	dma.local [hbm:s8], s21  }
0xa5: {  	_ =	swait.ge [sflag:s23], s21  }
0xa6: {  	s7 =	ssub.s32 $0x0, s21;
	[sflag:s23] =	ssyncset.done $0x0  }
0xa7: {  	[sflag:s23] =	ssyncadd.s32 s7;
	_ =	sdelay $0x1  }
0xa8: {  	s24 =	simm.s32 $0x1B8B  }
0xa9: {  	_ =	swait.ge [sflag:s24], $0x1  }
0xaa: {  	[sflag:s24] =	ssyncset.done $0x0  }
0xab: {  	s25 =	simm.s32 $0x1B8E;
	[sflag:s24] =	ssyncadd.s32 $0xFFFFFFFF  }
0xac: {  	s26 =	simm.s32 $execute0_lowered;
	[smem:$0x3FD2] =	sst s25  }
0xad: {  	s7 =	sshll.u32 s26, $0x1;
	_ =	strace $0x80000046;
	[dreg:$0x1] =	wrdreg $0xFFFFFFFF  }
0xae: {  	s28 =	simm.s32 $_size_execute0_lowered;
	s6 =	sadd.s32 s6, s7;
	[dreg:$0x0] =	wrdreg $0x0  }
0xaf: {  	s7 =	sshll.u32 s28, $0x1;
	[dreg:$0x2] =	wrdreg s6  }
0xb0: {  	[dreg:$0x3] =	wrdreg s7  }
0xb1: {  	[dreg:$0x4] =	wrdreg $0xC0  }
0xb2: {  	_ =	task [dreg:s10], $0x5FFFF  }
0xb3: {  	[dreg:$0x1] =	wrdreg $0xFFFFFFFF  }
0xb4: {  	[dreg:$0x0] =	wrdreg $0x60  }
0xb5: {  	[dreg:$0x2] =	wrdreg s16  }
0xb6: {  	[dreg:$0x3] =	wrdreg s4  }
0xb7: {  	[dreg:$0x4] =	wrdreg s17  }
0xb8: {  	[dreg:$0x5] =	wrdreg s18  }
0xb9: {  	[dreg:$0x6] =	wrdreg $0x0  }
0xba: {  	[dreg:$0x7] =	wrdreg $0x9  }
0xbb: {  	_ =	task.clear_ibuf [dreg:s10], $0x8FFFF;
	_ =	strace $0x90000046  }
0xbc: {  	s29 =	simm.s32 $0x9;
	_ =	strace $0x80000048  }
0xbd: {  	_ =	swait.ge [sflag:s29], $0x1  }
0xbe: {  	[sflag:s29] =	ssyncadd.s32 $0xFFFFFFFF  }
0xbf: {  	_ =	strace $0x90000048  }
0xc0: {  	_ =	sfence  }
0xc1: {  	s30 =	sld [smem:$0x0];
	_ =	sdelay $0x2  }
0xc2: {  	s31 =	sshll.u32 s1, $0xD;
	s1 =	sshrl.u32 s1, $0x2  }
0xc3: {  	s3 =	sand.u32 $0x4000, s31;
	s1 =	sadd.s32 s1, s30  }
0xc4: {  	s0 =	sor.u32 s3, s0;
	s1 =	sshll.u32 s1, $0x11  }
0xc5: {  	s0 =	sor.u32 s1, s0  }
0xc6: {  	s0 =	sadd.s32 $0x8F2B, s0  }
0xc7: {  	[sflag:s0] =	ssyncadd.remote.s32 $0x1  }
0xc8: {  	_ =	sfence.sel $0xFFFF  }
0xc9: {  	[dreg:$0x0] =	wrdreg $0xFFFFFFFF;
	(pc) =	sbr.abs _section_cstart, $3  }
0xca: {  	[dreg:$0x1] =	wrdreg $0xFFFFFFFF  }
0xcb: {  	_ =	task.clear_ibuf [dreg:s10], $0x2FFFF;
	_ =	strace $0x9FFFFFFF  }
0xcc: {  	(tm) =	ssettm $0x7FFFFFFF  }
0xcd: {  	_ =	shalt  }
tec
execute0_lowered:
.L_overlay_start_1:
0x0: {  	(tag) =	ssettag $0x1  }
0x1: {  	s1 =	rddreg [dreg:$0x0]  }
0x2: {  	s0 =	rddreg [dreg:$0x1]  }
0x3: {  	s2 =	rddreg [dreg:$0x2]  }
0x4: {  	s5 =	rddreg [dreg:$0x3]  }
0x5: {  	s3 =	rddreg [dreg:$0x4]  }
0x6: {  	s4 =	simm.s32 $0x0;
	s6 =	srdreg.scid;
	s12 =	stileid.u32  }
0x7: {  	s15 =	simm.s32 $0x14180;
	s16 =	simm.s32 $0x14300;
	s17 =	simm.s32 $0x14280  }
0x8: {  	s19 =	simm.s32 $0x14400;
	s20 =	simm.s32 $0x14380;
	s21 =	simm.s32 $0x14500  }
0x9: {  	s28 =	simm.s32 $0x14B00;
	s29 =	simm.s32 $0x14A80;
	[smem:$0x7FF] =	sst s4  }
0xa: {  	s7 =	smul.u32 $0x50000, s12;
	_ =	strace $0x80000047;
	[dreg:$0xa] =	wrdreg s15  }
0xb: {  	s30 =	simm.s32 $0x14C00;
	s10 =	smul.u32 $0x14000, s12;
	[dreg:$0xb] =	wrdreg s16  }
0xc: {  	s6 =	sand.u32 $0x1, s6;
	s22 =	smul.u32 $0xA000, s12;
	[dreg:$0xc] =	wrdreg s17  }
0xd: {  	s31 =	simm.s32 $0x14B80;
	s8 =	smul.u32 $0x140000, s6;
	[dreg:$0xd] =	wrdreg s19  }
0xe: {  	s9 =	ssub.s32 $0x2, s6;
	s24 =	smul.u32 $0x5000, s6;
	[dreg:$0xe] =	wrdreg s20  }
0xf: {  	s6 =	sshll.u32 s6, $0x7;
	s15 =	simm.s32 $0x14000;
	[dreg:$0xf] =	wrdreg s21  }
0x10: {  	s16 =	simm.s32 $0x80;
	s17 =	simm.s32 $0x1;
	s19 =	simm.s32 $0x1D000  }
0x11: {  	s20 =	simm.s32 $0x2;
	s7 =	sshrl.u32 s7, $0x2;
	s11 =	sshrl.u32 s9, $0x1  }
0x12: {  	s21 =	simm.s32 $0x14800;
	s13 =	sadd.s32 s7, s3;
	s9 =	ssub.s32 s9, s11  }
0x13: {  	s8 =	sadd.s32 s10, s8;
	s7 =	sadd.s32 s24, s22;
	s10 =	sshrl.u32 s12, $0x2  }
0x14: {  	s11 =	sshll.u32 s12, $0x8;
	s12 =	simm.s32 $0x14100;
	[dreg:$0x15] =	wrdreg s13  }
0x15: {  	s22 =	simm.s32 $0x14480;
	s24 =	simm.s32 $0x14580;
	[dreg:$0x7] =	wrdreg s12  }
0x16: {  	s23 =	sadd.s32 $0x4000, s13;
	s14 =	sadd.s32 $0x8000, s13;
	[dreg:$0x10] =	wrdreg s22  }
0x17: {  	s25 =	sadd.s32 $0xC000, s13;
	s26 =	sadd.s32 $0x10000, s13;
	[dreg:$0x12] =	wrdreg s24  }
0x18: {  	s8 =	sshrl.u32 s8, $0x3;
	s7 =	sshrl.u32 s7, $0x3;
	[dreg:$0x16] =	wrdreg s23  }
0x19: {  	s6 =	sor.u32 s6, s11;
	s13 =	simm.s32 $0x14080;
	[dreg:$0x17] =	wrdreg s14  }
0x1a: {  	s18 =	smax.u32 s9, $0x1;
	s22 =	simm.s32 $0x14780;
	[dreg:$0x18] =	wrdreg s25  }
0x1b: {  	s24 =	simm.s32 $0x14880;
	s9 =	simm.s32 $0x14E80;
	[dreg:$0x19] =	wrdreg s26  }
0x1c: {  	s11 =	simm.s32 $0x0;
	s2 =	sadd.s32 s2, s8;
	[dreg:$0x8] =	wrdreg s13  }
0x1d: {  	s0 =	sadd.s32 s7, s0;
	s6 =	sand.u32 $0x380, s6;
	[dreg:$0x1c] =	wrdreg s18  }
0x1e: {  	s14 =	simm.s32 $0x14200;
	s13 =	simm.s32 $0x15000;
	[dreg:$0x1a] =	wrdreg s2  }
0x1f: {  	s23 =	simm.s32 $0x14600;
	s18 =	simm.s32 $0x19000;
	[dreg:$0x6] =	wrdreg s0  }
0x20: {  	s25 =	simm.s32 $0x14700;
	s26 =	simm.s32 $0x14680;
	[dreg:$0x9] =	wrdreg s14  }
0x21: {  	s7 =	simm.s32 $0x14D80;
	s2 =	smul.u32 $0x14000, s10;
	[dreg:$0x11] =	wrdreg s23  }
0x22: {  	s8 =	simm.s32 $0x14F00;
	s14 =	simm.s32 $0x3;
	[dreg:$0x13] =	wrdreg s25  }
0x23: {  	[dreg:$0x14] =	wrdreg s26;
	s23 =	simm.s32 $0x14900;
	s2 =	sor.u32 s2, s6  }
0x24: {  	s25 =	simm.s32 $0x14A00;
	s26 =	simm.s32 $0x14980;
	s2 =	sshrl.u32 s2, $0x3  }
0x25: {  	s0 =	simm.s32 $0x14D00;
	s10 =	simm.s32 $0x14F80;
	s2 =	sadd.s32 s5, s2  }
0x26: {  	v0 =	vimm.f32 $0.0e+00;
	v1 =	vimm.f32 $1.000000000e+00;
	s6 =	simm.s32 $0x14E00;
	[dreg:$0x1b] =	wrdreg s2;
	s2 =	simm.s32 $0x14C80  }
.LBB2_1:
0x27: {  	s12 =	simm.s32 $0x0;
	s5 =	simm.s32 $0x200  }
.LBB2_2:
0x28: {  	p0 =	sne.s32 s5, $0xFE00;
	[tilespmem:s12+$0x15070] =	vst v0  }
0x29: {  	[tilespmem:s12+$0x15000] =	vst v0  }
0x2a: {  	[tilespmem:s12+$0x15010] =	vst v0  }
.Ltmp0:
0x2b: {  	[tilespmem:s12+$0x15020] =	vst v0;
	(pc) =	sbr.rel @p0 .LBB2_2-.Ltmp0, $4  }
0x2c: {  	[tilespmem:s12+$0x15030] =	vst v0  }
0x2d: {  	[tilespmem:s12+$0x15040] =	vst v0  }
0x2e: {  	[tilespmem:s12+$0x15050] =	vst v0  }
0x2f: {  	[tilespmem:s12+$0x15060] =	vst v0;
	s12 =	sshra.s32 s5, $0x2;
	s5 =	sadd.s32 $0x200, s5  }
0x30: {  	[tilespmem:s12+$0x15070] =	vst v0  }
0x31: {  	[tilespmem:s12+$0x15000] =	vst v0  }
0x32: {  	[tilespmem:s12+$0x15010] =	vst v0  }
0x33: {  	[tilespmem:s12+$0x15020] =	vst v0  }
0x34: {  	[tilespmem:s12+$0x15030] =	vst v0  }
0x35: {  	[tilespmem:s12+$0x15040] =	vst v0  }
0x36: {  	[tilespmem:s12+$0x15050] =	vst v0  }
0x37: {  	[tilespmem:s12+$0x15060] =	vst v0;
	s5 =	simm.s32 $0x40;
	s12 =	simm.s32 $0x0  }
.LBB2_4:
0x38: {  	p0 =	sne.s32 s5, $0x9FC0;
	[tilespmem:s12+$0x1D000] =	vst v0;
	s12 =	smov.u32 s5;
	s5 =	sadd.s32 $0x40, s5  }
.Ltmp1:
0x39: {  	(pc) =	sbr.rel @p0 .LBB2_4-.Ltmp1, $2  }
0x3a: {  	_ =	sdelay $0x2  }
0x3b: {  	s12 =	sshra.s32 s12, $0x2  }
0x3c: {  	[dreg:$0x1d] =	wrdreg s11  }
0x3d: {  	[tilespmem:s12+$0x1D000] =	vst v0;
	s5 =	rddreg [dreg:$0x15]  }
0x3e: {  	[spmem:s5] =	stream.linear.scatter [tilespmem:s13], [sflag:$0x3], $0x4000, $0x38;
	[tilespmem:$0x1F800] =	vst v63  }
0x3f: {  	_ =	swait.ge [sflag:s14], $0x4000  }
0x40: {  	[sflag:s14] =	ssyncset.done $0x0  }
0x41: {  	s11 =	rddreg [dreg:$0x16];
	[sflag:s14] =	ssyncadd.s32 $0xFFFFC000  }
0x42: {  	[spmem:s11] =	stream.linear.scatter [tilespmem:s13], [sflag:$0x3], $0x4000, $0x38;
	[tilespmem:$0x1F800] =	vst v63  }
0x43: {  	_ =	swait.ge [sflag:s14], $0x4000  }
0x44: {  	[sflag:s14] =	ssyncset.done $0x0  }
0x45: {  	s12 =	rddreg [dreg:$0x17];
	[sflag:s14] =	ssyncadd.s32 $0xFFFFC000  }
0x46: {  	[spmem:s12] =	stream.linear.scatter [tilespmem:s13], [sflag:$0x3], $0x4000, $0x38;
	[tilespmem:$0x1F800] =	vst v63  }
0x47: {  	_ =	swait.ge [sflag:s14], $0x4000  }
0x48: {  	[sflag:s14] =	ssyncset.done $0x0  }
0x49: {  	s11 =	rddreg [dreg:$0x18];
	[sflag:s14] =	ssyncadd.s32 $0xFFFFC000  }
0x4a: {  	[spmem:s11] =	stream.linear.scatter [tilespmem:s13], [sflag:$0x3], $0x4000, $0x38;
	[tilespmem:$0x1F800] =	vst v63  }
0x4b: {  	_ =	swait.ge [sflag:s14], $0x4000  }
0x4c: {  	[sflag:s14] =	ssyncset.done $0x0  }
0x4d: {  	s12 =	rddreg [dreg:$0x19];
	[sflag:s14] =	ssyncadd.s32 $0xFFFFC000  }
0x4e: {  	[spmem:s12] =	stream.linear.scatter [tilespmem:s13], [sflag:$0x3], $0x4000, $0x38;
	[tilespmem:$0x1F800] =	vst v63  }
0x4f: {  	_ =	swait.ge [sflag:s14], $0x4000  }
0x50: {  	[sflag:s14] =	ssyncset.done $0x0  }
0x51: {  	[sflag:s14] =	ssyncadd.s32 $0xFFFFC000  }
0x52: {  	s12 =	simm.s32 $0x0;
	[bflag:$0x0] =	sbarrier.arrive $0xFFFF  }
.LBB2_6:
0x53: {  	s5 =	rddreg [dreg:$0x6]  }
0x54: {  	s5 =	sadd.s32 s12, s5  }
0x55: {  	[tilespmem:s15], [sflag:$0x3] =	stream.linear.gather [hbm4b:s5+s4], $0x1000, $0x38;
	[tilespmem:$0x1F800] =	vst v63  }
0x56: {  	_ =	swait.ge [sflag:s14], $0x1000  }
0x57: {  	[sflag:s14] =	ssyncset.done $0x0  }
0x58: {  	[sflag:s14] =	ssyncadd.s32 $0xFFFFF000  }
0x59: {  	[tilespmem:s13], [sflag:$0x1] =	stream.indirect.gather [hbm4b:s1+s16], $0x80, s15, s16, $0xb8;
	[tilespmem:$0x1F800] =	vst v63  }
0x5a: {  	_ =	swait.ge [sflag:s17], $0x4000  }
0x5b: {  	[sflag:s17] =	ssyncset.done $0x0  }
0x5c: {  	s5 =	rddreg [dreg:$0x7];
	[sflag:s17] =	ssyncadd.s32 $0xFFFFC000  }
0x5d: {  	[tilespmem:s18], [sflag:$0x2] =	stream.indirect.gather [hbm4b:s1+s16], $0x80, s5, s16, $0xb8;
	[tilespmem:$0x1F800] =	vst v63  }
0x5e: {  	s11 =	rddreg [dreg:$0x8]  }
0x5f: {  	[spmem:s3] =	stream.indirect.scatter.add.f32 [tilespmem:s13], [sflag:$0x3], $0x80, s11, s16, $0xb8;
	[tilespmem:$0x1F800] =	vst v63  }
0x60: {  	_ =	swait.ge [sflag:s14], $0x4000  }
0x61: {  	[sflag:s14] =	ssyncset.done $0x0  }
0x62: {  	[sflag:s14] =	ssyncadd.s32 $0xFFFFC000  }
0x63: {  	v2 =	vld [tilespmem:$0x14080];
	_ =	sdelay $0x7  }
0x64: {  	[tilespmem:v2+s19+$0x0] =	vst.idx.add.f32.msk $0xffff, v1  }
0x65: {  	v2 =	vld [tilespmem:$0x14090];
	_ =	sdelay $0x7  }
0x66: {  	[tilespmem:v2+s19+$0x0] =	vst.idx.add.f32.msk $0xffff, v1  }
0x67: {  	v2 =	vld [tilespmem:$0x140A0];
	_ =	sdelay $0x7  }
0x68: {  	[tilespmem:v2+s19+$0x0] =	vst.idx.add.f32.msk $0xffff, v1  }
0x69: {  	v2 =	vld [tilespmem:$0x140B0];
	_ =	sdelay $0x7  }
0x6a: {  	[tilespmem:v2+s19+$0x0] =	vst.idx.add.f32.msk $0xffff, v1  }
0x6b: {  	v2 =	vld [tilespmem:$0x140C0];
	_ =	sdelay $0x7  }
0x6c: {  	[tilespmem:v2+s19+$0x0] =	vst.idx.add.f32.msk $0xffff, v1  }
0x6d: {  	v2 =	vld [tilespmem:$0x140D0];
	_ =	sdelay $0x7  }
0x6e: {  	[tilespmem:v2+s19+$0x0] =	vst.idx.add.f32.msk $0xffff, v1  }
0x6f: {  	v2 =	vld [tilespmem:$0x140E0];
	_ =	sdelay $0x7  }
0x70: {  	[tilespmem:v2+s19+$0x0] =	vst.idx.add.f32.msk $0xffff, v1  }
0x71: {  	v2 =	vld [tilespmem:$0x140F0];
	_ =	sdelay $0x7  }
0x72: {  	[tilespmem:v2+s19+$0x0] =	vst.idx.add.f32.msk $0xffff, v1  }
0x73: {  	_ =	swait.ge [sflag:s20], $0x4000  }
0x74: {  	[sflag:s20] =	ssyncset.done $0x0  }
0x75: {  	s5 =	rddreg [dreg:$0x9];
	[sflag:s20] =	ssyncadd.s32 $0xFFFFC000  }
0x76: {  	[tilespmem:s13], [sflag:$0x1] =	stream.indirect.gather [hbm4b:s1+s16], $0x80, s5, s16, $0xb8;
	[tilespmem:$0x1F800] =	vst v63  }
0x77: {  	s11 =	rddreg [dreg:$0xa]  }
0x78: {  	[spmem:s3] =	stream.indirect.scatter.add.f32 [tilespmem:s18], [sflag:$0x3], $0x80, s11, s16, $0xb8;
	[tilespmem:$0x1F800] =	vst v63  }
0x79: {  	_ =	swait.ge [sflag:s14], $0x4000  }
0x7a: {  	[sflag:s14] =	ssyncset.done $0x0  }
0x7b: {  	[sflag:s14] =	ssyncadd.s32 $0xFFFFC000  }
0x7c: {  	v2 =	vld [tilespmem:$0x14180];
	_ =	sdelay $0x7  }
0x7d: {  	[tilespmem:v2+s19+$0x0] =	vst.idx.add.f32.msk $0xffff, v1  }
0x7e: {  	v2 =	vld [tilespmem:$0x14190];
	_ =	sdelay $0x7  }
0x7f: {  	[tilespmem:v2+s19+$0x0] =	vst.idx.add.f32.msk $0xffff, v1  }
0x80: {  	v2 =	vld [tilespmem:$0x141A0];
	_ =	sdelay $0x7  }
0x81: {  	[tilespmem:v2+s19+$0x0] =	vst.idx.add.f32.msk $0xffff, v1  }
0x82: {  	v2 =	vld [tilespmem:$0x141B0];
	_ =	sdelay $0x7  }
0x83: {  	[tilespmem:v2+s19+$0x0] =	vst.idx.add.f32.msk $0xffff, v1  }
0x84: {  	v2 =	vld [tilespmem:$0x141C0];
	_ =	sdelay $0x7  }
0x85: {  	[tilespmem:v2+s19+$0x0] =	vst.idx.add.f32.msk $0xffff, v1  }
0x86: {  	v2 =	vld [tilespmem:$0x141D0];
	_ =	sdelay $0x7  }
0x87: {  	[tilespmem:v2+s19+$0x0] =	vst.idx.add.f32.msk $0xffff, v1  }
0x88: {  	v2 =	vld [tilespmem:$0x141E0];
	_ =	sdelay $0x7  }
0x89: {  	[tilespmem:v2+s19+$0x0] =	vst.idx.add.f32.msk $0xffff, v1  }
0x8a: {  	v2 =	vld [tilespmem:$0x141F0];
	_ =	sdelay $0x7  }
0x8b: {  	[tilespmem:v2+s19+$0x0] =	vst.idx.add.f32.msk $0xffff, v1  }
0x8c: {  	_ =	swait.ge [sflag:s17], $0x4000  }
0x8d: {  	[sflag:s17] =	ssyncset.done $0x0  }
0x8e: {  	s5 =	rddreg [dreg:$0xb];
	[sflag:s17] =	ssyncadd.s32 $0xFFFFC000  }
0x8f: {  	[tilespmem:s18], [sflag:$0x2] =	stream.indirect.gather [hbm4b:s1+s16], $0x80, s5, s16, $0xb8;
	[tilespmem:$0x1F800] =	vst v63  }
0x90: {  	s11 =	rddreg [dreg:$0xc]  }
0x91: {  	[spmem:s3] =	stream.indirect.scatter.add.f32 [tilespmem:s13], [sflag:$0x3], $0x80, s11, s16, $0xb8;
	[tilespmem:$0x1F800] =	vst v63  }
0x92: {  	_ =	swait.ge [sflag:s14], $0x4000  }
0x93: {  	[sflag:s14] =	ssyncset.done $0x0  }
0x94: {  	[sflag:s14] =	ssyncadd.s32 $0xFFFFC000  }
0x95: {  	v2 =	vld [tilespmem:$0x14280];
	_ =	sdelay $0x7  }
0x96: {  	[tilespmem:v2+s19+$0x0] =	vst.idx.add.f32.msk $0xffff, v1  }
0x97: {  	v2 =	vld [tilespmem:$0x14290];
	_ =	sdelay $0x7  }
0x98: {  	[tilespmem:v2+s19+$0x0] =	vst.idx.add.f32.msk $0xffff, v1  }
0x99: {  	v2 =	vld [tilespmem:$0x142A0];
	_ =	sdelay $0x7  }
0x9a: {  	[tilespmem:v2+s19+$0x0] =	vst.idx.add.f32.msk $0xffff, v1  }
0x9b: {  	v2 =	vld [tilespmem:$0x142B0];
	_ =	sdelay $0x7  }
0x9c: {  	[tilespmem:v2+s19+$0x0] =	vst.idx.add.f32.msk $0xffff, v1  }
0x9d: {  	v2 =	vld [tilespmem:$0x142C0];
	_ =	sdelay $0x7  }
0x9e: {  	[tilespmem:v2+s19+$0x0] =	vst.idx.add.f32.msk $0xffff, v1  }
0x9f: {  	v2 =	vld [tilespmem:$0x142D0];
	_ =	sdelay $0x7  }
0xa0: {  	[tilespmem:v2+s19+$0x0] =	vst.idx.add.f32.msk $0xffff, v1  }
0xa1: {  	v2 =	vld [tilespmem:$0x142E0];
	_ =	sdelay $0x7  }
0xa2: {  	[tilespmem:v2+s19+$0x0] =	vst.idx.add.f32.msk $0xffff, v1  }
0xa3: {  	v2 =	vld [tilespmem:$0x142F0];
	_ =	sdelay $0x7  }
0xa4: {  	[tilespmem:v2+s19+$0x0] =	vst.idx.add.f32.msk $0xffff, v1  }
0xa5: {  	_ =	swait.ge [sflag:s20], $0x4000  }
0xa6: {  	[sflag:s20] =	ssyncset.done $0x0  }
0xa7: {  	s5 =	rddreg [dreg:$0xd];
	[sflag:s20] =	ssyncadd.s32 $0xFFFFC000  }
0xa8: {  	[tilespmem:s13], [sflag:$0x1] =	stream.indirect.gather [hbm4b:s1+s16], $0x80, s5, s16, $0xb8;
	[tilespmem:$0x1F800] =	vst v63  }
0xa9: {  	s11 =	rddreg [dreg:$0xe]  }
0xaa: {  	[spmem:s3] =	stream.indirect.scatter.add.f32 [tilespmem:s18], [sflag:$0x3], $0x80, s11, s16, $0xb8;
	[tilespmem:$0x1F800] =	vst v63  }
0xab: {  	_ =	swait.ge [sflag:s14], $0x4000  }
0xac: {  	[sflag:s14] =	ssyncset.done $0x0  }
0xad: {  	[sflag:s14] =	ssyncadd.s32 $0xFFFFC000  }
0xae: {  	v2 =	vld [tilespmem:$0x14380];
	_ =	sdelay $0x7  }
0xaf: {  	[tilespmem:v2+s19+$0x0] =	vst.idx.add.f32.msk $0xffff, v1  }
0xb0: {  	v2 =	vld [tilespmem:$0x14390];
	_ =	sdelay $0x7  }
0xb1: {  	[tilespmem:v2+s19+$0x0] =	vst.idx.add.f32.msk $0xffff, v1  }
0xb2: {  	v2 =	vld [tilespmem:$0x143A0];
	_ =	sdelay $0x7  }
0xb3: {  	[tilespmem:v2+s19+$0x0] =	vst.idx.add.f32.msk $0xffff, v1  }
0xb4: {  	v2 =	vld [tilespmem:$0x143B0];
	_ =	sdelay $0x7  }
0xb5: {  	[tilespmem:v2+s19+$0x0] =	vst.idx.add.f32.msk $0xffff, v1  }
0xb6: {  	v2 =	vld [tilespmem:$0x143C0];
	_ =	sdelay $0x7  }
0xb7: {  	[tilespmem:v2+s19+$0x0] =	vst.idx.add.f32.msk $0xffff, v1  }
0xb8: {  	v2 =	vld [tilespmem:$0x143D0];
	_ =	sdelay $0x7  }
0xb9: {  	[tilespmem:v2+s19+$0x0] =	vst.idx.add.f32.msk $0xffff, v1  }
0xba: {  	v2 =	vld [tilespmem:$0x143E0];
	_ =	sdelay $0x7  }
0xbb: {  	[tilespmem:v2+s19+$0x0] =	vst.idx.add.f32.msk $0xffff, v1  }
0xbc: {  	v2 =	vld [tilespmem:$0x143F0];
	_ =	sdelay $0x7  }
0xbd: {  	[tilespmem:v2+s19+$0x0] =	vst.idx.add.f32.msk $0xffff, v1  }
0xbe: {  	_ =	swait.ge [sflag:s17], $0x4000  }
0xbf: {  	[sflag:s17] =	ssyncset.done $0x0  }
0xc0: {  	s5 =	rddreg [dreg:$0xf];
	[sflag:s17] =	ssyncadd.s32 $0xFFFFC000  }
0xc1: {  	[tilespmem:s18], [sflag:$0x2] =	stream.indirect.gather [hbm4b:s1+s16], $0x80, s5, s16, $0xb8;
	[tilespmem:$0x1F800] =	vst v63  }
0xc2: {  	s11 =	rddreg [dreg:$0x10]  }
0xc3: {  	[spmem:s3] =	stream.indirect.scatter.add.f32 [tilespmem:s13], [sflag:$0x3], $0x80, s11, s16, $0xb8;
	[tilespmem:$0x1F800] =	vst v63  }
0xc4: {  	_ =	swait.ge [sflag:s14], $0x4000  }
0xc5: {  	[sflag:s14] =	ssyncset.done $0x0  }
0xc6: {  	[sflag:s14] =	ssyncadd.s32 $0xFFFFC000  }
0xc7: {  	v2 =	vld [tilespmem:$0x14480];
	_ =	sdelay $0x7  }
0xc8: {  	[tilespmem:v2+s19+$0x0] =	vst.idx.add.f32.msk $0xffff, v1  }
0xc9: {  	v2 =	vld [tilespmem:$0x14490];
	_ =	sdelay $0x7  }
0xca: {  	[tilespmem:v2+s19+$0x0] =	vst.idx.add.f32.msk $0xffff, v1  }
0xcb: {  	v2 =	vld [tilespmem:$0x144A0];
	_ =	sdelay $0x7  }
0xcc: {  	[tilespmem:v2+s19+$0x0] =	vst.idx.add.f32.msk $0xffff, v1  }
0xcd: {  	v2 =	vld [tilespmem:$0x144B0];
	_ =	sdelay $0x7  }
0xce: {  	[tilespmem:v2+s19+$0x0] =	vst.idx.add.f32.msk $0xffff, v1  }
0xcf: {  	v2 =	vld [tilespmem:$0x144C0];
	_ =	sdelay $0x7  }
0xd0: {  	[tilespmem:v2+s19+$0x0] =	vst.idx.add.f32.msk $0xffff, v1  }
0xd1: {  	v2 =	vld [tilespmem:$0x144D0];
	_ =	sdelay $0x7  }
0xd2: {  	[tilespmem:v2+s19+$0x0] =	vst.idx.add.f32.msk $0xffff, v1  }
0xd3: {  	v2 =	vld [tilespmem:$0x144E0];
	_ =	sdelay $0x7  }
0xd4: {  	[tilespmem:v2+s19+$0x0] =	vst.idx.add.f32.msk $0xffff, v1  }
0xd5: {  	v2 =	vld [tilespmem:$0x144F0];
	_ =	sdelay $0x7  }
0xd6: {  	[tilespmem:v2+s19+$0x0] =	vst.idx.add.f32.msk $0xffff, v1  }
0xd7: {  	_ =	swait.ge [sflag:s20], $0x4000  }
0xd8: {  	[sflag:s20] =	ssyncset.done $0x0  }
0xd9: {  	s5 =	rddreg [dreg:$0x11];
	[sflag:s20] =	ssyncadd.s32 $0xFFFFC000  }
0xda: {  	[tilespmem:s13], [sflag:$0x1] =	stream.indirect.gather [hbm4b:s1+s16], $0x80, s5, s16, $0xb8;
	[tilespmem:$0x1F800] =	vst v63  }
0xdb: {  	s11 =	rddreg [dreg:$0x12]  }
0xdc: {  	[spmem:s3] =	stream.indirect.scatter.add.f32 [tilespmem:s18], [sflag:$0x3], $0x80, s11, s16, $0xb8;
	[tilespmem:$0x1F800] =	vst v63  }
0xdd: {  	_ =	swait.ge [sflag:s14], $0x4000  }
0xde: {  	[sflag:s14] =	ssyncset.done $0x0  }
0xdf: {  	[sflag:s14] =	ssyncadd.s32 $0xFFFFC000  }
0xe0: {  	v2 =	vld [tilespmem:$0x14580];
	_ =	sdelay $0x7  }
0xe1: {  	[tilespmem:v2+s19+$0x0] =	vst.idx.add.f32.msk $0xffff, v1  }
0xe2: {  	v2 =	vld [tilespmem:$0x14590];
	_ =	sdelay $0x7  }
0xe3: {  	[tilespmem:v2+s19+$0x0] =	vst.idx.add.f32.msk $0xffff, v1  }
0xe4: {  	v2 =	vld [tilespmem:$0x145A0];
	_ =	sdelay $0x7  }
0xe5: {  	[tilespmem:v2+s19+$0x0] =	vst.idx.add.f32.msk $0xffff, v1  }
0xe6: {  	v2 =	vld [tilespmem:$0x145B0];
	_ =	sdelay $0x7  }
0xe7: {  	[tilespmem:v2+s19+$0x0] =	vst.idx.add.f32.msk $0xffff, v1  }
0xe8: {  	v2 =	vld [tilespmem:$0x145C0];
	_ =	sdelay $0x7  }
0xe9: {  	[tilespmem:v2+s19+$0x0] =	vst.idx.add.f32.msk $0xffff, v1  }
0xea: {  	v2 =	vld [tilespmem:$0x145D0];
	_ =	sdelay $0x7  }
0xeb: {  	[tilespmem:v2+s19+$0x0] =	vst.idx.add.f32.msk $0xffff, v1  }
0xec: {  	v2 =	vld [tilespmem:$0x145E0];
	_ =	sdelay $0x7  }
0xed: {  	[tilespmem:v2+s19+$0x0] =	vst.idx.add.f32.msk $0xffff, v1  }
0xee: {  	v2 =	vld [tilespmem:$0x145F0];
	_ =	sdelay $0x7  }
0xef: {  	[tilespmem:v2+s19+$0x0] =	vst.idx.add.f32.msk $0xffff, v1  }
0xf0: {  	_ =	swait.ge [sflag:s17], $0x4000  }
0xf1: {  	[sflag:s17] =	ssyncset.done $0x0  }
0xf2: {  	s5 =	rddreg [dreg:$0x13];
	[sflag:s17] =	ssyncadd.s32 $0xFFFFC000  }
0xf3: {  	[tilespmem:s18], [sflag:$0x2] =	stream.indirect.gather [hbm4b:s1+s16], $0x80, s5, s16, $0xb8;
	[tilespmem:$0x1F800] =	vst v63  }
0xf4: {  	s11 =	rddreg [dreg:$0x14]  }
0xf5: {  	[spmem:s3] =	stream.indirect.scatter.add.f32 [tilespmem:s13], [sflag:$0x3], $0x80, s11, s16, $0xb8;
	[tilespmem:$0x1F800] =	vst v63  }
0xf6: {  	_ =	swait.ge [sflag:s14], $0x4000  }
0xf7: {  	[sflag:s14] =	ssyncset.done $0x0  }
0xf8: {  	[sflag:s14] =	ssyncadd.s32 $0xFFFFC000  }
0xf9: {  	v2 =	vld [tilespmem:$0x14680];
	_ =	sdelay $0x7  }
0xfa: {  	[tilespmem:v2+s19+$0x0] =	vst.idx.add.f32.msk $0xffff, v1  }
0xfb: {  	v2 =	vld [tilespmem:$0x14690];
	_ =	sdelay $0x7  }
0xfc: {  	[tilespmem:v2+s19+$0x0] =	vst.idx.add.f32.msk $0xffff, v1  }
0xfd: {  	v2 =	vld [tilespmem:$0x146A0];
	_ =	sdelay $0x7  }
0xfe: {  	[tilespmem:v2+s19+$0x0] =	vst.idx.add.f32.msk $0xffff, v1  }
0xff: {  	v2 =	vld [tilespmem:$0x146B0];
	_ =	sdelay $0x7  }
0x100: {  	[tilespmem:v2+s19+$0x0] =	vst.idx.add.f32.msk $0xffff, v1  }
0x101: {  	v2 =	vld [tilespmem:$0x146C0];
	_ =	sdelay $0x7  }
0x102: {  	[tilespmem:v2+s19+$0x0] =	vst.idx.add.f32.msk $0xffff, v1  }
0x103: {  	v2 =	vld [tilespmem:$0x146D0];
	_ =	sdelay $0x7  }
0x104: {  	[tilespmem:v2+s19+$0x0] =	vst.idx.add.f32.msk $0xffff, v1  }
0x105: {  	v2 =	vld [tilespmem:$0x146E0];
	_ =	sdelay $0x7  }
0x106: {  	[tilespmem:v2+s19+$0x0] =	vst.idx.add.f32.msk $0xffff, v1  }
0x107: {  	v2 =	vld [tilespmem:$0x146F0];
	_ =	sdelay $0x7  }
0x108: {  	[tilespmem:v2+s19+$0x0] =	vst.idx.add.f32.msk $0xffff, v1  }
0x109: {  	_ =	swait.ge [sflag:s20], $0x4000  }
0x10a: {  	[sflag:s20] =	ssyncset.done $0x0  }
0x10b: {  	[sflag:s20] =	ssyncadd.s32 $0xFFFFC000  }
0x10c: {  	[tilespmem:s13], [sflag:$0x1] =	stream.indirect.gather [hbm4b:s1+s16], $0x80, s21, s16, $0xb8;
	[tilespmem:$0x1F800] =	vst v63  }
0x10d: {  	_ = 	snop  }
0x10e: {  	[spmem:s3] =	stream.indirect.scatter.add.f32 [tilespmem:s18], [sflag:$0x3], $0x80, s22, s16, $0xb8;
	[tilespmem:$0x1F800] =	vst v63  }
0x10f: {  	_ =	swait.ge [sflag:s14], $0x4000  }
0x110: {  	[sflag:s14] =	ssyncset.done $0x0  }
0x111: {  	[sflag:s14] =	ssyncadd.s32 $0xFFFFC000  }
0x112: {  	v2 =	vld [tilespmem:$0x14780];
	_ =	sdelay $0x7  }
0x113: {  	[tilespmem:v2+s19+$0x0] =	vst.idx.add.f32.msk $0xffff, v1  }
0x114: {  	v2 =	vld [tilespmem:$0x14790];
	_ =	sdelay $0x7  }
0x115: {  	[tilespmem:v2+s19+$0x0] =	vst.idx.add.f32.msk $0xffff, v1  }
0x116: {  	v2 =	vld [tilespmem:$0x147A0];
	_ =	sdelay $0x7  }
0x117: {  	[tilespmem:v2+s19+$0x0] =	vst.idx.add.f32.msk $0xffff, v1  }
0x118: {  	v2 =	vld [tilespmem:$0x147B0];
	_ =	sdelay $0x7  }
0x119: {  	[tilespmem:v2+s19+$0x0] =	vst.idx.add.f32.msk $0xffff, v1  }
0x11a: {  	v2 =	vld [tilespmem:$0x147C0];
	_ =	sdelay $0x7  }
0x11b: {  	[tilespmem:v2+s19+$0x0] =	vst.idx.add.f32.msk $0xffff, v1  }
0x11c: {  	v2 =	vld [tilespmem:$0x147D0];
	_ =	sdelay $0x7  }
0x11d: {  	[tilespmem:v2+s19+$0x0] =	vst.idx.add.f32.msk $0xffff, v1  }
0x11e: {  	v2 =	vld [tilespmem:$0x147E0];
	_ =	sdelay $0x7  }
0x11f: {  	[tilespmem:v2+s19+$0x0] =	vst.idx.add.f32.msk $0xffff, v1  }
0x120: {  	v2 =	vld [tilespmem:$0x147F0];
	_ =	sdelay $0x7  }
0x121: {  	[tilespmem:v2+s19+$0x0] =	vst.idx.add.f32.msk $0xffff, v1  }
0x122: {  	_ =	swait.ge [sflag:s17], $0x4000  }
0x123: {  	[sflag:s17] =	ssyncset.done $0x0  }
0x124: {  	[sflag:s17] =	ssyncadd.s32 $0xFFFFC000  }
0x125: {  	[tilespmem:s18], [sflag:$0x2] =	stream.indirect.gather [hbm4b:s1+s16], $0x80, s23, s16, $0xb8;
	[tilespmem:$0x1F800] =	vst v63  }
0x126: {  	_ = 	snop  }
0x127: {  	[spmem:s3] =	stream.indirect.scatter.add.f32 [tilespmem:s13], [sflag:$0x3], $0x80, s24, s16, $0xb8;
	[tilespmem:$0x1F800] =	vst v63  }
0x128: {  	_ =	swait.ge [sflag:s14], $0x4000  }
0x129: {  	[sflag:s14] =	ssyncset.done $0x0  }
0x12a: {  	[sflag:s14] =	ssyncadd.s32 $0xFFFFC000  }
0x12b: {  	v2 =	vld [tilespmem:$0x14880];
	_ =	sdelay $0x7  }
0x12c: {  	[tilespmem:v2+s19+$0x0] =	vst.idx.add.f32.msk $0xffff, v1  }
0x12d: {  	v2 =	vld [tilespmem:$0x14890];
	_ =	sdelay $0x7  }
0x12e: {  	[tilespmem:v2+s19+$0x0] =	vst.idx.add.f32.msk $0xffff, v1  }
0x12f: {  	v2 =	vld [tilespmem:$0x148A0];
	_ =	sdelay $0x7  }
0x130: {  	[tilespmem:v2+s19+$0x0] =	vst.idx.add.f32.msk $0xffff, v1  }
0x131: {  	v2 =	vld [tilespmem:$0x148B0];
	_ =	sdelay $0x7  }
0x132: {  	[tilespmem:v2+s19+$0x0] =	vst.idx.add.f32.msk $0xffff, v1  }
0x133: {  	v2 =	vld [tilespmem:$0x148C0];
	_ =	sdelay $0x7  }
0x134: {  	[tilespmem:v2+s19+$0x0] =	vst.idx.add.f32.msk $0xffff, v1  }
0x135: {  	v2 =	vld [tilespmem:$0x148D0];
	_ =	sdelay $0x7  }
0x136: {  	[tilespmem:v2+s19+$0x0] =	vst.idx.add.f32.msk $0xffff, v1  }
0x137: {  	v2 =	vld [tilespmem:$0x148E0];
	_ =	sdelay $0x7  }
0x138: {  	[tilespmem:v2+s19+$0x0] =	vst.idx.add.f32.msk $0xffff, v1  }
0x139: {  	v2 =	vld [tilespmem:$0x148F0];
	_ =	sdelay $0x7  }
0x13a: {  	[tilespmem:v2+s19+$0x0] =	vst.idx.add.f32.msk $0xffff, v1  }
0x13b: {  	_ =	swait.ge [sflag:s20], $0x4000  }
0x13c: {  	[sflag:s20] =	ssyncset.done $0x0  }
0x13d: {  	[sflag:s20] =	ssyncadd.s32 $0xFFFFC000  }
0x13e: {  	[tilespmem:s13], [sflag:$0x1] =	stream.indirect.gather [hbm4b:s1+s16], $0x80, s25, s16, $0xb8;
	[tilespmem:$0x1F800] =	vst v63  }
0x13f: {  	_ = 	snop  }
0x140: {  	[spmem:s3] =	stream.indirect.scatter.add.f32 [tilespmem:s18], [sflag:$0x3], $0x80, s26, s16, $0xb8;
	[tilespmem:$0x1F800] =	vst v63  }
0x141: {  	_ =	swait.ge [sflag:s14], $0x4000  }
0x142: {  	[sflag:s14] =	ssyncset.done $0x0  }
0x143: {  	[sflag:s14] =	ssyncadd.s32 $0xFFFFC000  }
0x144: {  	v2 =	vld [tilespmem:$0x14980];
	_ =	sdelay $0x7  }
0x145: {  	[tilespmem:v2+s19+$0x0] =	vst.idx.add.f32.msk $0xffff, v1  }
0x146: {  	v2 =	vld [tilespmem:$0x14990];
	_ =	sdelay $0x7  }
0x147: {  	[tilespmem:v2+s19+$0x0] =	vst.idx.add.f32.msk $0xffff, v1  }
0x148: {  	v2 =	vld [tilespmem:$0x149A0];
	_ =	sdelay $0x7  }
0x149: {  	[tilespmem:v2+s19+$0x0] =	vst.idx.add.f32.msk $0xffff, v1  }
0x14a: {  	v2 =	vld [tilespmem:$0x149B0];
	_ =	sdelay $0x7  }
0x14b: {  	[tilespmem:v2+s19+$0x0] =	vst.idx.add.f32.msk $0xffff, v1  }
0x14c: {  	v2 =	vld [tilespmem:$0x149C0];
	_ =	sdelay $0x7  }
0x14d: {  	[tilespmem:v2+s19+$0x0] =	vst.idx.add.f32.msk $0xffff, v1  }
0x14e: {  	v2 =	vld [tilespmem:$0x149D0];
	_ =	sdelay $0x7  }
0x14f: {  	[tilespmem:v2+s19+$0x0] =	vst.idx.add.f32.msk $0xffff, v1  }
0x150: {  	v2 =	vld [tilespmem:$0x149E0];
	_ =	sdelay $0x7  }
0x151: {  	[tilespmem:v2+s19+$0x0] =	vst.idx.add.f32.msk $0xffff, v1  }
0x152: {  	v2 =	vld [tilespmem:$0x149F0];
	_ =	sdelay $0x7  }
0x153: {  	[tilespmem:v2+s19+$0x0] =	vst.idx.add.f32.msk $0xffff, v1  }
0x154: {  	_ =	swait.ge [sflag:s17], $0x4000  }
0x155: {  	[sflag:s17] =	ssyncset.done $0x0  }
0x156: {  	[sflag:s17] =	ssyncadd.s32 $0xFFFFC000  }
0x157: {  	[tilespmem:s18], [sflag:$0x2] =	stream.indirect.gather [hbm4b:s1+s16], $0x80, s28, s16, $0xb8;
	[tilespmem:$0x1F800] =	vst v63  }
0x158: {  	_ = 	snop  }
0x159: {  	[spmem:s3] =	stream.indirect.scatter.add.f32 [tilespmem:s13], [sflag:$0x3], $0x80, s29, s16, $0xb8;
	[tilespmem:$0x1F800] =	vst v63  }
0x15a: {  	_ =	swait.ge [sflag:s14], $0x4000  }
0x15b: {  	[sflag:s14] =	ssyncset.done $0x0  }
0x15c: {  	[sflag:s14] =	ssyncadd.s32 $0xFFFFC000  }
0x15d: {  	v2 =	vld [tilespmem:$0x14A80];
	_ =	sdelay $0x7  }
0x15e: {  	[tilespmem:v2+s19+$0x0] =	vst.idx.add.f32.msk $0xffff, v1  }
0x15f: {  	v2 =	vld [tilespmem:$0x14A90];
	_ =	sdelay $0x7  }
0x160: {  	[tilespmem:v2+s19+$0x0] =	vst.idx.add.f32.msk $0xffff, v1  }
0x161: {  	v2 =	vld [tilespmem:$0x14AA0];
	_ =	sdelay $0x7  }
0x162: {  	[tilespmem:v2+s19+$0x0] =	vst.idx.add.f32.msk $0xffff, v1  }
0x163: {  	v2 =	vld [tilespmem:$0x14AB0];
	_ =	sdelay $0x7  }
0x164: {  	[tilespmem:v2+s19+$0x0] =	vst.idx.add.f32.msk $0xffff, v1  }
0x165: {  	v2 =	vld [tilespmem:$0x14AC0];
	_ =	sdelay $0x7  }
0x166: {  	[tilespmem:v2+s19+$0x0] =	vst.idx.add.f32.msk $0xffff, v1  }
0x167: {  	v2 =	vld [tilespmem:$0x14AD0];
	_ =	sdelay $0x7  }
0x168: {  	[tilespmem:v2+s19+$0x0] =	vst.idx.add.f32.msk $0xffff, v1  }
0x169: {  	v2 =	vld [tilespmem:$0x14AE0];
	_ =	sdelay $0x7  }
0x16a: {  	[tilespmem:v2+s19+$0x0] =	vst.idx.add.f32.msk $0xffff, v1  }
0x16b: {  	v2 =	vld [tilespmem:$0x14AF0];
	_ =	sdelay $0x7  }
0x16c: {  	[tilespmem:v2+s19+$0x0] =	vst.idx.add.f32.msk $0xffff, v1  }
0x16d: {  	_ =	swait.ge [sflag:s20], $0x4000  }
0x16e: {  	[sflag:s20] =	ssyncset.done $0x0  }
0x16f: {  	[sflag:s20] =	ssyncadd.s32 $0xFFFFC000  }
0x170: {  	[tilespmem:s13], [sflag:$0x1] =	stream.indirect.gather [hbm4b:s1+s16], $0x80, s30, s16, $0xb8;
	[tilespmem:$0x1F800] =	vst v63  }
0x171: {  	_ = 	snop  }
0x172: {  	[spmem:s3] =	stream.indirect.scatter.add.f32 [tilespmem:s18], [sflag:$0x3], $0x80, s31, s16, $0xb8;
	[tilespmem:$0x1F800] =	vst v63  }
0x173: {  	_ =	swait.ge [sflag:s14], $0x4000  }
0x174: {  	[sflag:s14] =	ssyncset.done $0x0  }
0x175: {  	[sflag:s14] =	ssyncadd.s32 $0xFFFFC000  }
0x176: {  	v2 =	vld [tilespmem:$0x14B80];
	_ =	sdelay $0x7  }
0x177: {  	[tilespmem:v2+s19+$0x0] =	vst.idx.add.f32.msk $0xffff, v1  }
0x178: {  	v2 =	vld [tilespmem:$0x14B90];
	_ =	sdelay $0x7  }
0x179: {  	[tilespmem:v2+s19+$0x0] =	vst.idx.add.f32.msk $0xffff, v1  }
0x17a: {  	v2 =	vld [tilespmem:$0x14BA0];
	_ =	sdelay $0x7  }
0x17b: {  	[tilespmem:v2+s19+$0x0] =	vst.idx.add.f32.msk $0xffff, v1  }
0x17c: {  	v2 =	vld [tilespmem:$0x14BB0];
	_ =	sdelay $0x7  }
0x17d: {  	[tilespmem:v2+s19+$0x0] =	vst.idx.add.f32.msk $0xffff, v1  }
0x17e: {  	v2 =	vld [tilespmem:$0x14BC0];
	_ =	sdelay $0x7  }
0x17f: {  	[tilespmem:v2+s19+$0x0] =	vst.idx.add.f32.msk $0xffff, v1  }
0x180: {  	v2 =	vld [tilespmem:$0x14BD0];
	_ =	sdelay $0x7  }
0x181: {  	[tilespmem:v2+s19+$0x0] =	vst.idx.add.f32.msk $0xffff, v1  }
0x182: {  	v2 =	vld [tilespmem:$0x14BE0];
	_ =	sdelay $0x7  }
0x183: {  	[tilespmem:v2+s19+$0x0] =	vst.idx.add.f32.msk $0xffff, v1  }
0x184: {  	v2 =	vld [tilespmem:$0x14BF0];
	_ =	sdelay $0x7  }
0x185: {  	[tilespmem:v2+s19+$0x0] =	vst.idx.add.f32.msk $0xffff, v1  }
0x186: {  	_ =	swait.ge [sflag:s17], $0x4000  }
0x187: {  	[sflag:s17] =	ssyncset.done $0x0  }
0x188: {  	[sflag:s17] =	ssyncadd.s32 $0xFFFFC000  }
0x189: {  	[tilespmem:s18], [sflag:$0x2] =	stream.indirect.gather [hbm4b:s1+s16], $0x80, s0, s16, $0xb8;
	[tilespmem:$0x1F800] =	vst v63  }
0x18a: {  	_ = 	snop  }
0x18b: {  	[spmem:s3] =	stream.indirect.scatter.add.f32 [tilespmem:s13], [sflag:$0x3], $0x80, s2, s16, $0xb8;
	[tilespmem:$0x1F800] =	vst v63  }
0x18c: {  	_ =	swait.ge [sflag:s14], $0x4000  }
0x18d: {  	[sflag:s14] =	ssyncset.done $0x0  }
0x18e: {  	[sflag:s14] =	ssyncadd.s32 $0xFFFFC000  }
0x18f: {  	v2 =	vld [tilespmem:$0x14C80];
	_ =	sdelay $0x7  }
0x190: {  	[tilespmem:v2+s19+$0x0] =	vst.idx.add.f32.msk $0xffff, v1  }
0x191: {  	v2 =	vld [tilespmem:$0x14C90];
	_ =	sdelay $0x7  }
0x192: {  	[tilespmem:v2+s19+$0x0] =	vst.idx.add.f32.msk $0xffff, v1  }
0x193: {  	v2 =	vld [tilespmem:$0x14CA0];
	_ =	sdelay $0x7  }
0x194: {  	[tilespmem:v2+s19+$0x0] =	vst.idx.add.f32.msk $0xffff, v1  }
0x195: {  	v2 =	vld [tilespmem:$0x14CB0];
	_ =	sdelay $0x7  }
0x196: {  	[tilespmem:v2+s19+$0x0] =	vst.idx.add.f32.msk $0xffff, v1  }
0x197: {  	v2 =	vld [tilespmem:$0x14CC0];
	_ =	sdelay $0x7  }
0x198: {  	[tilespmem:v2+s19+$0x0] =	vst.idx.add.f32.msk $0xffff, v1  }
0x199: {  	v2 =	vld [tilespmem:$0x14CD0];
	_ =	sdelay $0x7  }
0x19a: {  	[tilespmem:v2+s19+$0x0] =	vst.idx.add.f32.msk $0xffff, v1  }
0x19b: {  	v2 =	vld [tilespmem:$0x14CE0];
	_ =	sdelay $0x7  }
0x19c: {  	[tilespmem:v2+s19+$0x0] =	vst.idx.add.f32.msk $0xffff, v1  }
0x19d: {  	v2 =	vld [tilespmem:$0x14CF0];
	_ =	sdelay $0x7  }
0x19e: {  	[tilespmem:v2+s19+$0x0] =	vst.idx.add.f32.msk $0xffff, v1  }
0x19f: {  	_ =	swait.ge [sflag:s20], $0x4000  }
0x1a0: {  	[sflag:s20] =	ssyncset.done $0x0  }
0x1a1: {  	[sflag:s20] =	ssyncadd.s32 $0xFFFFC000  }
0x1a2: {  	[tilespmem:s13], [sflag:$0x1] =	stream.indirect.gather [hbm4b:s1+s16], $0x80, s6, s16, $0xb8;
	[tilespmem:$0x1F800] =	vst v63  }
0x1a3: {  	_ = 	snop  }
0x1a4: {  	[spmem:s3] =	stream.indirect.scatter.add.f32 [tilespmem:s18], [sflag:$0x3], $0x80, s7, s16, $0xb8;
	[tilespmem:$0x1F800] =	vst v63  }
0x1a5: {  	_ =	swait.ge [sflag:s14], $0x4000  }
0x1a6: {  	[sflag:s14] =	ssyncset.done $0x0  }
0x1a7: {  	[sflag:s14] =	ssyncadd.s32 $0xFFFFC000  }
0x1a8: {  	v2 =	vld [tilespmem:$0x14D80];
	_ =	sdelay $0x7  }
0x1a9: {  	[tilespmem:v2+s19+$0x0] =	vst.idx.add.f32.msk $0xffff, v1  }
0x1aa: {  	v2 =	vld [tilespmem:$0x14D90];
	_ =	sdelay $0x7  }
0x1ab: {  	[tilespmem:v2+s19+$0x0] =	vst.idx.add.f32.msk $0xffff, v1  }
0x1ac: {  	v2 =	vld [tilespmem:$0x14DA0];
	_ =	sdelay $0x7  }
0x1ad: {  	[tilespmem:v2+s19+$0x0] =	vst.idx.add.f32.msk $0xffff, v1  }
0x1ae: {  	v2 =	vld [tilespmem:$0x14DB0];
	_ =	sdelay $0x7  }
0x1af: {  	[tilespmem:v2+s19+$0x0] =	vst.idx.add.f32.msk $0xffff, v1  }
0x1b0: {  	v2 =	vld [tilespmem:$0x14DC0];
	_ =	sdelay $0x7  }
0x1b1: {  	[tilespmem:v2+s19+$0x0] =	vst.idx.add.f32.msk $0xffff, v1  }
0x1b2: {  	v2 =	vld [tilespmem:$0x14DD0];
	_ =	sdelay $0x7  }
0x1b3: {  	[tilespmem:v2+s19+$0x0] =	vst.idx.add.f32.msk $0xffff, v1  }
0x1b4: {  	v2 =	vld [tilespmem:$0x14DE0];
	_ =	sdelay $0x7  }
0x1b5: {  	[tilespmem:v2+s19+$0x0] =	vst.idx.add.f32.msk $0xffff, v1  }
0x1b6: {  	v2 =	vld [tilespmem:$0x14DF0];
	_ =	sdelay $0x7  }
0x1b7: {  	[tilespmem:v2+s19+$0x0] =	vst.idx.add.f32.msk $0xffff, v1  }
0x1b8: {  	_ =	swait.ge [sflag:s17], $0x4000  }
0x1b9: {  	[sflag:s17] =	ssyncset.done $0x0  }
0x1ba: {  	[sflag:s17] =	ssyncadd.s32 $0xFFFFC000  }
0x1bb: {  	[tilespmem:s18], [sflag:$0x2] =	stream.indirect.gather [hbm4b:s1+s16], $0x80, s8, s16, $0xb8;
	[tilespmem:$0x1F800] =	vst v63  }
0x1bc: {  	_ = 	snop  }
0x1bd: {  	[spmem:s3] =	stream.indirect.scatter.add.f32 [tilespmem:s13], [sflag:$0x3], $0x80, s9, s16, $0xb8;
	[tilespmem:$0x1F800] =	vst v63  }
0x1be: {  	_ =	swait.ge [sflag:s14], $0x4000  }
0x1bf: {  	[sflag:s14] =	ssyncset.done $0x0  }
0x1c0: {  	[sflag:s14] =	ssyncadd.s32 $0xFFFFC000  }
0x1c1: {  	v2 =	vld [tilespmem:$0x14E80];
	_ =	sdelay $0x7  }
0x1c2: {  	[tilespmem:v2+s19+$0x0] =	vst.idx.add.f32.msk $0xffff, v1  }
0x1c3: {  	v2 =	vld [tilespmem:$0x14E90];
	_ =	sdelay $0x7  }
0x1c4: {  	[tilespmem:v2+s19+$0x0] =	vst.idx.add.f32.msk $0xffff, v1  }
0x1c5: {  	v2 =	vld [tilespmem:$0x14EA0];
	_ =	sdelay $0x7  }
0x1c6: {  	[tilespmem:v2+s19+$0x0] =	vst.idx.add.f32.msk $0xffff, v1  }
0x1c7: {  	v2 =	vld [tilespmem:$0x14EB0];
	_ =	sdelay $0x7  }
0x1c8: {  	[tilespmem:v2+s19+$0x0] =	vst.idx.add.f32.msk $0xffff, v1  }
0x1c9: {  	v2 =	vld [tilespmem:$0x14EC0];
	_ =	sdelay $0x7  }
0x1ca: {  	[tilespmem:v2+s19+$0x0] =	vst.idx.add.f32.msk $0xffff, v1  }
0x1cb: {  	v2 =	vld [tilespmem:$0x14ED0];
	_ =	sdelay $0x7  }
0x1cc: {  	[tilespmem:v2+s19+$0x0] =	vst.idx.add.f32.msk $0xffff, v1  }
0x1cd: {  	v2 =	vld [tilespmem:$0x14EE0];
	_ =	sdelay $0x7  }
0x1ce: {  	[tilespmem:v2+s19+$0x0] =	vst.idx.add.f32.msk $0xffff, v1  }
0x1cf: {  	v2 =	vld [tilespmem:$0x14EF0];
	_ =	sdelay $0x7  }
0x1d0: {  	[tilespmem:v2+s19+$0x0] =	vst.idx.add.f32.msk $0xffff, v1  }
0x1d1: {  	_ =	swait.ge [sflag:s20], $0x4000  }
0x1d2: {  	[sflag:s20] =	ssyncset.done $0x0  }
0x1d3: {  	[sflag:s20] =	ssyncadd.s32 $0xFFFFC000  }
0x1d4: {  	[spmem:s3] =	stream.indirect.scatter.add.f32 [tilespmem:s18], [sflag:$0x3], $0x80, s10, s16, $0xb8;
	[tilespmem:$0x1F800] =	vst v63  }
0x1d5: {  	_ =	swait.ge [sflag:s14], $0x4000  }
0x1d6: {  	[sflag:s14] =	ssyncset.done $0x0  }
0x1d7: {  	[sflag:s14] =	ssyncadd.s32 $0xFFFFC000  }
0x1d8: {  	v2 =	vld [tilespmem:$0x14F80];
	_ =	sdelay $0x7  }
0x1d9: {  	[tilespmem:v2+s19+$0x0] =	vst.idx.add.f32.msk $0xffff, v1  }
0x1da: {  	v2 =	vld [tilespmem:$0x14F90];
	_ =	sdelay $0x7  }
0x1db: {  	[tilespmem:v2+s19+$0x0] =	vst.idx.add.f32.msk $0xffff, v1  }
0x1dc: {  	v2 =	vld [tilespmem:$0x14FA0];
	_ =	sdelay $0x7  }
0x1dd: {  	[tilespmem:v2+s19+$0x0] =	vst.idx.add.f32.msk $0xffff, v1  }
0x1de: {  	v2 =	vld [tilespmem:$0x14FB0];
	_ =	sdelay $0x7  }
0x1df: {  	[tilespmem:v2+s19+$0x0] =	vst.idx.add.f32.msk $0xffff, v1  }
0x1e0: {  	v2 =	vld [tilespmem:$0x14FC0];
	_ =	sdelay $0x7  }
0x1e1: {  	[tilespmem:v2+s19+$0x0] =	vst.idx.add.f32.msk $0xffff, v1  }
0x1e2: {  	v2 =	vld [tilespmem:$0x14FD0];
	_ =	sdelay $0x7  }
0x1e3: {  	[tilespmem:v2+s19+$0x0] =	vst.idx.add.f32.msk $0xffff, v1  }
0x1e4: {  	v2 =	vld [tilespmem:$0x14FE0];
	_ =	sdelay $0x7  }
0x1e5: {  	[tilespmem:v2+s19+$0x0] =	vst.idx.add.f32.msk $0xffff, v1  }
0x1e6: {  	v2 =	vld [tilespmem:$0x14FF0];
	_ =	sdelay $0x2  }
0x1e7: {  	p0 =	sne.s32 s12, $0x800  }
.Ltmp2:
0x1e8: {  	_ = 	snop;
	(pc) =	sbr.rel @p0 .LBB2_6-.Ltmp2, $2  }
0x1e9: {  	_ =	sdelay $0x2  }
0x1ea: {  	s12 =	sadd.s32 $0x200, s12;
	[tilespmem:v2+s19+$0x0] =	vst.idx.add.f32.msk $0xffff, v1  }
0x1eb: {  	s5 =	stileid.u32;
	[bflag:$0x0] =	sbarrier.arrive $0xFFFF  }
0x1ec: {  	s5 =	sshll.u32 s5, $0x6;
	s11 =	rddreg [dreg:$0x15]  }
0x1ed: {  	s12 =	rddreg [dreg:$0x1a];
	s5 =	sor.u32 $0x1C03, s5;
	s11 =	sshrl.u32 s11, $0x3  }
0x1ee: {  	[hbm:s12], [sflag:s5] =	dma.local [spmem:s11], $0x2800  }
0x1ef: {  	_ =	swait.ge [sflag:s14], $0x2800  }
0x1f0: {  	[sflag:s14] =	ssyncset.done $0x0  }
0x1f1: {  	s12 =	simm.s32 $0x400;
	s11 =	rddreg [dreg:$0x1b];
	[sflag:s14] =	ssyncadd.s32 $0xFFFFD800  }
0x1f2: {  	[hbm4b:s11+s16] =	stream.strided.scatter [tilespmem:s19], [sflag:$0x3], $0x2800, s12, s16, $0x38;
	[tilespmem:$0x1F800] =	vst v63  }
0x1f3: {  	_ =	swait.ge [sflag:s14], $0x2800  }
0x1f4: {  	s5 =	rddreg [dreg:$0x1d]  }
0x1f5: {  	s12 =	rddreg [dreg:$0x1c];
	s11 =	sadd.s32 $0x1, s5  }
0x1f6: {  	p0 =	sne.s32 s11, s12  }
.Ltmp3:
0x1f7: {  	_ = 	snop;
	(pc) =	sbr.rel @p0 .LBB2_1-.Ltmp3, $3  }
0x1f8: {  	_ =	sdelay $0x1  }
0x1f9: {  	[sflag:s14] =	ssyncset.done $0x0  }
0x1fa: {  	[sflag:s14] =	ssyncadd.s32 $0xFFFFD800  }
0x1fb: {  	_ =	sfence.sel $0x180000  }
0x1fc: {  	[bflag:$0x0] =	sbarrier.arrive $0xFFFF  }
0x1fd: {  	_ =	strace $0x90000047  }
0x1fe: {  	s0 =	stileid.u32;
	[bflag:$0x2] =	sbarrier.arrive $0xFFFF  }
0x1ff: {  	p0 =	sne.s32 s0, $0x0;
	s0 =	rddreg [dreg:$0x5]  }
0x200: {  	s0 =	sadd.s32 @!p0 $0x100000, s0  }
0x201: {  	[sflag:s0] =	ssyncadd.tile.s32 @!p0 $0x1;
	_ =	shalt  }
.Lfunc_end2:
_tile_overlayer_lowered:
.L_overlay_start_2:
0x202: {  	(tag) =	ssettag $0x2  }
0x203: {  	s0 =	rddreg [dreg:$0x0];
	s2 =	stileid.u32  }
0x204: {  	s1 =	rddreg [dreg:$0x1];
	p0 =	sne.s32 s2, $0x0  }
0x205: {  	s3 =	rddreg [dreg:$0x2];
	[bflag:$0x3] =	sbarrier.arrive $0xFFFF;
	s2 =	simm.s32 @!p0 $0x1C03  }
0x206: {  	[timem:s3], [sflag:s2] =	dma.local @!p0 [hbm:s0], s1  }
0x207: {  	s0 =	simm.s32 @!p0 $0x3  }
0x208: {  	_ =	swait.ge @!p0 [sflag:s0], s1  }
0x209: {  	s1 =	ssub.s32 @!p0 $0x0, s1;
	[sflag:s0] =	ssyncset.done @!p0 $0x0  }
0x20a: {  	[sflag:s0] =	ssyncadd.s32 @!p0 s1  }
0x20b: {  	[bflag:$0x3] =	sbarrier.arrive $0xFFFF  }
0x20c: {  	_ =	shalt  }

</sc_bundles>
